<compile_context>
chip_gen: v7x
topology: tpu7x:2x2x1
jax: 0.10.2.dev20260603
libtpu: 0.0.44.dev20260713+nightly
codegen_flags: <defaults>
</compile_context>

<pallas_src>
import functools

import jax
import jax.numpy as jnp
from jax import lax
from jax.experimental import pallas as pl
from jax.experimental.pallas import tpu as pltpu
from jax.experimental.pallas import tpu_sc as plsc

N_NODES = 10000
HIDDEN = 128
ANNOT = 16
TIMESTEPS = 2
N_EDGES = 320000

NC = 2
NS = 16
HALF = HIDDEN // NC
CHUNK = 128
NCHUNK = 160
RING = 4
EPT = CHUNK * NCHUNK
E_PAD = EPT * NS
ACC_ROWS = 10240
DEGW = 16
ROWS_PER_TILE = ACC_ROWS // NS


def _edge_agg_body(with_deg, *refs):
    if with_deg:
        (h2_hbm, srcl_hbm, srch_hbm, tgt_hbm, acc_out, deg_out,
         src_v, tgt_v, rows_v, ones_v, zdeg_v,
         acc_sh, deg_sh, *sems) = refs
    else:
        (h2_hbm, srcl_hbm, srch_hbm, tgt_hbm, acc_out,
         src_v, tgt_v, rows_v,
         acc_sh, *sems) = refs
    gsem = sems[:RING]
    ssem = sems[RING:]

    c = lax.axis_index("c")
    s = lax.axis_index("s")

    for ci, ref in enumerate((srcl_hbm, srch_hbm)):
        @pl.when(c == ci)
        def _(ref=ref):
            pltpu.sync_copy(ref.at[s], src_v)
    pltpu.sync_copy(tgt_hbm.at[s], tgt_v)

    z16 = jnp.zeros((16,), jnp.float32)
    one16 = jnp.ones((16,), jnp.float32)

    def fill_row(i, carry):
        for v in range(HALF // 16):
            rows_v[0, i, pl.ds(v * 16, 16)] = z16
        if with_deg:
            zdeg_v[i, pl.ds(0, 16)] = z16
            ones_v[i, pl.ds(0, 16)] = one16
        return carry

    lax.fori_loop(0, CHUNK, fill_row, 0)

    for b in range(ROWS_PER_TILE // CHUNK):
        base = s * ROWS_PER_TILE + b * CHUNK
        pltpu.sync_copy(rows_v.at[0], acc_sh.at[pl.ds(base, CHUNK)])
        if with_deg:
            pltpu.sync_copy(zdeg_v, deg_sh.at[pl.ds(base, CHUNK)])
    plsc.subcore_barrier()

    def fire_gather(j, a):
        pltpu.async_copy(h2_hbm.at[src_v.at[j]], rows_v.at[a], gsem[a])

    def wait_gather(j, a):
        pltpu.make_async_copy(h2_hbm.at[src_v.at[j]],
                              rows_v.at[a], gsem[a]).wait()

    def fire_scatter(j, a):
        pltpu.async_copy(rows_v.at[a], acc_sh.at[tgt_v.at[j]],
                         ssem[a], add=True)

        if with_deg:
            @pl.when(c == (a % NC))
            def _():
                pltpu.async_copy(ones_v, deg_sh.at[tgt_v.at[j]],
                                 ssem[a], add=True)

    def wait_scatter(j, a):
        pltpu.make_async_copy(rows_v.at[a], acc_sh.at[tgt_v.at[j]],
                              ssem[a]).wait()

        if with_deg:
            @pl.when(c == (a % NC))
            def _():
                pltpu.make_async_copy(ones_v, deg_sh.at[tgt_v.at[j]],
                                      ssem[a]).wait()

    for a in range(RING):
        fire_gather(a, a)

    def it_body(i, carry):
        j0 = RING * i
        for a in range(RING):
            j = j0 + a
            wait_gather(j, a)
            fire_scatter(j, a)

            @pl.when(j + RING < NCHUNK)
            def _(j=j, a=a):
                wait_scatter(j, a)
                fire_gather(j + RING, a)
        return carry

    lax.fori_loop(0, NCHUNK // RING, it_body, 0)
    for a in range(RING):
        wait_scatter(NCHUNK - RING + a, a)
    plsc.subcore_barrier()

    sl = pl.ds(s * ROWS_PER_TILE, ROWS_PER_TILE)
    pltpu.sync_copy(acc_sh.at[sl], acc_out.at[c, sl])

    if with_deg:
        pltpu.sync_copy(deg_sh.at[sl], deg_out.at[c, sl])


def _make_edge_agg(with_deg):
    out_type = [jax.ShapeDtypeStruct((NC, ACC_ROWS, HALF), jnp.float32)]
    scratch = [
        pltpu.VMEM((NCHUNK, CHUNK), jnp.int32),
        pltpu.VMEM((NCHUNK, CHUNK), jnp.int32),
        pltpu.VMEM((RING, CHUNK, HALF), jnp.float32),
    ]
    if with_deg:
        out_type.append(jax.ShapeDtypeStruct((NC, ACC_ROWS, DEGW), jnp.float32))
        scratch += [
            pltpu.VMEM((CHUNK, DEGW), jnp.float32),
            pltpu.VMEM((CHUNK, DEGW), jnp.float32),
        ]
    scratch.append(pltpu.VMEM_SHARED((ACC_ROWS, HALF), jnp.float32))
    if with_deg:
        scratch.append(pltpu.VMEM_SHARED((ACC_ROWS, DEGW), jnp.float32))
    scratch += [pltpu.SemaphoreType.DMA] * (2 * RING)
    return pl.kernel(
        functools.partial(_edge_agg_body, with_deg),
        out_type=tuple(out_type) if with_deg else out_type[0],
        mesh=plsc.VectorSubcoreMesh(core_axis_name="c", subcore_axis_name="s"),
        compiler_params=pltpu.CompilerParams(use_tc_tiling_on_sc=False),
        scratch_types=scratch,
    )


_edge_agg_deg = _make_edge_agg(True)
_edge_agg_nodeg = _make_edge_agg(False)


BLK = 2000


def _h0_body(x_ref, a_ref, wx_ref, wa_ref, b_ref, o_ref):
    o_ref[...] = (jnp.dot(x_ref[...], wx_ref[...], preferred_element_type=jnp.float32)
                  + jnp.dot(a_ref[...], wa_ref[...], preferred_element_type=jnp.float32)
                  + b_ref[...])


def _h0_call(x, annot, wx, wa, b):
    return pl.pallas_call(
        _h0_body,
        grid=(N_NODES // BLK,),
        in_specs=[
            pl.BlockSpec((BLK, HIDDEN), lambda i: (i, 0)),
            pl.BlockSpec((BLK, ANNOT), lambda i: (i, 0)),
            pl.BlockSpec((HIDDEN, HIDDEN), lambda i: (0, 0)),
            pl.BlockSpec((ANNOT, HIDDEN), lambda i: (0, 0)),
            pl.BlockSpec((1, HIDDEN), lambda i: (0, 0)),
        ],
        out_specs=pl.BlockSpec((BLK, HIDDEN), lambda i: (i, 0)),
        out_shape=jax.ShapeDtypeStruct((N_NODES, HIDDEN), jnp.float32),
    )(x, annot, wx, wa, b)


def _gru_body(acc_ref, dega_ref, h_ref, wme_ref, wmo_ref, bmsg_ref,
              wih_ref, bih_ref, whh_ref, bhh_ref, o_ref):
    deg = dega_ref[0, :, :1] + dega_ref[1, :, :1]
    q_even =(jnp.dot(acc_ref[0], wme_ref[0], preferred_element_type=jnp.float32)
              + jnp.dot(acc_ref[1], wme_ref[1], preferred_element_type=jnp.float32))
    q_odd = (jnp.dot(acc_ref[0], wmo_ref[0], preferred_element_type=jnp.float32)
             + jnp.dot(acc_ref[1], wmo_ref[1], preferred_element_type=jnp.float32))
    inc = (jnp.stack([q_even, q_odd], axis=1).reshape(BLK, HIDDEN)
           + deg * bmsg_ref[...])
    h = h_ref[...]
    gi = jnp.dot(inc, wih_ref[...], preferred_element_type=jnp.float32) + bih_ref[...]
    gh = jnp.dot(h, whh_ref[...], preferred_element_type=jnp.float32) + bhh_ref[...]
    r = jax.nn.sigmoid(gi[:, :HIDDEN] + gh[:, :HIDDEN])
    z = jax.nn.sigmoid(gi[:, HIDDEN:2 * HIDDEN] + gh[:, HIDDEN:2 * HIDDEN])
    n = jnp.tanh(gi[:, 2 * HIDDEN:] + r * gh[:, 2 * HIDDEN:])
    o_ref[...] = (1.0 - z) * n + z * h


def _gru_call(acc, dega, h, wme, wmo, bmsg, wih, bih, whh, bhh):
    return pl.pallas_call(
        _gru_body,
        grid=(N_NODES // BLK,),
        in_specs=[
            pl.BlockSpec((NC, BLK // 2, HIDDEN), lambda i: (0, i, 0)),
            pl.BlockSpec((NC, BLK, DEGW), lambda i: (0, i, 0)),
            pl.BlockSpec((BLK, HIDDEN), lambda i: (i, 0)),
            pl.BlockSpec((NC, HIDDEN, HIDDEN), lambda i: (0, 0, 0)),
            pl.BlockSpec((NC, HIDDEN, HIDDEN), lambda i: (0, 0, 0)),
            pl.BlockSpec((1, HIDDEN), lambda i: (0, 0)),
            pl.BlockSpec((HIDDEN, 3 * HIDDEN), lambda i: (0, 0)),
            pl.BlockSpec((1, 3 * HIDDEN), lambda i: (0, 0)),
            pl.BlockSpec((HIDDEN, 3 * HIDDEN), lambda i: (0, 0)),
            pl.BlockSpec((1, 3 * HIDDEN), lambda i: (0, 0)),
        ],
        out_specs=pl.BlockSpec((BLK, HIDDEN), lambda i: (i, 0)),
        out_shape=jax.ShapeDtypeStruct((N_NODES, HIDDEN), jnp.float32),
    )(acc, dega, h, wme, wmo, bmsg, wih, bih, whh, bhh)


def kernel(initial_node_representation, annotations, adjacency_lists,
           W_hidden, b_hidden, W_msg, b_msg, W_ih, b_ih, W_hh, b_hh):
    src = adjacency_lists[:, 0].astype(jnp.int32)
    tgt = adjacency_lists[:, 1].astype(jnp.int32)

    npad = E_PAD - N_EDGES
    ar = jnp.arange(npad, dtype=jnp.int32)
    pad_src = (ar * 37) % N_NODES
    pad_tgt = N_NODES + ar % (ACC_ROWS - N_NODES)
    src2 = 2 * jnp.concatenate([src, pad_src])
    srcl3 = src2.reshape(NS, NCHUNK, CHUNK)
    srch3 = (src2 + 1).reshape(NS, NCHUNK, CHUNK)
    tgt3 = jnp.concatenate([tgt, pad_tgt]).reshape(NS, NCHUNK, CHUNK)

    wx = W_hidden[:HIDDEN]
    wa = W_hidden[HIDDEN:]
    z64 = jnp.zeros((HALF, HIDDEN), jnp.float32)
    wme = jnp.stack([jnp.concatenate([W_msg[:HALF], z64]),
                     jnp.concatenate([W_msg[HALF:], z64])])
    wmo = jnp.stack([jnp.concatenate([z64, W_msg[:HALF]]),
                     jnp.concatenate([z64, W_msg[HALF:]])])
    bh2 = b_hidden.reshape(1, HIDDEN)
    bm2 = b_msg.reshape(1, HIDDEN)
    bih2 = b_ih.reshape(1, 3 * HIDDEN)
    bhh2 = b_hh.reshape(1, 3 * HIDDEN)

    h = _h0_call(initial_node_representation, annotations, wx, wa, bh2)
    dega = None
    for t in range(TIMESTEPS):
        h2 = h.reshape(2 * N_NODES, HALF)
        if t == 0:
            acc, dega = _edge_agg_deg(h2, srcl3, srch3, tgt3)
        else:
            acc = _edge_agg_nodeg(h2, srcl3, srch3, tgt3)
        acc2 = acc.reshape(NC, ACC_ROWS // 2, HIDDEN)
        h = _gru_call(acc2, dega, h, wme, wmo, bm2, W_ih, bih2, W_hh, bhh2)
    return h

# --- scband reference (transcript-rebuilt; emitter-appended) ---
"""Pipeline reference for scband-gated-graph-neural-network-8718783611244 (READ-ONLY COPY).

The authoritative reference and input builder live on the scoring server;
editing this copy changes nothing except your own understanding.
"""

import jax, jax.numpy as jnp
import numpy as np

N_NODES = 10000
N_EDGES = 320000
HIDDEN = 128
ANNOT = 16
TIMESTEPS = 2


def setup_inputs(seed: int = 0) -> dict:
    key = jax.random.key(seed)
    ks = jax.random.split(key, 12)
    x = jax.random.normal(ks[0], (N_NODES, HIDDEN), dtype=jnp.float32)
    annotations = jax.random.uniform(ks[1], (N_NODES, ANNOT), dtype=jnp.float32)
    adjacency_lists = jax.random.randint(ks[2], (N_EDGES, 2), 0, N_NODES, dtype=jnp.int64)
    s = 0.05
    W_hidden = jax.random.normal(ks[3], (HIDDEN + ANNOT, HIDDEN), dtype=jnp.float32) * s
    b_hidden = jax.random.normal(ks[4], (HIDDEN,), dtype=jnp.float32) * s
    W_msg = jax.random.normal(ks[5], (HIDDEN, HIDDEN), dtype=jnp.float32) * s
    b_msg = jax.random.normal(ks[6], (HIDDEN,), dtype=jnp.float32) * s
    W_ih = jax.random.normal(ks[7], (HIDDEN, 3 * HIDDEN), dtype=jnp.float32) * s
    b_ih = jax.random.normal(ks[8], (3 * HIDDEN,), dtype=jnp.float32) * s
    W_hh = jax.random.normal(ks[9], (HIDDEN, 3 * HIDDEN), dtype=jnp.float32) * s
    b_hh = jax.random.normal(ks[10], (3 * HIDDEN,), dtype=jnp.float32) * s
    return {
        "initial_node_representation": x,
        "annotations": annotations,
        "adjacency_lists": adjacency_lists,
        "W_hidden": W_hidden, "b_hidden": b_hidden,
        "W_msg": W_msg, "b_msg": b_msg,
        "W_ih": W_ih, "b_ih": b_ih,
        "W_hh": W_hh, "b_hh": b_hh,
    }


def _gru_cell(inp, h, W_ih, b_ih, W_hh, b_hh):
    gi = inp @ W_ih + b_ih
    gh = h @ W_hh + b_hh
    i_r, i_z, i_n = jnp.split(gi, 3, axis=1)
    h_r, h_z, h_n = jnp.split(gh, 3, axis=1)
    r = jax.nn.sigmoid(i_r + h_r)
    z = jax.nn.sigmoid(i_z + h_z)
    n = jnp.tanh(i_n + r * h_n)
    return (1.0 - z) * n + z * h


def reference(initial_node_representation, annotations, adjacency_lists,
              W_hidden, b_hidden, W_msg, b_msg, W_ih, b_ih, W_hh, b_hh):
    # faithful GGNN forward: 1 edge type, layer_timesteps=[2], no residuals,
    # dropout p=0.0 (identity), nodelevel=True -> return last-layer node states
    src = adjacency_lists[:, 0]
    tgt = adjacency_lists[:, 1]
    h = jnp.concatenate([initial_node_representation, annotations], axis=1) @ W_hidden + b_hidden
    n_nodes = initial_node_representation.shape[0]
    hid = W_hidden.shape[1]
    for _t in range(TIMESTEPS):
        edge_source_states = h[src]                      # gather
        messages = edge_source_states @ W_msg + b_msg    # state->message linear
        incoming = jnp.zeros((n_nodes, hid), dtype=h.dtype).at[tgt].add(messages)  # scatter-add
        h = _gru_cell(incoming, h, W_ih, b_ih, W_hh, b_hh)
    return h

if __name__ == "__main__":
    import jax
    _d = setup_inputs()
    print(jax.jit(kernel)(*tuple(_d.values())))

</pallas_src>

<mosaic_0001>
#map = affine_map<(d0, d1) -> (0, 0)>
#map1 = affine_map<(d0, d1) -> (0, 0, 0)>
module attributes {stable_mosaic.version = 14 : i64} {
  func.func @_edge_agg_body(%arg0: i32, %arg1: i32, %arg2: memref<20000x64xf32, #tpu.memory_space<hbm>>, %arg3: memref<16x160x128xi32, #tpu.memory_space<hbm>>, %arg4: memref<16x160x128xi32, #tpu.memory_space<hbm>>, %arg5: memref<16x160x128xi32, #tpu.memory_space<hbm>>, %arg6: memref<2x10240x64xf32, #tpu.memory_space<hbm>>, %arg7: memref<2x10240x16xf32, #tpu.memory_space<hbm>>, %arg8: memref<160x128xi32, #tpu.memory_space<vmem>>, %arg9: memref<160x128xi32, #tpu.memory_space<vmem>>, %arg10: memref<4x128x64xf32, #tpu.memory_space<vmem>>, %arg11: memref<128x16xf32, #tpu.memory_space<vmem>>, %arg12: memref<128x16xf32, #tpu.memory_space<vmem>>, %arg13: memref<10240x64xf32, #tpu.memory_space<vmem_shared>>, %arg14: memref<10240x16xf32, #tpu.memory_space<vmem_shared>>, %arg15: memref<!tpu.dma_semaphore, #tpu.memory_space<semaphore_mem>>, %arg16: memref<!tpu.dma_semaphore, #tpu.memory_space<semaphore_mem>>, %arg17: memref<!tpu.dma_semaphore, #tpu.memory_space<semaphore_mem>>, %arg18: memref<!tpu.dma_semaphore, #tpu.memory_space<semaphore_mem>>, %arg19: memref<!tpu.dma_semaphore, #tpu.memory_space<semaphore_mem>>, %arg20: memref<!tpu.dma_semaphore, #tpu.memory_space<semaphore_mem>>, %arg21: memref<!tpu.dma_semaphore, #tpu.memory_space<semaphore_mem>>, %arg22: memref<!tpu.dma_semaphore, #tpu.memory_space<semaphore_mem>>) attributes {dimension_semantics = [#tpu.dimension_semantics<core_parallel>, #tpu.dimension_semantics<subcore_parallel>], iteration_bounds = array<i64: 2, 16>, scalar_prefetch = 0 : i64, scratch_operands = 15 : i64, tpu.core_type = #tpu.core_type<sc_vector_subcore>, window_params = [{transform_indices = #map}, {transform_indices = #map1}, {transform_indices = #map1}, {transform_indices = #map1}, {transform_indices = #map1}, {transform_indices = #map1}]} {
    %eq3A = arith.constant 0 : i32
    %eq3A_0 = arith.cmpi eq, %arg0, %eq3A : i32
    %convert_element_type3A = arith.extui %eq3A_0 : i1 to i32
    %cond3A = arith.constant 0 : i32
    %cond3A_1 = arith.cmpi ne, %convert_element_type3A, %cond3A : i32
    scf.if %cond3A_1 {
      "tpu.region"() ({
        %run_scoped3A_160 = tpu.sem_alloc : memref<!tpu.dma_semaphore, #tpu.memory_space<semaphore_mem>>
        %dma_start3A_161 = arith.constant 0 : i32
        %dma_start3A_162 = arith.constant 0 : i32
        %dma_start3A_163 = tpu.memref_slice %arg3[%arg1, %dma_start3A_161, %dma_start3A_162] : memref<16x160x128xi32, #tpu.memory_space<hbm>> -> memref<1x160x128xi32, #tpu.memory_space<hbm>>
        %dma_start3A_164 = tpu.memref_squeeze %dma_start3A_163 : memref<1x160x128xi32, #tpu.memory_space<hbm>> -> memref<160x128xi32, #tpu.memory_space<hbm>>
        %dma_start3A_165 = arith.constant 0 : i32
        %dma_start3A_166 = arith.constant 0 : i32
        %dma_start3A_167 = tpu.memref_slice %arg3[%arg1, %dma_start3A_165, %dma_start3A_166] : memref<16x160x128xi32, #tpu.memory_space<hbm>> -> memref<1x160x128xi32, #tpu.memory_space<hbm>>
        %dma_start3A_168 = tpu.memref_squeeze %dma_start3A_167 : memref<1x160x128xi32, #tpu.memory_space<hbm>> -> memref<160x128xi32, #tpu.memory_space<hbm>>
        tpu.enqueue_dma source(%dma_start3A_168 : memref<160x128xi32, #tpu.memory_space<hbm>>) target(%arg8 : memref<160x128xi32, #tpu.memory_space<vmem>>) target_semaphore(%run_scoped3A_160 : memref<!tpu.dma_semaphore, #tpu.memory_space<semaphore_mem>>)
        %dma_wait3A_169 = arith.constant 0 : i32
        %dma_wait3A_170 = arith.constant 0 : i32
        %dma_wait3A_171 = tpu.memref_slice %arg3[%arg1, %dma_wait3A_169, %dma_wait3A_170] : memref<16x160x128xi32, #tpu.memory_space<hbm>> -> memref<1x160x128xi32, #tpu.memory_space<hbm>>
        %dma_wait3A_172 = tpu.memref_squeeze %dma_wait3A_171 : memref<1x160x128xi32, #tpu.memory_space<hbm>> -> memref<160x128xi32, #tpu.memory_space<hbm>>
        %dma_wait3A_173 = arith.constant 0 : i32
        %dma_wait3A_174 = arith.constant 0 : i32
        %dma_wait3A_175 = tpu.memref_slice %arg3[%arg1, %dma_wait3A_173, %dma_wait3A_174] : memref<16x160x128xi32, #tpu.memory_space<hbm>> -> memref<1x160x128xi32, #tpu.memory_space<hbm>>
        %dma_wait3A_176 = tpu.memref_squeeze %dma_wait3A_175 : memref<1x160x128xi32, #tpu.memory_space<hbm>> -> memref<160x128xi32, #tpu.memory_space<hbm>>
        tpu.wait_dma2 semaphore(%run_scoped3A_160 : memref<!tpu.dma_semaphore, #tpu.memory_space<semaphore_mem>>) src(%dma_wait3A_176 : memref<160x128xi32, #tpu.memory_space<hbm>>) dst(%arg8 : memref<160x128xi32, #tpu.memory_space<vmem>>)
        tpu.yield
      }) : () -> ()
    } else {
    }
    %eq3A_2 = arith.constant 1 : i32
    %eq3A_3 = arith.cmpi eq, %arg0, %eq3A_2 : i32
    %convert_element_type3A_4 = arith.extui %eq3A_3 : i1 to i32
    %cond3A_5 = arith.constant 0 : i32
    %cond3A_6 = arith.cmpi ne, %convert_element_type3A_4, %cond3A_5 : i32
    scf.if %cond3A_6 {
      "tpu.region"() ({
        %run_scoped3A_160 = tpu.sem_alloc : memref<!tpu.dma_semaphore, #tpu.memory_space<semaphore_mem>>
        %dma_start3A_161 = arith.constant 0 : i32
        %dma_start3A_162 = arith.constant 0 : i32
        %dma_start3A_163 = tpu.memref_slice %arg4[%arg1, %dma_start3A_161, %dma_start3A_162] : memref<16x160x128xi32, #tpu.memory_space<hbm>> -> memref<1x160x128xi32, #tpu.memory_space<hbm>>
        %dma_start3A_164 = tpu.memref_squeeze %dma_start3A_163 : memref<1x160x128xi32, #tpu.memory_space<hbm>> -> memref<160x128xi32, #tpu.memory_space<hbm>>
        %dma_start3A_165 = arith.constant 0 : i32
        %dma_start3A_166 = arith.constant 0 : i32
        %dma_start3A_167 = tpu.memref_slice %arg4[%arg1, %dma_start3A_165, %dma_start3A_166] : memref<16x160x128xi32, #tpu.memory_space<hbm>> -> memref<1x160x128xi32, #tpu.memory_space<hbm>>
        %dma_start3A_168 = tpu.memref_squeeze %dma_start3A_167 : memref<1x160x128xi32, #tpu.memory_space<hbm>> -> memref<160x128xi32, #tpu.memory_space<hbm>>
        tpu.enqueue_dma source(%dma_start3A_168 : memref<160x128xi32, #tpu.memory_space<hbm>>) target(%arg8 : memref<160x128xi32, #tpu.memory_space<vmem>>) target_semaphore(%run_scoped3A_160 : memref<!tpu.dma_semaphore, #tpu.memory_space<semaphore_mem>>)
        %dma_wait3A_169 = arith.constant 0 : i32
        %dma_wait3A_170 = arith.constant 0 : i32
        %dma_wait3A_171 = tpu.memref_slice %arg4[%arg1, %dma_wait3A_169, %dma_wait3A_170] : memref<16x160x128xi32, #tpu.memory_space<hbm>> -> memref<1x160x128xi32, #tpu.memory_space<hbm>>
        %dma_wait3A_172 = tpu.memref_squeeze %dma_wait3A_171 : memref<1x160x128xi32, #tpu.memory_space<hbm>> -> memref<160x128xi32, #tpu.memory_space<hbm>>
        %dma_wait3A_173 = arith.constant 0 : i32
        %dma_wait3A_174 = arith.constant 0 : i32
        %dma_wait3A_175 = tpu.memref_slice %arg4[%arg1, %dma_wait3A_173, %dma_wait3A_174] : memref<16x160x128xi32, #tpu.memory_space<hbm>> -> memref<1x160x128xi32, #tpu.memory_space<hbm>>
        %dma_wait3A_176 = tpu.memref_squeeze %dma_wait3A_175 : memref<1x160x128xi32, #tpu.memory_space<hbm>> -> memref<160x128xi32, #tpu.memory_space<hbm>>
        tpu.wait_dma2 semaphore(%run_scoped3A_160 : memref<!tpu.dma_semaphore, #tpu.memory_space<semaphore_mem>>) src(%dma_wait3A_176 : memref<160x128xi32, #tpu.memory_space<hbm>>) dst(%arg8 : memref<160x128xi32, #tpu.memory_space<vmem>>)
        tpu.yield
      }) : () -> ()
    } else {
    }
    "tpu.region"() ({
      %run_scoped3A_160 = tpu.sem_alloc : memref<!tpu.dma_semaphore, #tpu.memory_space<semaphore_mem>>
      %dma_start3A_161 = arith.constant 0 : i32
      %dma_start3A_162 = arith.constant 0 : i32
      %dma_start3A_163 = tpu.memref_slice %arg5[%arg1, %dma_start3A_161, %dma_start3A_162] : memref<16x160x128xi32, #tpu.memory_space<hbm>> -> memref<1x160x128xi32, #tpu.memory_space<hbm>>
      %dma_start3A_164 = tpu.memref_squeeze %dma_start3A_163 : memref<1x160x128xi32, #tpu.memory_space<hbm>> -> memref<160x128xi32, #tpu.memory_space<hbm>>
      %dma_start3A_165 = arith.constant 0 : i32
      %dma_start3A_166 = arith.constant 0 : i32
      %dma_start3A_167 = tpu.memref_slice %arg5[%arg1, %dma_start3A_165, %dma_start3A_166] : memref<16x160x128xi32, #tpu.memory_space<hbm>> -> memref<1x160x128xi32, #tpu.memory_space<hbm>>
      %dma_start3A_168 = tpu.memref_squeeze %dma_start3A_167 : memref<1x160x128xi32, #tpu.memory_space<hbm>> -> memref<160x128xi32, #tpu.memory_space<hbm>>
      tpu.enqueue_dma source(%dma_start3A_168 : memref<160x128xi32, #tpu.memory_space<hbm>>) target(%arg9 : memref<160x128xi32, #tpu.memory_space<vmem>>) target_semaphore(%run_scoped3A_160 : memref<!tpu.dma_semaphore, #tpu.memory_space<semaphore_mem>>)
      %dma_wait3A_169 = arith.constant 0 : i32
      %dma_wait3A_170 = arith.constant 0 : i32
      %dma_wait3A_171 = tpu.memref_slice %arg5[%arg1, %dma_wait3A_169, %dma_wait3A_170] : memref<16x160x128xi32, #tpu.memory_space<hbm>> -> memref<1x160x128xi32, #tpu.memory_space<hbm>>
      %dma_wait3A_172 = tpu.memref_squeeze %dma_wait3A_171 : memref<1x160x128xi32, #tpu.memory_space<hbm>> -> memref<160x128xi32, #tpu.memory_space<hbm>>
      %dma_wait3A_173 = arith.constant 0 : i32
      %dma_wait3A_174 = arith.constant 0 : i32
      %dma_wait3A_175 = tpu.memref_slice %arg5[%arg1, %dma_wait3A_173, %dma_wait3A_174] : memref<16x160x128xi32, #tpu.memory_space<hbm>> -> memref<1x160x128xi32, #tpu.memory_space<hbm>>
      %dma_wait3A_176 = tpu.memref_squeeze %dma_wait3A_175 : memref<1x160x128xi32, #tpu.memory_space<hbm>> -> memref<160x128xi32, #tpu.memory_space<hbm>>
      tpu.wait_dma2 semaphore(%run_scoped3A_160 : memref<!tpu.dma_semaphore, #tpu.memory_space<semaphore_mem>>) src(%dma_wait3A_176 : memref<160x128xi32, #tpu.memory_space<hbm>>) dst(%arg9 : memref<160x128xi32, #tpu.memory_space<vmem>>)
      tpu.yield
    }) : () -> ()
    %broadcast_in_dim3A = arith.constant 0.000000e+00 : f32
    %broadcast_in_dim3A_7 = vector.broadcast %broadcast_in_dim3A : f32 to vector<16xf32>
    %broadcast_in_dim3A_8 = arith.constant 1.000000e+00 : f32
    %broadcast_in_dim3A_9 = vector.broadcast %broadcast_in_dim3A_8 : f32 to vector<16xf32>
    %scan3A = arith.constant 0 : i32
    %scan3A_10 = arith.constant 0 : i32
    %scan3A_11 = arith.constant 128 : i32
    %scan3A_12 = arith.addi %scan3A_10, %scan3A_11 : i32
    %scan3A_13 = arith.constant 1 : i32
    scf.for %scan3A_160 = %scan3A_10 to %scan3A_12 step %scan3A_13  : i32 {
      %swap3A = arith.constant 0 : i32
      %swap3A_161 = arith.index_cast %swap3A : i32 to index
      %swap3A_162 = arith.index_cast %scan3A_160 : i32 to index
      %swap3A_163 = arith.constant 0 : index
      %swap3A_164 = tpu.vector_load %arg10[%swap3A_161, %swap3A_162, %swap3A_163] {strides = array<i32>} : memref<4x128x64xf32, #tpu.memory_space<vmem>>, vector<1x1x16xf32>,
      %swap3A_165 = vector.shape_cast %swap3A_164 : vector<1x1x16xf32> to vector<16xf32>
      %swap3A_166 = vector.shape_cast %broadcast_in_dim3A_7 : vector<16xf32> to vector<1x1x16xf32>
      tpu.vector_store %arg10[%swap3A_161, %swap3A_162, %swap3A_163], %swap3A_166 {strides = array<i32>} : memref<4x128x64xf32, #tpu.memory_space<vmem>>, vector<1x1x16xf32>,
      %swap3A_167 = arith.constant 0 : i32
      %swap3A_168 = arith.index_cast %swap3A_167 : i32 to index
      %swap3A_169 = arith.index_cast %scan3A_160 : i32 to index
      %swap3A_170 = arith.constant 16 : index
      %swap3A_171 = tpu.vector_load %arg10[%swap3A_168, %swap3A_169, %swap3A_170] {strides = array<i32>} : memref<4x128x64xf32, #tpu.memory_space<vmem>>, vector<1x1x16xf32>,
      %swap3A_172 = vector.shape_cast %swap3A_171 : vector<1x1x16xf32> to vector<16xf32>
      %swap3A_173 = vector.shape_cast %broadcast_in_dim3A_7 : vector<16xf32> to vector<1x1x16xf32>
      tpu.vector_store %arg10[%swap3A_168, %swap3A_169, %swap3A_170], %swap3A_173 {strides = array<i32>} : memref<4x128x64xf32, #tpu.memory_space<vmem>>, vector<1x1x16xf32>,
      %swap3A_174 = arith.constant 0 : i32
      %swap3A_175 = arith.index_cast %swap3A_174 : i32 to index
      %swap3A_176 = arith.index_cast %scan3A_160 : i32 to index
      %swap3A_177 = arith.constant 32 : index
      %swap3A_178 = tpu.vector_load %arg10[%swap3A_175, %swap3A_176, %swap3A_177] {strides = array<i32>} : memref<4x128x64xf32, #tpu.memory_space<vmem>>, vector<1x1x16xf32>,
      %swap3A_179 = vector.shape_cast %swap3A_178 : vector<1x1x16xf32> to vector<16xf32>
      %swap3A_180 = vector.shape_cast %broadcast_in_dim3A_7 : vector<16xf32> to vector<1x1x16xf32>
      tpu.vector_store %arg10[%swap3A_175, %swap3A_176, %swap3A_177], %swap3A_180 {strides = array<i32>} : memref<4x128x64xf32, #tpu.memory_space<vmem>>, vector<1x1x16xf32>,
      %swap3A_181 = arith.constant 0 : i32
      %swap3A_182 = arith.index_cast %swap3A_181 : i32 to index
      %swap3A_183 = arith.index_cast %scan3A_160 : i32 to index
      %swap3A_184 = arith.constant 48 : index
      %swap3A_185 = tpu.vector_load %arg10[%swap3A_182, %swap3A_183, %swap3A_184] {strides = array<i32>} : memref<4x128x64xf32, #tpu.memory_space<vmem>>, vector<1x1x16xf32>,
      %swap3A_186 = vector.shape_cast %swap3A_185 : vector<1x1x16xf32> to vector<16xf32>
      %swap3A_187 = vector.shape_cast %broadcast_in_dim3A_7 : vector<16xf32> to vector<1x1x16xf32>
      tpu.vector_store %arg10[%swap3A_182, %swap3A_183, %swap3A_184], %swap3A_187 {strides = array<i32>} : memref<4x128x64xf32, #tpu.memory_space<vmem>>, vector<1x1x16xf32>,
      %swap3A_188 = arith.index_cast %scan3A_160 : i32 to index
      %swap3A_189 = arith.constant 0 : index
      %swap3A_190 = tpu.vector_load %arg12[%swap3A_188, %swap3A_189] {strides = array<i32>} : memref<128x16xf32, #tpu.memory_space<vmem>>, vector<1x16xf32>,
      %swap3A_191 = vector.shape_cast %swap3A_190 : vector<1x16xf32> to vector<16xf32>
      %swap3A_192 = vector.shape_cast %broadcast_in_dim3A_7 : vector<16xf32> to vector<1x16xf32>
      tpu.vector_store %arg12[%swap3A_188, %swap3A_189], %swap3A_192 {strides = array<i32>} : memref<128x16xf32, #tpu.memory_space<vmem>>, vector<1x16xf32>,
      %swap3A_193 = arith.index_cast %scan3A_160 : i32 to index
      %swap3A_194 = arith.constant 0 : index
      %swap3A_195 = tpu.vector_load %arg11[%swap3A_193, %swap3A_194] {strides = array<i32>} : memref<128x16xf32, #tpu.memory_space<vmem>>, vector<1x16xf32>,
      %swap3A_196 = vector.shape_cast %swap3A_195 : vector<1x16xf32> to vector<16xf32>
      %swap3A_197 = vector.shape_cast %broadcast_in_dim3A_9 : vector<16xf32> to vector<1x16xf32>
      tpu.vector_store %arg11[%swap3A_193, %swap3A_194], %swap3A_197 {strides = array<i32>} : memref<128x16xf32, #tpu.memory_space<vmem>>, vector<1x16xf32>,
    }
    %scan3A_14 = arith.constant 128 : i32
    %mul3A = arith.constant 640 : i32
    %mul3A_15 = arith.muli %arg1, %mul3A : i32
    %add3A = arith.constant 0 : i32
    %add3A_16 = arith.addi %mul3A_15, %add3A : i32
    %run_scoped3A = arith.constant 0 : i32
    "tpu.region"() ({
      %run_scoped3A_160 = tpu.sem_alloc : memref<!tpu.dma_semaphore, #tpu.memory_space<semaphore_mem>>
      %dma_start3A_161 = arith.constant 0 : i32
      %dma_start3A_162 = arith.constant 0 : i32
      %dma_start3A_163 = tpu.memref_slice %arg10[%run_scoped3A, %dma_start3A_161, %dma_start3A_162] : memref<4x128x64xf32, #tpu.memory_space<vmem>> -> memref<1x128x64xf32, #tpu.memory_space<vmem>>
      %dma_start3A_164 = tpu.memref_squeeze %dma_start3A_163 : memref<1x128x64xf32, #tpu.memory_space<vmem>> -> memref<128x64xf32, #tpu.memory_space<vmem>>
      %dma_start3A_165 = arith.constant 0 : i32
      %dma_start3A_166 = tpu.memref_slice %arg13[%add3A_16, %dma_start3A_165] : memref<10240x64xf32, #tpu.memory_space<vmem_shared>> -> memref<128x64xf32, #tpu.memory_space<vmem_shared>>
      %dma_start3A_167 = arith.constant 0 : i32
      %dma_start3A_168 = tpu.memref_slice %arg13[%add3A_16, %dma_start3A_167] : memref<10240x64xf32, #tpu.memory_space<vmem_shared>> -> memref<128x64xf32, #tpu.memory_space<vmem_shared>>
      %dma_start3A_169 = arith.constant 0 : i32
      %dma_start3A_170 = arith.constant 0 : i32
      %dma_start3A_171 = tpu.memref_slice %arg10[%run_scoped3A, %dma_start3A_169, %dma_start3A_170] : memref<4x128x64xf32, #tpu.memory_space<vmem>> -> memref<1x128x64xf32, #tpu.memory_space<vmem>>
      %dma_start3A_172 = tpu.memref_squeeze %dma_start3A_171 : memref<1x128x64xf32, #tpu.memory_space<vmem>> -> memref<128x64xf32, #tpu.memory_space<vmem>>
      tpu.enqueue_dma source(%dma_start3A_172 : memref<128x64xf32, #tpu.memory_space<vmem>>) target(%dma_start3A_168 : memref<128x64xf32, #tpu.memory_space<vmem_shared>>) target_semaphore(%run_scoped3A_160 : memref<!tpu.dma_semaphore, #tpu.memory_space<semaphore_mem>>)
      %dma_wait3A_173 = arith.constant 0 : i32
      %dma_wait3A_174 = arith.constant 0 : i32
      %dma_wait3A_175 = tpu.memref_slice %arg10[%run_scoped3A, %dma_wait3A_173, %dma_wait3A_174] : memref<4x128x64xf32, #tpu.memory_space<vmem>> -> memref<1x128x64xf32, #tpu.memory_space<vmem>>
      %dma_wait3A_176 = tpu.memref_squeeze %dma_wait3A_175 : memref<1x128x64xf32, #tpu.memory_space<vmem>> -> memref<128x64xf32, #tpu.memory_space<vmem>>
      %dma_wait3A_177 = arith.constant 0 : i32
      %dma_wait3A_178 = tpu.memref_slice %arg13[%add3A_16, %dma_wait3A_177] : memref<10240x64xf32, #tpu.memory_space<vmem_shared>> -> memref<128x64xf32, #tpu.memory_space<vmem_shared>>
      %dma_wait3A_179 = arith.constant 0 : i32
      %dma_wait3A_180 = tpu.memref_slice %arg13[%add3A_16, %dma_wait3A_179] : memref<10240x64xf32, #tpu.memory_space<vmem_shared>> -> memref<128x64xf32, #tpu.memory_space<vmem_shared>>
      %dma_wait3A_181 = arith.constant 0 : i32
      %dma_wait3A_182 = arith.constant 0 : i32
      %dma_wait3A_183 = tpu.memref_slice %arg10[%run_scoped3A, %dma_wait3A_181, %dma_wait3A_182] : memref<4x128x64xf32, #tpu.memory_space<vmem>> -> memref<1x128x64xf32, #tpu.memory_space<vmem>>
      %dma_wait3A_184 = tpu.memref_squeeze %dma_wait3A_183 : memref<1x128x64xf32, #tpu.memory_space<vmem>> -> memref<128x64xf32, #tpu.memory_space<vmem>>
      tpu.wait_dma2 semaphore(%run_scoped3A_160 : memref<!tpu.dma_semaphore, #tpu.memory_space<semaphore_mem>>) src(%dma_wait3A_184 : memref<128x64xf32, #tpu.memory_space<vmem>>) dst(%dma_wait3A_180 : memref<128x64xf32, #tpu.memory_space<vmem_shared>>)
      tpu.yield
    }) : () -> ()
    "tpu.region"() ({
      %run_scoped3A_160 = tpu.sem_alloc : memref<!tpu.dma_semaphore, #tpu.memory_space<semaphore_mem>>
      %dma_start3A_161 = arith.constant 0 : i32
      %dma_start3A_162 = tpu.memref_slice %arg14[%add3A_16, %dma_start3A_161] : memref<10240x16xf32, #tpu.memory_space<vmem_shared>> -> memref<128x16xf32, #tpu.memory_space<vmem_shared>>
      %dma_start3A_163 = arith.constant 0 : i32
      %dma_start3A_164 = tpu.memref_slice %arg14[%add3A_16, %dma_start3A_163] : memref<10240x16xf32, #tpu.memory_space<vmem_shared>> -> memref<128x16xf32, #tpu.memory_space<vmem_shared>>
      tpu.enqueue_dma source(%arg12 : memref<128x16xf32, #tpu.memory_space<vmem>>) target(%dma_start3A_164 : memref<128x16xf32, #tpu.memory_space<vmem_shared>>) target_semaphore(%run_scoped3A_160 : memref<!tpu.dma_semaphore, #tpu.memory_space<semaphore_mem>>)
      %dma_wait3A_165 = arith.constant 0 : i32
      %dma_wait3A_166 = tpu.memref_slice %arg14[%add3A_16, %dma_wait3A_165] : memref<10240x16xf32, #tpu.memory_space<vmem_shared>> -> memref<128x16xf32, #tpu.memory_space<vmem_shared>>
      %dma_wait3A_167 = arith.constant 0 : i32
      %dma_wait3A_168 = tpu.memref_slice %arg14[%add3A_16, %dma_wait3A_167] : memref<10240x16xf32, #tpu.memory_space<vmem_shared>> -> memref<128x16xf32, #tpu.memory_space<vmem_shared>>
      tpu.wait_dma2 semaphore(%run_scoped3A_160 : memref<!tpu.dma_semaphore, #tpu.memory_space<semaphore_mem>>) src(%arg12 : memref<128x16xf32, #tpu.memory_space<vmem>>) dst(%dma_wait3A_168 : memref<128x16xf32, #tpu.memory_space<vmem_shared>>)
      tpu.yield
    }) : () -> ()
    %mul3A_17 = arith.constant 640 : i32
    %mul3A_18 = arith.muli %arg1, %mul3A_17 : i32
    %add3A_19 = arith.constant 128 : i32
    %add3A_20 = arith.addi %mul3A_18, %add3A_19 : i32
    %run_scoped3A_21 = arith.constant 0 : i32
    "tpu.region"() ({
      %run_scoped3A_160 = tpu.sem_alloc : memref<!tpu.dma_semaphore, #tpu.memory_space<semaphore_mem>>
      %dma_start3A_161 = arith.constant 0 : i32
      %dma_start3A_162 = arith.constant 0 : i32
      %dma_start3A_163 = tpu.memref_slice %arg10[%run_scoped3A_21, %dma_start3A_161, %dma_start3A_162] : memref<4x128x64xf32, #tpu.memory_space<vmem>> -> memref<1x128x64xf32, #tpu.memory_space<vmem>>
      %dma_start3A_164 = tpu.memref_squeeze %dma_start3A_163 : memref<1x128x64xf32, #tpu.memory_space<vmem>> -> memref<128x64xf32, #tpu.memory_space<vmem>>
      %dma_start3A_165 = arith.constant 0 : i32
      %dma_start3A_166 = tpu.memref_slice %arg13[%add3A_20, %dma_start3A_165] : memref<10240x64xf32, #tpu.memory_space<vmem_shared>> -> memref<128x64xf32, #tpu.memory_space<vmem_shared>>
      %dma_start3A_167 = arith.constant 0 : i32
      %dma_start3A_168 = tpu.memref_slice %arg13[%add3A_20, %dma_start3A_167] : memref<10240x64xf32, #tpu.memory_space<vmem_shared>> -> memref<128x64xf32, #tpu.memory_space<vmem_shared>>
      %dma_start3A_169 = arith.constant 0 : i32
      %dma_start3A_170 = arith.constant 0 : i32
      %dma_start3A_171 = tpu.memref_slice %arg10[%run_scoped3A_21, %dma_start3A_169, %dma_start3A_170] : memref<4x128x64xf32, #tpu.memory_space<vmem>> -> memref<1x128x64xf32, #tpu.memory_space<vmem>>
      %dma_start3A_172 = tpu.memref_squeeze %dma_start3A_171 : memref<1x128x64xf32, #tpu.memory_space<vmem>> -> memref<128x64xf32, #tpu.memory_space<vmem>>
      tpu.enqueue_dma source(%dma_start3A_172 : memref<128x64xf32, #tpu.memory_space<vmem>>) target(%dma_start3A_168 : memref<128x64xf32, #tpu.memory_space<vmem_shared>>) target_semaphore(%run_scoped3A_160 : memref<!tpu.dma_semaphore, #tpu.memory_space<semaphore_mem>>)
      %dma_wait3A_173 = arith.constant 0 : i32
      %dma_wait3A_174 = arith.constant 0 : i32
      %dma_wait3A_175 = tpu.memref_slice %arg10[%run_scoped3A_21, %dma_wait3A_173, %dma_wait3A_174] : memref<4x128x64xf32, #tpu.memory_space<vmem>> -> memref<1x128x64xf32, #tpu.memory_space<vmem>>
      %dma_wait3A_176 = tpu.memref_squeeze %dma_wait3A_175 : memref<1x128x64xf32, #tpu.memory_space<vmem>> -> memref<128x64xf32, #tpu.memory_space<vmem>>
      %dma_wait3A_177 = arith.constant 0 : i32
      %dma_wait3A_178 = tpu.memref_slice %arg13[%add3A_20, %dma_wait3A_177] : memref<10240x64xf32, #tpu.memory_space<vmem_shared>> -> memref<128x64xf32, #tpu.memory_space<vmem_shared>>
      %dma_wait3A_179 = arith.constant 0 : i32
      %dma_wait3A_180 = tpu.memref_slice %arg13[%add3A_20, %dma_wait3A_179] : memref<10240x64xf32, #tpu.memory_space<vmem_shared>> -> memref<128x64xf32, #tpu.memory_space<vmem_shared>>
      %dma_wait3A_181 = arith.constant 0 : i32
      %dma_wait3A_182 = arith.constant 0 : i32
      %dma_wait3A_183 = tpu.memref_slice %arg10[%run_scoped3A_21, %dma_wait3A_181, %dma_wait3A_182] : memref<4x128x64xf32, #tpu.memory_space<vmem>> -> memref<1x128x64xf32, #tpu.memory_space<vmem>>
      %dma_wait3A_184 = tpu.memref_squeeze %dma_wait3A_183 : memref<1x128x64xf32, #tpu.memory_space<vmem>> -> memref<128x64xf32, #tpu.memory_space<vmem>>
      tpu.wait_dma2 semaphore(%run_scoped3A_160 : memref<!tpu.dma_semaphore, #tpu.memory_space<semaphore_mem>>) src(%dma_wait3A_184 : memref<128x64xf32, #tpu.memory_space<vmem>>) dst(%dma_wait3A_180 : memref<128x64xf32, #tpu.memory_space<vmem_shared>>)
      tpu.yield
    }) : () -> ()
    "tpu.region"() ({
      %run_scoped3A_160 = tpu.sem_alloc : memref<!tpu.dma_semaphore, #tpu.memory_space<semaphore_mem>>
      %dma_start3A_161 = arith.constant 0 : i32
      %dma_start3A_162 = tpu.memref_slice %arg14[%add3A_20, %dma_start3A_161] : memref<10240x16xf32, #tpu.memory_space<vmem_shared>> -> memref<128x16xf32, #tpu.memory_space<vmem_shared>>
      %dma_start3A_163 = arith.constant 0 : i32
      %dma_start3A_164 = tpu.memref_slice %arg14[%add3A_20, %dma_start3A_163] : memref<10240x16xf32, #tpu.memory_space<vmem_shared>> -> memref<128x16xf32, #tpu.memory_space<vmem_shared>>
      tpu.enqueue_dma source(%arg12 : memref<128x16xf32, #tpu.memory_space<vmem>>) target(%dma_start3A_164 : memref<128x16xf32, #tpu.memory_space<vmem_shared>>) target_semaphore(%run_scoped3A_160 : memref<!tpu.dma_semaphore, #tpu.memory_space<semaphore_mem>>)
      %dma_wait3A_165 = arith.constant 0 : i32
      %dma_wait3A_166 = tpu.memref_slice %arg14[%add3A_20, %dma_wait3A_165] : memref<10240x16xf32, #tpu.memory_space<vmem_shared>> -> memref<128x16xf32, #tpu.memory_space<vmem_shared>>
      %dma_wait3A_167 = arith.constant 0 : i32
      %dma_wait3A_168 = tpu.memref_slice %arg14[%add3A_20, %dma_wait3A_167] : memref<10240x16xf32, #tpu.memory_space<vmem_shared>> -> memref<128x16xf32, #tpu.memory_space<vmem_shared>>
      tpu.wait_dma2 semaphore(%run_scoped3A_160 : memref<!tpu.dma_semaphore, #tpu.memory_space<semaphore_mem>>) src(%arg12 : memref<128x16xf32, #tpu.memory_space<vmem>>) dst(%dma_wait3A_168 : memref<128x16xf32, #tpu.memory_space<vmem_shared>>)
      tpu.yield
    }) : () -> ()
    %mul3A_22 = arith.constant 640 : i32
    %mul3A_23 = arith.muli %arg1, %mul3A_22 : i32
    %add3A_24 = arith.constant 256 : i32
    %add3A_25 = arith.addi %mul3A_23, %add3A_24 : i32
    %run_scoped3A_26 = arith.constant 0 : i32
    "tpu.region"() ({
      %run_scoped3A_160 = tpu.sem_alloc : memref<!tpu.dma_semaphore, #tpu.memory_space<semaphore_mem>>
      %dma_start3A_161 = arith.constant 0 : i32
      %dma_start3A_162 = arith.constant 0 : i32
      %dma_start3A_163 = tpu.memref_slice %arg10[%run_scoped3A_26, %dma_start3A_161, %dma_start3A_162] : memref<4x128x64xf32, #tpu.memory_space<vmem>> -> memref<1x128x64xf32, #tpu.memory_space<vmem>>
      %dma_start3A_164 = tpu.memref_squeeze %dma_start3A_163 : memref<1x128x64xf32, #tpu.memory_space<vmem>> -> memref<128x64xf32, #tpu.memory_space<vmem>>
      %dma_start3A_165 = arith.constant 0 : i32
      %dma_start3A_166 = tpu.memref_slice %arg13[%add3A_25, %dma_start3A_165] : memref<10240x64xf32, #tpu.memory_space<vmem_shared>> -> memref<128x64xf32, #tpu.memory_space<vmem_shared>>
      %dma_start3A_167 = arith.constant 0 : i32
      %dma_start3A_168 = tpu.memref_slice %arg13[%add3A_25, %dma_start3A_167] : memref<10240x64xf32, #tpu.memory_space<vmem_shared>> -> memref<128x64xf32, #tpu.memory_space<vmem_shared>>
      %dma_start3A_169 = arith.constant 0 : i32
      %dma_start3A_170 = arith.constant 0 : i32
      %dma_start3A_171 = tpu.memref_slice %arg10[%run_scoped3A_26, %dma_start3A_169, %dma_start3A_170] : memref<4x128x64xf32, #tpu.memory_space<vmem>> -> memref<1x128x64xf32, #tpu.memory_space<vmem>>
      %dma_start3A_172 = tpu.memref_squeeze %dma_start3A_171 : memref<1x128x64xf32, #tpu.memory_space<vmem>> -> memref<128x64xf32, #tpu.memory_space<vmem>>
      tpu.enqueue_dma source(%dma_start3A_172 : memref<128x64xf32, #tpu.memory_space<vmem>>) target(%dma_start3A_168 : memref<128x64xf32, #tpu.memory_space<vmem_shared>>) target_semaphore(%run_scoped3A_160 : memref<!tpu.dma_semaphore, #tpu.memory_space<semaphore_mem>>)
      %dma_wait3A_173 = arith.constant 0 : i32
      %dma_wait3A_174 = arith.constant 0 : i32
      %dma_wait3A_175 = tpu.memref_slice %arg10[%run_scoped3A_26, %dma_wait3A_173, %dma_wait3A_174] : memref<4x128x64xf32, #tpu.memory_space<vmem>> -> memref<1x128x64xf32, #tpu.memory_space<vmem>>
      %dma_wait3A_176 = tpu.memref_squeeze %dma_wait3A_175 : memref<1x128x64xf32, #tpu.memory_space<vmem>> -> memref<128x64xf32, #tpu.memory_space<vmem>>
      %dma_wait3A_177 = arith.constant 0 : i32
      %dma_wait3A_178 = tpu.memref_slice %arg13[%add3A_25, %dma_wait3A_177] : memref<10240x64xf32, #tpu.memory_space<vmem_shared>> -> memref<128x64xf32, #tpu.memory_space<vmem_shared>>
      %dma_wait3A_179 = arith.constant 0 : i32
      %dma_wait3A_180 = tpu.memref_slice %arg13[%add3A_25, %dma_wait3A_179] : memref<10240x64xf32, #tpu.memory_space<vmem_shared>> -> memref<128x64xf32, #tpu.memory_space<vmem_shared>>
      %dma_wait3A_181 = arith.constant 0 : i32
      %dma_wait3A_182 = arith.constant 0 : i32
      %dma_wait3A_183 = tpu.memref_slice %arg10[%run_scoped3A_26, %dma_wait3A_181, %dma_wait3A_182] : memref<4x128x64xf32, #tpu.memory_space<vmem>> -> memref<1x128x64xf32, #tpu.memory_space<vmem>>
      %dma_wait3A_184 = tpu.memref_squeeze %dma_wait3A_183 : memref<1x128x64xf32, #tpu.memory_space<vmem>> -> memref<128x64xf32, #tpu.memory_space<vmem>>
      tpu.wait_dma2 semaphore(%run_scoped3A_160 : memref<!tpu.dma_semaphore, #tpu.memory_space<semaphore_mem>>) src(%dma_wait3A_184 : memref<128x64xf32, #tpu.memory_space<vmem>>) dst(%dma_wait3A_180 : memref<128x64xf32, #tpu.memory_space<vmem_shared>>)
      tpu.yield
    }) : () -> ()
    "tpu.region"() ({
      %run_scoped3A_160 = tpu.sem_alloc : memref<!tpu.dma_semaphore, #tpu.memory_space<semaphore_mem>>
      %dma_start3A_161 = arith.constant 0 : i32
      %dma_start3A_162 = tpu.memref_slice %arg14[%add3A_25, %dma_start3A_161] : memref<10240x16xf32, #tpu.memory_space<vmem_shared>> -> memref<128x16xf32, #tpu.memory_space<vmem_shared>>
      %dma_start3A_163 = arith.constant 0 : i32
      %dma_start3A_164 = tpu.memref_slice %arg14[%add3A_25, %dma_start3A_163] : memref<10240x16xf32, #tpu.memory_space<vmem_shared>> -> memref<128x16xf32, #tpu.memory_space<vmem_shared>>
      tpu.enqueue_dma source(%arg12 : memref<128x16xf32, #tpu.memory_space<vmem>>) target(%dma_start3A_164 : memref<128x16xf32, #tpu.memory_space<vmem_shared>>) target_semaphore(%run_scoped3A_160 : memref<!tpu.dma_semaphore, #tpu.memory_space<semaphore_mem>>)
      %dma_wait3A_165 = arith.constant 0 : i32
      %dma_wait3A_166 = tpu.memref_slice %arg14[%add3A_25, %dma_wait3A_165] : memref<10240x16xf32, #tpu.memory_space<vmem_shared>> -> memref<128x16xf32, #tpu.memory_space<vmem_shared>>
      %dma_wait3A_167 = arith.constant 0 : i32
      %dma_wait3A_168 = tpu.memref_slice %arg14[%add3A_25, %dma_wait3A_167] : memref<10240x16xf32, #tpu.memory_space<vmem_shared>> -> memref<128x16xf32, #tpu.memory_space<vmem_shared>>
      tpu.wait_dma2 semaphore(%run_scoped3A_160 : memref<!tpu.dma_semaphore, #tpu.memory_space<semaphore_mem>>) src(%arg12 : memref<128x16xf32, #tpu.memory_space<vmem>>) dst(%dma_wait3A_168 : memref<128x16xf32, #tpu.memory_space<vmem_shared>>)
      tpu.yield
    }) : () -> ()
    %mul3A_27 = arith.constant 640 : i32
    %mul3A_28 = arith.muli %arg1, %mul3A_27 : i32
    %add3A_29 = arith.constant 384 : i32
    %add3A_30 = arith.addi %mul3A_28, %add3A_29 : i32
    %run_scoped3A_31 = arith.constant 0 : i32
    "tpu.region"() ({
      %run_scoped3A_160 = tpu.sem_alloc : memref<!tpu.dma_semaphore, #tpu.memory_space<semaphore_mem>>
      %dma_start3A_161 = arith.constant 0 : i32
      %dma_start3A_162 = arith.constant 0 : i32
      %dma_start3A_163 = tpu.memref_slice %arg10[%run_scoped3A_31, %dma_start3A_161, %dma_start3A_162] : memref<4x128x64xf32, #tpu.memory_space<vmem>> -> memref<1x128x64xf32, #tpu.memory_space<vmem>>
      %dma_start3A_164 = tpu.memref_squeeze %dma_start3A_163 : memref<1x128x64xf32, #tpu.memory_space<vmem>> -> memref<128x64xf32, #tpu.memory_space<vmem>>
      %dma_start3A_165 = arith.constant 0 : i32
      %dma_start3A_166 = tpu.memref_slice %arg13[%add3A_30, %dma_start3A_165] : memref<10240x64xf32, #tpu.memory_space<vmem_shared>> -> memref<128x64xf32, #tpu.memory_space<vmem_shared>>
      %dma_start3A_167 = arith.constant 0 : i32
      %dma_start3A_168 = tpu.memref_slice %arg13[%add3A_30, %dma_start3A_167] : memref<10240x64xf32, #tpu.memory_space<vmem_shared>> -> memref<128x64xf32, #tpu.memory_space<vmem_shared>>
      %dma_start3A_169 = arith.constant 0 : i32
      %dma_start3A_170 = arith.constant 0 : i32
      %dma_start3A_171 = tpu.memref_slice %arg10[%run_scoped3A_31, %dma_start3A_169, %dma_start3A_170] : memref<4x128x64xf32, #tpu.memory_space<vmem>> -> memref<1x128x64xf32, #tpu.memory_space<vmem>>
      %dma_start3A_172 = tpu.memref_squeeze %dma_start3A_171 : memref<1x128x64xf32, #tpu.memory_space<vmem>> -> memref<128x64xf32, #tpu.memory_space<vmem>>
      tpu.enqueue_dma source(%dma_start3A_172 : memref<128x64xf32, #tpu.memory_space<vmem>>) target(%dma_start3A_168 : memref<128x64xf32, #tpu.memory_space<vmem_shared>>) target_semaphore(%run_scoped3A_160 : memref<!tpu.dma_semaphore, #tpu.memory_space<semaphore_mem>>)
      %dma_wait3A_173 = arith.constant 0 : i32
      %dma_wait3A_174 = arith.constant 0 : i32
      %dma_wait3A_175 = tpu.memref_slice %arg10[%run_scoped3A_31, %dma_wait3A_173, %dma_wait3A_174] : memref<4x128x64xf32, #tpu.memory_space<vmem>> -> memref<1x128x64xf32, #tpu.memory_space<vmem>>
      %dma_wait3A_176 = tpu.memref_squeeze %dma_wait3A_175 : memref<1x128x64xf32, #tpu.memory_space<vmem>> -> memref<128x64xf32, #tpu.memory_space<vmem>>
      %dma_wait3A_177 = arith.constant 0 : i32
      %dma_wait3A_178 = tpu.memref_slice %arg13[%add3A_30, %dma_wait3A_177] : memref<10240x64xf32, #tpu.memory_space<vmem_shared>> -> memref<128x64xf32, #tpu.memory_space<vmem_shared>>
      %dma_wait3A_179 = arith.constant 0 : i32
      %dma_wait3A_180 = tpu.memref_slice %arg13[%add3A_30, %dma_wait3A_179] : memref<10240x64xf32, #tpu.memory_space<vmem_shared>> -> memref<128x64xf32, #tpu.memory_space<vmem_shared>>
      %dma_wait3A_181 = arith.constant 0 : i32
      %dma_wait3A_182 = arith.constant 0 : i32
      %dma_wait3A_183 = tpu.memref_slice %arg10[%run_scoped3A_31, %dma_wait3A_181, %dma_wait3A_182] : memref<4x128x64xf32, #tpu.memory_space<vmem>> -> memref<1x128x64xf32, #tpu.memory_space<vmem>>
      %dma_wait3A_184 = tpu.memref_squeeze %dma_wait3A_183 : memref<1x128x64xf32, #tpu.memory_space<vmem>> -> memref<128x64xf32, #tpu.memory_space<vmem>>
      tpu.wait_dma2 semaphore(%run_scoped3A_160 : memref<!tpu.dma_semaphore, #tpu.memory_space<semaphore_mem>>) src(%dma_wait3A_184 : memref<128x64xf32, #tpu.memory_space<vmem>>) dst(%dma_wait3A_180 : memref<128x64xf32, #tpu.memory_space<vmem_shared>>)
      tpu.yield
    }) : () -> ()
    "tpu.region"() ({
      %run_scoped3A_160 = tpu.sem_alloc : memref<!tpu.dma_semaphore, #tpu.memory_space<semaphore_mem>>
      %dma_start3A_161 = arith.constant 0 : i32
      %dma_start3A_162 = tpu.memref_slice %arg14[%add3A_30, %dma_start3A_161] : memref<10240x16xf32, #tpu.memory_space<vmem_shared>> -> memref<128x16xf32, #tpu.memory_space<vmem_shared>>
      %dma_start3A_163 = arith.constant 0 : i32
      %dma_start3A_164 = tpu.memref_slice %arg14[%add3A_30, %dma_start3A_163] : memref<10240x16xf32, #tpu.memory_space<vmem_shared>> -> memref<128x16xf32, #tpu.memory_space<vmem_shared>>
      tpu.enqueue_dma source(%arg12 : memref<128x16xf32, #tpu.memory_space<vmem>>) target(%dma_start3A_164 : memref<128x16xf32, #tpu.memory_space<vmem_shared>>) target_semaphore(%run_scoped3A_160 : memref<!tpu.dma_semaphore, #tpu.memory_space<semaphore_mem>>)
      %dma_wait3A_165 = arith.constant 0 : i32
      %dma_wait3A_166 = tpu.memref_slice %arg14[%add3A_30, %dma_wait3A_165] : memref<10240x16xf32, #tpu.memory_space<vmem_shared>> -> memref<128x16xf32, #tpu.memory_space<vmem_shared>>
      %dma_wait3A_167 = arith.constant 0 : i32
      %dma_wait3A_168 = tpu.memref_slice %arg14[%add3A_30, %dma_wait3A_167] : memref<10240x16xf32, #tpu.memory_space<vmem_shared>> -> memref<128x16xf32, #tpu.memory_space<vmem_shared>>
      tpu.wait_dma2 semaphore(%run_scoped3A_160 : memref<!tpu.dma_semaphore, #tpu.memory_space<semaphore_mem>>) src(%arg12 : memref<128x16xf32, #tpu.memory_space<vmem>>) dst(%dma_wait3A_168 : memref<128x16xf32, #tpu.memory_space<vmem_shared>>)
      tpu.yield
    }) : () -> ()
    %mul3A_32 = arith.constant 640 : i32
    %mul3A_33 = arith.muli %arg1, %mul3A_32 : i32
    %add3A_34 = arith.constant 512 : i32
    %add3A_35 = arith.addi %mul3A_33, %add3A_34 : i32
    %run_scoped3A_36 = arith.constant 0 : i32
    "tpu.region"() ({
      %run_scoped3A_160 = tpu.sem_alloc : memref<!tpu.dma_semaphore, #tpu.memory_space<semaphore_mem>>
      %dma_start3A_161 = arith.constant 0 : i32
      %dma_start3A_162 = arith.constant 0 : i32
      %dma_start3A_163 = tpu.memref_slice %arg10[%run_scoped3A_36, %dma_start3A_161, %dma_start3A_162] : memref<4x128x64xf32, #tpu.memory_space<vmem>> -> memref<1x128x64xf32, #tpu.memory_space<vmem>>
      %dma_start3A_164 = tpu.memref_squeeze %dma_start3A_163 : memref<1x128x64xf32, #tpu.memory_space<vmem>> -> memref<128x64xf32, #tpu.memory_space<vmem>>
      %dma_start3A_165 = arith.constant 0 : i32
      %dma_start3A_166 = tpu.memref_slice %arg13[%add3A_35, %dma_start3A_165] : memref<10240x64xf32, #tpu.memory_space<vmem_shared>> -> memref<128x64xf32, #tpu.memory_space<vmem_shared>>
      %dma_start3A_167 = arith.constant 0 : i32
      %dma_start3A_168 = tpu.memref_slice %arg13[%add3A_35, %dma_start3A_167] : memref<10240x64xf32, #tpu.memory_space<vmem_shared>> -> memref<128x64xf32, #tpu.memory_space<vmem_shared>>
      %dma_start3A_169 = arith.constant 0 : i32
      %dma_start3A_170 = arith.constant 0 : i32
      %dma_start3A_171 = tpu.memref_slice %arg10[%run_scoped3A_36, %dma_start3A_169, %dma_start3A_170] : memref<4x128x64xf32, #tpu.memory_space<vmem>> -> memref<1x128x64xf32, #tpu.memory_space<vmem>>
      %dma_start3A_172 = tpu.memref_squeeze %dma_start3A_171 : memref<1x128x64xf32, #tpu.memory_space<vmem>> -> memref<128x64xf32, #tpu.memory_space<vmem>>
      tpu.enqueue_dma source(%dma_start3A_172 : memref<128x64xf32, #tpu.memory_space<vmem>>) target(%dma_start3A_168 : memref<128x64xf32, #tpu.memory_space<vmem_shared>>) target_semaphore(%run_scoped3A_160 : memref<!tpu.dma_semaphore, #tpu.memory_space<semaphore_mem>>)
      %dma_wait3A_173 = arith.constant 0 : i32
      %dma_wait3A_174 = arith.constant 0 : i32
      %dma_wait3A_175 = tpu.memref_slice %arg10[%run_scoped3A_36, %dma_wait3A_173, %dma_wait3A_174] : memref<4x128x64xf32, #tpu.memory_space<vmem>> -> memref<1x128x64xf32, #tpu.memory_space<vmem>>
      %dma_wait3A_176 = tpu.memref_squeeze %dma_wait3A_175 : memref<1x128x64xf32, #tpu.memory_space<vmem>> -> memref<128x64xf32, #tpu.memory_space<vmem>>
      %dma_wait3A_177 = arith.constant 0 : i32
      %dma_wait3A_178 = tpu.memref_slice %arg13[%add3A_35, %dma_wait3A_177] : memref<10240x64xf32, #tpu.memory_space<vmem_shared>> -> memref<128x64xf32, #tpu.memory_space<vmem_shared>>
      %dma_wait3A_179 = arith.constant 0 : i32
      %dma_wait3A_180 = tpu.memref_slice %arg13[%add3A_35, %dma_wait3A_179] : memref<10240x64xf32, #tpu.memory_space<vmem_shared>> -> memref<128x64xf32, #tpu.memory_space<vmem_shared>>
      %dma_wait3A_181 = arith.constant 0 : i32
      %dma_wait3A_182 = arith.constant 0 : i32
      %dma_wait3A_183 = tpu.memref_slice %arg10[%run_scoped3A_36, %dma_wait3A_181, %dma_wait3A_182] : memref<4x128x64xf32, #tpu.memory_space<vmem>> -> memref<1x128x64xf32, #tpu.memory_space<vmem>>
      %dma_wait3A_184 = tpu.memref_squeeze %dma_wait3A_183 : memref<1x128x64xf32, #tpu.memory_space<vmem>> -> memref<128x64xf32, #tpu.memory_space<vmem>>
      tpu.wait_dma2 semaphore(%run_scoped3A_160 : memref<!tpu.dma_semaphore, #tpu.memory_space<semaphore_mem>>) src(%dma_wait3A_184 : memref<128x64xf32, #tpu.memory_space<vmem>>) dst(%dma_wait3A_180 : memref<128x64xf32, #tpu.memory_space<vmem_shared>>)
      tpu.yield
    }) : () -> ()
    "tpu.region"() ({
      %run_scoped3A_160 = tpu.sem_alloc : memref<!tpu.dma_semaphore, #tpu.memory_space<semaphore_mem>>
      %dma_start3A_161 = arith.constant 0 : i32
      %dma_start3A_162 = tpu.memref_slice %arg14[%add3A_35, %dma_start3A_161] : memref<10240x16xf32, #tpu.memory_space<vmem_shared>> -> memref<128x16xf32, #tpu.memory_space<vmem_shared>>
      %dma_start3A_163 = arith.constant 0 : i32
      %dma_start3A_164 = tpu.memref_slice %arg14[%add3A_35, %dma_start3A_163] : memref<10240x16xf32, #tpu.memory_space<vmem_shared>> -> memref<128x16xf32, #tpu.memory_space<vmem_shared>>
      tpu.enqueue_dma source(%arg12 : memref<128x16xf32, #tpu.memory_space<vmem>>) target(%dma_start3A_164 : memref<128x16xf32, #tpu.memory_space<vmem_shared>>) target_semaphore(%run_scoped3A_160 : memref<!tpu.dma_semaphore, #tpu.memory_space<semaphore_mem>>)
      %dma_wait3A_165 = arith.constant 0 : i32
      %dma_wait3A_166 = tpu.memref_slice %arg14[%add3A_35, %dma_wait3A_165] : memref<10240x16xf32, #tpu.memory_space<vmem_shared>> -> memref<128x16xf32, #tpu.memory_space<vmem_shared>>
      %dma_wait3A_167 = arith.constant 0 : i32
      %dma_wait3A_168 = tpu.memref_slice %arg14[%add3A_35, %dma_wait3A_167] : memref<10240x16xf32, #tpu.memory_space<vmem_shared>> -> memref<128x16xf32, #tpu.memory_space<vmem_shared>>
      tpu.wait_dma2 semaphore(%run_scoped3A_160 : memref<!tpu.dma_semaphore, #tpu.memory_space<semaphore_mem>>) src(%arg12 : memref<128x16xf32, #tpu.memory_space<vmem>>) dst(%dma_wait3A_168 : memref<128x16xf32, #tpu.memory_space<vmem_shared>>)
      tpu.yield
    }) : () -> ()
    %barrier3A = arith.constant 0 : index
    tpu.barrier barrier_id(%barrier3A)
    %dma_start3A = arith.constant 0 : i32
    %dma_start3A_37 = arith.constant 0 : i32
    %dma_start3A_38 = arith.constant 0 : i32
    %dma_start3A_39 = arith.constant 0 : i32
    %dma_start3A_40 = tpu.memref_slice %arg10[%dma_start3A_37, %dma_start3A_38, %dma_start3A_39] : memref<4x128x64xf32, #tpu.memory_space<vmem>> -> memref<1x128x64xf32, #tpu.memory_space<vmem>>
    %dma_start3A_41 = tpu.memref_squeeze %dma_start3A_40 : memref<1x128x64xf32, #tpu.memory_space<vmem>> -> memref<128x64xf32, #tpu.memory_space<vmem>>
    %dma_start3A_42 = arith.constant 0 : i32
    %dma_start3A_43 = tpu.memref_slice %arg8[%dma_start3A, %dma_start3A_42] : memref<160x128xi32, #tpu.memory_space<vmem>> -> memref<1x128xi32, #tpu.memory_space<vmem>>
    %dma_start3A_44 = tpu.memref_squeeze %dma_start3A_43 : memref<1x128xi32, #tpu.memory_space<vmem>> -> memref<128xi32, #tpu.memory_space<vmem>>
    %dma_start3A_45 = arith.constant 0 : i32
    %dma_start3A_46 = arith.constant 0 : i32
    %dma_start3A_47 = tpu.memref_slice %arg2[%dma_start3A_45, %dma_start3A_46] : memref<20000x64xf32, #tpu.memory_space<hbm>> -> memref<20000x64xf32, #tpu.memory_space<hbm>>
    tpu.enqueue_indirect_dma source(%dma_start3A_47 : memref<20000x64xf32, #tpu.memory_space<hbm>>) target(%dma_start3A_41 : memref<128x64xf32, #tpu.memory_space<vmem>>) offsets(%dma_start3A_44 : memref<128xi32, #tpu.memory_space<vmem>>) semaphore(%arg15 : memref<!tpu.dma_semaphore, #tpu.memory_space<semaphore_mem>>)
    %dma_start3A_48 = arith.constant 1 : i32
    %dma_start3A_49 = arith.constant 1 : i32
    %dma_start3A_50 = arith.constant 0 : i32
    %dma_start3A_51 = arith.constant 0 : i32
    %dma_start3A_52 = tpu.memref_slice %arg10[%dma_start3A_49, %dma_start3A_50, %dma_start3A_51] : memref<4x128x64xf32, #tpu.memory_space<vmem>> -> memref<1x128x64xf32, #tpu.memory_space<vmem>>
    %dma_start3A_53 = tpu.memref_squeeze %dma_start3A_52 : memref<1x128x64xf32, #tpu.memory_space<vmem>> -> memref<128x64xf32, #tpu.memory_space<vmem>>
    %dma_start3A_54 = arith.constant 0 : i32
    %dma_start3A_55 = tpu.memref_slice %arg8[%dma_start3A_48, %dma_start3A_54] : memref<160x128xi32, #tpu.memory_space<vmem>> -> memref<1x128xi32, #tpu.memory_space<vmem>>
    %dma_start3A_56 = tpu.memref_squeeze %dma_start3A_55 : memref<1x128xi32, #tpu.memory_space<vmem>> -> memref<128xi32, #tpu.memory_space<vmem>>
    %dma_start3A_57 = arith.constant 0 : i32
    %dma_start3A_58 = arith.constant 0 : i32
    %dma_start3A_59 = tpu.memref_slice %arg2[%dma_start3A_57, %dma_start3A_58] : memref<20000x64xf32, #tpu.memory_space<hbm>> -> memref<20000x64xf32, #tpu.memory_space<hbm>>
    tpu.enqueue_indirect_dma source(%dma_start3A_59 : memref<20000x64xf32, #tpu.memory_space<hbm>>) target(%dma_start3A_53 : memref<128x64xf32, #tpu.memory_space<vmem>>) offsets(%dma_start3A_56 : memref<128xi32, #tpu.memory_space<vmem>>) semaphore(%arg16 : memref<!tpu.dma_semaphore, #tpu.memory_space<semaphore_mem>>)
    %dma_start3A_60 = arith.constant 2 : i32
    %dma_start3A_61 = arith.constant 2 : i32
    %dma_start3A_62 = arith.constant 0 : i32
    %dma_start3A_63 = arith.constant 0 : i32
    %dma_start3A_64 = tpu.memref_slice %arg10[%dma_start3A_61, %dma_start3A_62, %dma_start3A_63] : memref<4x128x64xf32, #tpu.memory_space<vmem>> -> memref<1x128x64xf32, #tpu.memory_space<vmem>>
    %dma_start3A_65 = tpu.memref_squeeze %dma_start3A_64 : memref<1x128x64xf32, #tpu.memory_space<vmem>> -> memref<128x64xf32, #tpu.memory_space<vmem>>
    %dma_start3A_66 = arith.constant 0 : i32
    %dma_start3A_67 = tpu.memref_slice %arg8[%dma_start3A_60, %dma_start3A_66] : memref<160x128xi32, #tpu.memory_space<vmem>> -> memref<1x128xi32, #tpu.memory_space<vmem>>
    %dma_start3A_68 = tpu.memref_squeeze %dma_start3A_67 : memref<1x128xi32, #tpu.memory_space<vmem>> -> memref<128xi32, #tpu.memory_space<vmem>>
    %dma_start3A_69 = arith.constant 0 : i32
    %dma_start3A_70 = arith.constant 0 : i32
    %dma_start3A_71 = tpu.memref_slice %arg2[%dma_start3A_69, %dma_start3A_70] : memref<20000x64xf32, #tpu.memory_space<hbm>> -> memref<20000x64xf32, #tpu.memory_space<hbm>>
    tpu.enqueue_indirect_dma source(%dma_start3A_71 : memref<20000x64xf32, #tpu.memory_space<hbm>>) target(%dma_start3A_65 : memref<128x64xf32, #tpu.memory_space<vmem>>) offsets(%dma_start3A_68 : memref<128xi32, #tpu.memory_space<vmem>>) semaphore(%arg17 : memref<!tpu.dma_semaphore, #tpu.memory_space<semaphore_mem>>)
    %dma_start3A_72 = arith.constant 3 : i32
    %dma_start3A_73 = arith.constant 3 : i32
    %dma_start3A_74 = arith.constant 0 : i32
    %dma_start3A_75 = arith.constant 0 : i32
    %dma_start3A_76 = tpu.memref_slice %arg10[%dma_start3A_73, %dma_start3A_74, %dma_start3A_75] : memref<4x128x64xf32, #tpu.memory_space<vmem>> -> memref<1x128x64xf32, #tpu.memory_space<vmem>>
    %dma_start3A_77 = tpu.memref_squeeze %dma_start3A_76 : memref<1x128x64xf32, #tpu.memory_space<vmem>> -> memref<128x64xf32, #tpu.memory_space<vmem>>
    %dma_start3A_78 = arith.constant 0 : i32
    %dma_start3A_79 = tpu.memref_slice %arg8[%dma_start3A_72, %dma_start3A_78] : memref<160x128xi32, #tpu.memory_space<vmem>> -> memref<1x128xi32, #tpu.memory_space<vmem>>
    %dma_start3A_80 = tpu.memref_squeeze %dma_start3A_79 : memref<1x128xi32, #tpu.memory_space<vmem>> -> memref<128xi32, #tpu.memory_space<vmem>>
    %dma_start3A_81 = arith.constant 0 : i32
    %dma_start3A_82 = arith.constant 0 : i32
    %dma_start3A_83 = tpu.memref_slice %arg2[%dma_start3A_81, %dma_start3A_82] : memref<20000x64xf32, #tpu.memory_space<hbm>> -> memref<20000x64xf32, #tpu.memory_space<hbm>>
    tpu.enqueue_indirect_dma source(%dma_start3A_83 : memref<20000x64xf32, #tpu.memory_space<hbm>>) target(%dma_start3A_77 : memref<128x64xf32, #tpu.memory_space<vmem>>) offsets(%dma_start3A_80 : memref<128xi32, #tpu.memory_space<vmem>>) semaphore(%arg18 : memref<!tpu.dma_semaphore, #tpu.memory_space<semaphore_mem>>)
    %scan3A_84 = arith.constant 0 : i32
    %scan3A_85 = arith.constant 0 : i32
    %scan3A_86 = arith.constant 40 : i32
    %scan3A_87 = arith.addi %scan3A_85, %scan3A_86 : i32
    %scan3A_88 = arith.constant 1 : i32
    scf.for %scan3A_160 = %scan3A_85 to %scan3A_87 step %scan3A_88  : i32 {
      %mul3A_161 = arith.constant 4 : i32
      %mul3A_162 = arith.muli %mul3A_161, %scan3A_160 : i32
      %add3A_163 = arith.constant 0 : i32
      %add3A_164 = arith.addi %mul3A_162, %add3A_163 : i32
      %dma_wait3A_165 = arith.constant 0 : i32
      %dma_wait3A_166 = arith.constant 0 : i32
      %dma_wait3A_167 = arith.constant 0 : i32
      %dma_wait3A_168 = tpu.memref_slice %arg10[%dma_wait3A_165, %dma_wait3A_166, %dma_wait3A_167] : memref<4x128x64xf32, #tpu.memory_space<vmem>> -> memref<1x128x64xf32, #tpu.memory_space<vmem>>
      %dma_wait3A_169 = tpu.memref_squeeze %dma_wait3A_168 : memref<1x128x64xf32, #tpu.memory_space<vmem>> -> memref<128x64xf32, #tpu.memory_space<vmem>>
      %dma_wait3A_170 = arith.constant 0 : i32
      %dma_wait3A_171 = tpu.memref_slice %arg8[%add3A_164, %dma_wait3A_170] : memref<160x128xi32, #tpu.memory_space<vmem>> -> memref<1x128xi32, #tpu.memory_space<vmem>>
      %dma_wait3A_172 = tpu.memref_squeeze %dma_wait3A_171 : memref<1x128xi32, #tpu.memory_space<vmem>> -> memref<128xi32, #tpu.memory_space<vmem>>
      %dma_wait3A_173 = arith.constant 0 : i32
      %dma_wait3A_174 = arith.constant 0 : i32
      %dma_wait3A_175 = tpu.memref_slice %arg2[%dma_wait3A_173, %dma_wait3A_174] : memref<20000x64xf32, #tpu.memory_space<hbm>> -> memref<20000x64xf32, #tpu.memory_space<hbm>>
      tpu.wait_indirect_dma semaphore(%arg15 : memref<!tpu.dma_semaphore, #tpu.memory_space<semaphore_mem>>) src(%dma_wait3A_175 : memref<20000x64xf32, #tpu.memory_space<hbm>>) dst(%dma_wait3A_169 : memref<128x64xf32, #tpu.memory_space<vmem>>)
      %dma_start3A_176 = arith.constant 0 : i32
      %dma_start3A_177 = arith.constant 0 : i32
      %dma_start3A_178 = arith.constant 0 : i32
      %dma_start3A_179 = tpu.memref_slice %arg10[%dma_start3A_176, %dma_start3A_177, %dma_start3A_178] : memref<4x128x64xf32, #tpu.memory_space<vmem>> -> memref<1x128x64xf32, #tpu.memory_space<vmem>>
      %dma_start3A_180 = tpu.memref_squeeze %dma_start3A_179 : memref<1x128x64xf32, #tpu.memory_space<vmem>> -> memref<128x64xf32, #tpu.memory_space<vmem>>
      %dma_start3A_181 = arith.constant 0 : i32
      %dma_start3A_182 = tpu.memref_slice %arg9[%add3A_164, %dma_start3A_181] : memref<160x128xi32, #tpu.memory_space<vmem>> -> memref<1x128xi32, #tpu.memory_space<vmem>>
      %dma_start3A_183 = tpu.memref_squeeze %dma_start3A_182 : memref<1x128xi32, #tpu.memory_space<vmem>> -> memref<128xi32, #tpu.memory_space<vmem>>
      %dma_start3A_184 = arith.constant 0 : i32
      %dma_start3A_185 = arith.constant 0 : i32
      %dma_start3A_186 = tpu.memref_slice %arg13[%dma_start3A_184, %dma_start3A_185] : memref<10240x64xf32, #tpu.memory_space<vmem_shared>> -> memref<10240x64xf32, #tpu.memory_space<vmem_shared>>
      tpu.enqueue_indirect_dma source(%dma_start3A_180 : memref<128x64xf32, #tpu.memory_space<vmem>>) target(%dma_start3A_186 : memref<10240x64xf32, #tpu.memory_space<vmem_shared>>) offsets(%dma_start3A_183 : memref<128xi32, #tpu.memory_space<vmem>>) semaphore(%arg19 : memref<!tpu.dma_semaphore, #tpu.memory_space<semaphore_mem>>) {add = true}
      %eq3A_187 = arith.constant 0 : i32
      %eq3A_188 = arith.cmpi eq, %arg0, %eq3A_187 : i32
      %convert_element_type3A_189 = arith.extui %eq3A_188 : i1 to i32
      %cond3A_190 = arith.constant 0 : i32
      %cond3A_191 = arith.cmpi ne, %convert_element_type3A_189, %cond3A_190 : i32
      scf.if %cond3A_191 {
        %dma_start3A_306 = arith.constant 0 : i32
        %dma_start3A_307 = tpu.memref_slice %arg9[%add3A_164, %dma_start3A_306] : memref<160x128xi32, #tpu.memory_space<vmem>> -> memref<1x128xi32, #tpu.memory_space<vmem>>
        %dma_start3A_308 = tpu.memref_squeeze %dma_start3A_307 : memref<1x128xi32, #tpu.memory_space<vmem>> -> memref<128xi32, #tpu.memory_space<vmem>>
        %dma_start3A_309 = arith.constant 0 : i32
        %dma_start3A_310 = arith.constant 0 : i32
        %dma_start3A_311 = tpu.memref_slice %arg14[%dma_start3A_309, %dma_start3A_310] : memref<10240x16xf32, #tpu.memory_space<vmem_shared>> -> memref<10240x16xf32, #tpu.memory_space<vmem_shared>>
        tpu.enqueue_indirect_dma source(%arg11 : memref<128x16xf32, #tpu.memory_space<vmem>>) target(%dma_start3A_311 : memref<10240x16xf32, #tpu.memory_space<vmem_shared>>) offsets(%dma_start3A_308 : memref<128xi32, #tpu.memory_space<vmem>>) semaphore(%arg19 : memref<!tpu.dma_semaphore, #tpu.memory_space<semaphore_mem>>) {add = true}
      } else {
      }
      %add3A_192 = arith.constant 4 : i32
      %add3A_193 = arith.addi %add3A_164, %add3A_192 : i32
      %lt3A = arith.constant 160 : i32
      %lt3A_194 = arith.cmpi slt, %add3A_193, %lt3A : i32
      %convert_element_type3A_195 = arith.extui %lt3A_194 : i1 to i32
      %cond3A_196 = arith.constant 0 : i32
      %cond3A_197 = arith.cmpi ne, %convert_element_type3A_195, %cond3A_196 : i32
      scf.if %cond3A_197 {
        %dma_wait3A_306 = arith.constant 0 : i32
        %dma_wait3A_307 = arith.constant 0 : i32
        %dma_wait3A_308 = arith.constant 0 : i32
        %dma_wait3A_309 = tpu.memref_slice %arg10[%dma_wait3A_306, %dma_wait3A_307, %dma_wait3A_308] : memref<4x128x64xf32, #tpu.memory_space<vmem>> -> memref<1x128x64xf32, #tpu.memory_space<vmem>>
        %dma_wait3A_310 = tpu.memref_squeeze %dma_wait3A_309 : memref<1x128x64xf32, #tpu.memory_space<vmem>> -> memref<128x64xf32, #tpu.memory_space<vmem>>
        %dma_wait3A_311 = arith.constant 0 : i32
        %dma_wait3A_312 = tpu.memref_slice %arg9[%add3A_164, %dma_wait3A_311] : memref<160x128xi32, #tpu.memory_space<vmem>> -> memref<1x128xi32, #tpu.memory_space<vmem>>
        %dma_wait3A_313 = tpu.memref_squeeze %dma_wait3A_312 : memref<1x128xi32, #tpu.memory_space<vmem>> -> memref<128xi32, #tpu.memory_space<vmem>>
        %dma_wait3A_314 = arith.constant 0 : i32
        %dma_wait3A_315 = arith.constant 0 : i32
        %dma_wait3A_316 = tpu.memref_slice %arg13[%dma_wait3A_314, %dma_wait3A_315] : memref<10240x64xf32, #tpu.memory_space<vmem_shared>> -> memref<10240x64xf32, #tpu.memory_space<vmem_shared>>
        tpu.wait_indirect_dma semaphore(%arg19 : memref<!tpu.dma_semaphore, #tpu.memory_space<semaphore_mem>>) src(%dma_wait3A_310 : memref<128x64xf32, #tpu.memory_space<vmem>>) dst(%dma_wait3A_316 : memref<10240x64xf32, #tpu.memory_space<vmem_shared>>)
        %eq3A_317 = arith.constant 0 : i32
        %eq3A_318 = arith.cmpi eq, %arg0, %eq3A_317 : i32
        %convert_element_type3A_319 = arith.extui %eq3A_318 : i1 to i32
        %cond3A_320 = arith.constant 0 : i32
        %cond3A_321 = arith.cmpi ne, %convert_element_type3A_319, %cond3A_320 : i32
        scf.if %cond3A_321 {
          %dma_wait3A_335 = arith.constant 0 : i32
          %dma_wait3A_336 = tpu.memref_slice %arg9[%add3A_164, %dma_wait3A_335] : memref<160x128xi32, #tpu.memory_space<vmem>> -> memref<1x128xi32, #tpu.memory_space<vmem>>
          %dma_wait3A_337 = tpu.memref_squeeze %dma_wait3A_336 : memref<1x128xi32, #tpu.memory_space<vmem>> -> memref<128xi32, #tpu.memory_space<vmem>>
          %dma_wait3A_338 = arith.constant 0 : i32
          %dma_wait3A_339 = arith.constant 0 : i32
          %dma_wait3A_340 = tpu.memref_slice %arg14[%dma_wait3A_338, %dma_wait3A_339] : memref<10240x16xf32, #tpu.memory_space<vmem_shared>> -> memref<10240x16xf32, #tpu.memory_space<vmem_shared>>
          tpu.wait_indirect_dma semaphore(%arg19 : memref<!tpu.dma_semaphore, #tpu.memory_space<semaphore_mem>>) src(%arg11 : memref<128x16xf32, #tpu.memory_space<vmem>>) dst(%dma_wait3A_340 : memref<10240x16xf32, #tpu.memory_space<vmem_shared>>)
        } else {
        }
        %add3A_322 = arith.constant 4 : i32
        %add3A_323 = arith.addi %add3A_164, %add3A_322 : i32
        %dma_start3A_324 = arith.constant 0 : i32
        %dma_start3A_325 = arith.constant 0 : i32
        %dma_start3A_326 = arith.constant 0 : i32
        %dma_start3A_327 = tpu.memref_slice %arg10[%dma_start3A_324, %dma_start3A_325, %dma_start3A_326] : memref<4x128x64xf32, #tpu.memory_space<vmem>> -> memref<1x128x64xf32, #tpu.memory_space<vmem>>
        %dma_start3A_328 = tpu.memref_squeeze %dma_start3A_327 : memref<1x128x64xf32, #tpu.memory_space<vmem>> -> memref<128x64xf32, #tpu.memory_space<vmem>>
        %dma_start3A_329 = arith.constant 0 : i32
        %dma_start3A_330 = tpu.memref_slice %arg8[%add3A_323, %dma_start3A_329] : memref<160x128xi32, #tpu.memory_space<vmem>> -> memref<1x128xi32, #tpu.memory_space<vmem>>
        %dma_start3A_331 = tpu.memref_squeeze %dma_start3A_330 : memref<1x128xi32, #tpu.memory_space<vmem>> -> memref<128xi32, #tpu.memory_space<vmem>>
        %dma_start3A_332 = arith.constant 0 : i32
        %dma_start3A_333 = arith.constant 0 : i32
        %dma_start3A_334 = tpu.memref_slice %arg2[%dma_start3A_332, %dma_start3A_333] : memref<20000x64xf32, #tpu.memory_space<hbm>> -> memref<20000x64xf32, #tpu.memory_space<hbm>>
        tpu.enqueue_indirect_dma source(%dma_start3A_334 : memref<20000x64xf32, #tpu.memory_space<hbm>>) target(%dma_start3A_328 : memref<128x64xf32, #tpu.memory_space<vmem>>) offsets(%dma_start3A_331 : memref<128xi32, #tpu.memory_space<vmem>>) semaphore(%arg15 : memref<!tpu.dma_semaphore, #tpu.memory_space<semaphore_mem>>)
      } else {
      }
      %add3A_198 = arith.constant 1 : i32
      %add3A_199 = arith.addi %mul3A_162, %add3A_198 : i32
      %dma_wait3A_200 = arith.constant 1 : i32
      %dma_wait3A_201 = arith.constant 0 : i32
      %dma_wait3A_202 = arith.constant 0 : i32
      %dma_wait3A_203 = tpu.memref_slice %arg10[%dma_wait3A_200, %dma_wait3A_201, %dma_wait3A_202] : memref<4x128x64xf32, #tpu.memory_space<vmem>> -> memref<1x128x64xf32, #tpu.memory_space<vmem>>
      %dma_wait3A_204 = tpu.memref_squeeze %dma_wait3A_203 : memref<1x128x64xf32, #tpu.memory_space<vmem>> -> memref<128x64xf32, #tpu.memory_space<vmem>>
      %dma_wait3A_205 = arith.constant 0 : i32
      %dma_wait3A_206 = tpu.memref_slice %arg8[%add3A_199, %dma_wait3A_205] : memref<160x128xi32, #tpu.memory_space<vmem>> -> memref<1x128xi32, #tpu.memory_space<vmem>>
      %dma_wait3A_207 = tpu.memref_squeeze %dma_wait3A_206 : memref<1x128xi32, #tpu.memory_space<vmem>> -> memref<128xi32, #tpu.memory_space<vmem>>
      %dma_wait3A_208 = arith.constant 0 : i32
      %dma_wait3A_209 = arith.constant 0 : i32
      %dma_wait3A_210 = tpu.memref_slice %arg2[%dma_wait3A_208, %dma_wait3A_209] : memref<20000x64xf32, #tpu.memory_space<hbm>> -> memref<20000x64xf32, #tpu.memory_space<hbm>>
      tpu.wait_indirect_dma semaphore(%arg16 : memref<!tpu.dma_semaphore, #tpu.memory_space<semaphore_mem>>) src(%dma_wait3A_210 : memref<20000x64xf32, #tpu.memory_space<hbm>>) dst(%dma_wait3A_204 : memref<128x64xf32, #tpu.memory_space<vmem>>)
      %dma_start3A_211 = arith.constant 1 : i32
      %dma_start3A_212 = arith.constant 0 : i32
      %dma_start3A_213 = arith.constant 0 : i32
      %dma_start3A_214 = tpu.memref_slice %arg10[%dma_start3A_211, %dma_start3A_212, %dma_start3A_213] : memref<4x128x64xf32, #tpu.memory_space<vmem>> -> memref<1x128x64xf32, #tpu.memory_space<vmem>>
      %dma_start3A_215 = tpu.memref_squeeze %dma_start3A_214 : memref<1x128x64xf32, #tpu.memory_space<vmem>> -> memref<128x64xf32, #tpu.memory_space<vmem>>
      %dma_start3A_216 = arith.constant 0 : i32
      %dma_start3A_217 = tpu.memref_slice %arg9[%add3A_199, %dma_start3A_216] : memref<160x128xi32, #tpu.memory_space<vmem>> -> memref<1x128xi32, #tpu.memory_space<vmem>>
      %dma_start3A_218 = tpu.memref_squeeze %dma_start3A_217 : memref<1x128xi32, #tpu.memory_space<vmem>> -> memref<128xi32, #tpu.memory_space<vmem>>
      %dma_start3A_219 = arith.constant 0 : i32
      %dma_start3A_220 = arith.constant 0 : i32
      %dma_start3A_221 = tpu.memref_slice %arg13[%dma_start3A_219, %dma_start3A_220] : memref<10240x64xf32, #tpu.memory_space<vmem_shared>> -> memref<10240x64xf32, #tpu.memory_space<vmem_shared>>
      tpu.enqueue_indirect_dma source(%dma_start3A_215 : memref<128x64xf32, #tpu.memory_space<vmem>>) target(%dma_start3A_221 : memref<10240x64xf32, #tpu.memory_space<vmem_shared>>) offsets(%dma_start3A_218 : memref<128xi32, #tpu.memory_space<vmem>>) semaphore(%arg20 : memref<!tpu.dma_semaphore, #tpu.memory_space<semaphore_mem>>) {add = true}
      %eq3A_222 = arith.constant 1 : i32
      %eq3A_223 = arith.cmpi eq, %arg0, %eq3A_222 : i32
      %convert_element_type3A_224 = arith.extui %eq3A_223 : i1 to i32
      %cond3A_225 = arith.constant 0 : i32
      %cond3A_226 = arith.cmpi ne, %convert_element_type3A_224, %cond3A_225 : i32
      scf.if %cond3A_226 {
        %dma_start3A_306 = arith.constant 0 : i32
        %dma_start3A_307 = tpu.memref_slice %arg9[%add3A_199, %dma_start3A_306] : memref<160x128xi32, #tpu.memory_space<vmem>> -> memref<1x128xi32, #tpu.memory_space<vmem>>
        %dma_start3A_308 = tpu.memref_squeeze %dma_start3A_307 : memref<1x128xi32, #tpu.memory_space<vmem>> -> memref<128xi32, #tpu.memory_space<vmem>>
        %dma_start3A_309 = arith.constant 0 : i32
        %dma_start3A_310 = arith.constant 0 : i32
        %dma_start3A_311 = tpu.memref_slice %arg14[%dma_start3A_309, %dma_start3A_310] : memref<10240x16xf32, #tpu.memory_space<vmem_shared>> -> memref<10240x16xf32, #tpu.memory_space<vmem_shared>>
        tpu.enqueue_indirect_dma source(%arg11 : memref<128x16xf32, #tpu.memory_space<vmem>>) target(%dma_start3A_311 : memref<10240x16xf32, #tpu.memory_space<vmem_shared>>) offsets(%dma_start3A_308 : memref<128xi32, #tpu.memory_space<vmem>>) semaphore(%arg20 : memref<!tpu.dma_semaphore, #tpu.memory_space<semaphore_mem>>) {add = true}
      } else {
      }
      %add3A_227 = arith.constant 4 : i32
      %add3A_228 = arith.addi %add3A_199, %add3A_227 : i32
      %lt3A_229 = arith.constant 160 : i32
      %lt3A_230 = arith.cmpi slt, %add3A_228, %lt3A_229 : i32
      %convert_element_type3A_231 = arith.extui %lt3A_230 : i1 to i32
      %cond3A_232 = arith.constant 0 : i32
      %cond3A_233 = arith.cmpi ne, %convert_element_type3A_231, %cond3A_232 : i32
      scf.if %cond3A_233 {
        %dma_wait3A_306 = arith.constant 1 : i32
        %dma_wait3A_307 = arith.constant 0 : i32
        %dma_wait3A_308 = arith.constant 0 : i32
        %dma_wait3A_309 = tpu.memref_slice %arg10[%dma_wait3A_306, %dma_wait3A_307, %dma_wait3A_308] : memref<4x128x64xf32, #tpu.memory_space<vmem>> -> memref<1x128x64xf32, #tpu.memory_space<vmem>>
        %dma_wait3A_310 = tpu.memref_squeeze %dma_wait3A_309 : memref<1x128x64xf32, #tpu.memory_space<vmem>> -> memref<128x64xf32, #tpu.memory_space<vmem>>
        %dma_wait3A_311 = arith.constant 0 : i32
        %dma_wait3A_312 = tpu.memref_slice %arg9[%add3A_199, %dma_wait3A_311] : memref<160x128xi32, #tpu.memory_space<vmem>> -> memref<1x128xi32, #tpu.memory_space<vmem>>
        %dma_wait3A_313 = tpu.memref_squeeze %dma_wait3A_312 : memref<1x128xi32, #tpu.memory_space<vmem>> -> memref<128xi32, #tpu.memory_space<vmem>>
        %dma_wait3A_314 = arith.constant 0 : i32
        %dma_wait3A_315 = arith.constant 0 : i32
        %dma_wait3A_316 = tpu.memref_slice %arg13[%dma_wait3A_314, %dma_wait3A_315] : memref<10240x64xf32, #tpu.memory_space<vmem_shared>> -> memref<10240x64xf32, #tpu.memory_space<vmem_shared>>
        tpu.wait_indirect_dma semaphore(%arg20 : memref<!tpu.dma_semaphore, #tpu.memory_space<semaphore_mem>>) src(%dma_wait3A_310 : memref<128x64xf32, #tpu.memory_space<vmem>>) dst(%dma_wait3A_316 : memref<10240x64xf32, #tpu.memory_space<vmem_shared>>)
        %eq3A_317 = arith.constant 1 : i32
        %eq3A_318 = arith.cmpi eq, %arg0, %eq3A_317 : i32
        %convert_element_type3A_319 = arith.extui %eq3A_318 : i1 to i32
        %cond3A_320 = arith.constant 0 : i32
        %cond3A_321 = arith.cmpi ne, %convert_element_type3A_319, %cond3A_320 : i32
        scf.if %cond3A_321 {
          %dma_wait3A_335 = arith.constant 0 : i32
          %dma_wait3A_336 = tpu.memref_slice %arg9[%add3A_199, %dma_wait3A_335] : memref<160x128xi32, #tpu.memory_space<vmem>> -> memref<1x128xi32, #tpu.memory_space<vmem>>
          %dma_wait3A_337 = tpu.memref_squeeze %dma_wait3A_336 : memref<1x128xi32, #tpu.memory_space<vmem>> -> memref<128xi32, #tpu.memory_space<vmem>>
          %dma_wait3A_338 = arith.constant 0 : i32
          %dma_wait3A_339 = arith.constant 0 : i32
          %dma_wait3A_340 = tpu.memref_slice %arg14[%dma_wait3A_338, %dma_wait3A_339] : memref<10240x16xf32, #tpu.memory_space<vmem_shared>> -> memref<10240x16xf32, #tpu.memory_space<vmem_shared>>
          tpu.wait_indirect_dma semaphore(%arg20 : memref<!tpu.dma_semaphore, #tpu.memory_space<semaphore_mem>>) src(%arg11 : memref<128x16xf32, #tpu.memory_space<vmem>>) dst(%dma_wait3A_340 : memref<10240x16xf32, #tpu.memory_space<vmem_shared>>)
        } else {
        }
        %add3A_322 = arith.constant 4 : i32
        %add3A_323 = arith.addi %add3A_199, %add3A_322 : i32
        %dma_start3A_324 = arith.constant 1 : i32
        %dma_start3A_325 = arith.constant 0 : i32
        %dma_start3A_326 = arith.constant 0 : i32
        %dma_start3A_327 = tpu.memref_slice %arg10[%dma_start3A_324, %dma_start3A_325, %dma_start3A_326] : memref<4x128x64xf32, #tpu.memory_space<vmem>> -> memref<1x128x64xf32, #tpu.memory_space<vmem>>
        %dma_start3A_328 = tpu.memref_squeeze %dma_start3A_327 : memref<1x128x64xf32, #tpu.memory_space<vmem>> -> memref<128x64xf32, #tpu.memory_space<vmem>>
        %dma_start3A_329 = arith.constant 0 : i32
        %dma_start3A_330 = tpu.memref_slice %arg8[%add3A_323, %dma_start3A_329] : memref<160x128xi32, #tpu.memory_space<vmem>> -> memref<1x128xi32, #tpu.memory_space<vmem>>
        %dma_start3A_331 = tpu.memref_squeeze %dma_start3A_330 : memref<1x128xi32, #tpu.memory_space<vmem>> -> memref<128xi32, #tpu.memory_space<vmem>>
        %dma_start3A_332 = arith.constant 0 : i32
        %dma_start3A_333 = arith.constant 0 : i32
        %dma_start3A_334 = tpu.memref_slice %arg2[%dma_start3A_332, %dma_start3A_333] : memref<20000x64xf32, #tpu.memory_space<hbm>> -> memref<20000x64xf32, #tpu.memory_space<hbm>>
        tpu.enqueue_indirect_dma source(%dma_start3A_334 : memref<20000x64xf32, #tpu.memory_space<hbm>>) target(%dma_start3A_328 : memref<128x64xf32, #tpu.memory_space<vmem>>) offsets(%dma_start3A_331 : memref<128xi32, #tpu.memory_space<vmem>>) semaphore(%arg16 : memref<!tpu.dma_semaphore, #tpu.memory_space<semaphore_mem>>)
      } else {
      }
      %add3A_234 = arith.constant 2 : i32
      %add3A_235 = arith.addi %mul3A_162, %add3A_234 : i32
      %dma_wait3A_236 = arith.constant 2 : i32
      %dma_wait3A_237 = arith.constant 0 : i32
      %dma_wait3A_238 = arith.constant 0 : i32
      %dma_wait3A_239 = tpu.memref_slice %arg10[%dma_wait3A_236, %dma_wait3A_237, %dma_wait3A_238] : memref<4x128x64xf32, #tpu.memory_space<vmem>> -> memref<1x128x64xf32, #tpu.memory_space<vmem>>
      %dma_wait3A_240 = tpu.memref_squeeze %dma_wait3A_239 : memref<1x128x64xf32, #tpu.memory_space<vmem>> -> memref<128x64xf32, #tpu.memory_space<vmem>>
      %dma_wait3A_241 = arith.constant 0 : i32
      %dma_wait3A_242 = tpu.memref_slice %arg8[%add3A_235, %dma_wait3A_241] : memref<160x128xi32, #tpu.memory_space<vmem>> -> memref<1x128xi32, #tpu.memory_space<vmem>>
      %dma_wait3A_243 = tpu.memref_squeeze %dma_wait3A_242 : memref<1x128xi32, #tpu.memory_space<vmem>> -> memref<128xi32, #tpu.memory_space<vmem>>
      %dma_wait3A_244 = arith.constant 0 : i32
      %dma_wait3A_245 = arith.constant 0 : i32
      %dma_wait3A_246 = tpu.memref_slice %arg2[%dma_wait3A_244, %dma_wait3A_245] : memref<20000x64xf32, #tpu.memory_space<hbm>> -> memref<20000x64xf32, #tpu.memory_space<hbm>>
      tpu.wait_indirect_dma semaphore(%arg17 : memref<!tpu.dma_semaphore, #tpu.memory_space<semaphore_mem>>) src(%dma_wait3A_246 : memref<20000x64xf32, #tpu.memory_space<hbm>>) dst(%dma_wait3A_240 : memref<128x64xf32, #tpu.memory_space<vmem>>)
      %dma_start3A_247 = arith.constant 2 : i32
      %dma_start3A_248 = arith.constant 0 : i32
      %dma_start3A_249 = arith.constant 0 : i32
      %dma_start3A_250 = tpu.memref_slice %arg10[%dma_start3A_247, %dma_start3A_248, %dma_start3A_249] : memref<4x128x64xf32, #tpu.memory_space<vmem>> -> memref<1x128x64xf32, #tpu.memory_space<vmem>>
      %dma_start3A_251 = tpu.memref_squeeze %dma_start3A_250 : memref<1x128x64xf32, #tpu.memory_space<vmem>> -> memref<128x64xf32, #tpu.memory_space<vmem>>
      %dma_start3A_252 = arith.constant 0 : i32
      %dma_start3A_253 = tpu.memref_slice %arg9[%add3A_235, %dma_start3A_252] : memref<160x128xi32, #tpu.memory_space<vmem>> -> memref<1x128xi32, #tpu.memory_space<vmem>>
      %dma_start3A_254 = tpu.memref_squeeze %dma_start3A_253 : memref<1x128xi32, #tpu.memory_space<vmem>> -> memref<128xi32, #tpu.memory_space<vmem>>
      %dma_start3A_255 = arith.constant 0 : i32
      %dma_start3A_256 = arith.constant 0 : i32
      %dma_start3A_257 = tpu.memref_slice %arg13[%dma_start3A_255, %dma_start3A_256] : memref<10240x64xf32, #tpu.memory_space<vmem_shared>> -> memref<10240x64xf32, #tpu.memory_space<vmem_shared>>
      tpu.enqueue_indirect_dma source(%dma_start3A_251 : memref<128x64xf32, #tpu.memory_space<vmem>>) target(%dma_start3A_257 : memref<10240x64xf32, #tpu.memory_space<vmem_shared>>) offsets(%dma_start3A_254 : memref<128xi32, #tpu.memory_space<vmem>>) semaphore(%arg21 : memref<!tpu.dma_semaphore, #tpu.memory_space<semaphore_mem>>) {add = true}
      %eq3A_258 = arith.constant 0 : i32
      %eq3A_259 = arith.cmpi eq, %arg0, %eq3A_258 : i32
      %convert_element_type3A_260 = arith.extui %eq3A_259 : i1 to i32
      %cond3A_261 = arith.constant 0 : i32
      %cond3A_262 = arith.cmpi ne, %convert_element_type3A_260, %cond3A_261 : i32
      scf.if %cond3A_262 {
        %dma_start3A_306 = arith.constant 0 : i32
        %dma_start3A_307 = tpu.memref_slice %arg9[%add3A_235, %dma_start3A_306] : memref<160x128xi32, #tpu.memory_space<vmem>> -> memref<1x128xi32, #tpu.memory_space<vmem>>
        %dma_start3A_308 = tpu.memref_squeeze %dma_start3A_307 : memref<1x128xi32, #tpu.memory_space<vmem>> -> memref<128xi32, #tpu.memory_space<vmem>>
        %dma_start3A_309 = arith.constant 0 : i32
        %dma_start3A_310 = arith.constant 0 : i32
        %dma_start3A_311 = tpu.memref_slice %arg14[%dma_start3A_309, %dma_start3A_310] : memref<10240x16xf32, #tpu.memory_space<vmem_shared>> -> memref<10240x16xf32, #tpu.memory_space<vmem_shared>>
        tpu.enqueue_indirect_dma source(%arg11 : memref<128x16xf32, #tpu.memory_space<vmem>>) target(%dma_start3A_311 : memref<10240x16xf32, #tpu.memory_space<vmem_shared>>) offsets(%dma_start3A_308 : memref<128xi32, #tpu.memory_space<vmem>>) semaphore(%arg21 : memref<!tpu.dma_semaphore, #tpu.memory_space<semaphore_mem>>) {add = true}
      } else {
      }
      %add3A_263 = arith.constant 4 : i32
      %add3A_264 = arith.addi %add3A_235, %add3A_263 : i32
      %lt3A_265 = arith.constant 160 : i32
      %lt3A_266 = arith.cmpi slt, %add3A_264, %lt3A_265 : i32
      %convert_element_type3A_267 = arith.extui %lt3A_266 : i1 to i32
      %cond3A_268 = arith.constant 0 : i32
      %cond3A_269 = arith.cmpi ne, %convert_element_type3A_267, %cond3A_268 : i32
      scf.if %cond3A_269 {
        %dma_wait3A_306 = arith.constant 2 : i32
        %dma_wait3A_307 = arith.constant 0 : i32
        %dma_wait3A_308 = arith.constant 0 : i32
        %dma_wait3A_309 = tpu.memref_slice %arg10[%dma_wait3A_306, %dma_wait3A_307, %dma_wait3A_308] : memref<4x128x64xf32, #tpu.memory_space<vmem>> -> memref<1x128x64xf32, #tpu.memory_space<vmem>>
        %dma_wait3A_310 = tpu.memref_squeeze %dma_wait3A_309 : memref<1x128x64xf32, #tpu.memory_space<vmem>> -> memref<128x64xf32, #tpu.memory_space<vmem>>
        %dma_wait3A_311 = arith.constant 0 : i32
        %dma_wait3A_312 = tpu.memref_slice %arg9[%add3A_235, %dma_wait3A_311] : memref<160x128xi32, #tpu.memory_space<vmem>> -> memref<1x128xi32, #tpu.memory_space<vmem>>
        %dma_wait3A_313 = tpu.memref_squeeze %dma_wait3A_312 : memref<1x128xi32, #tpu.memory_space<vmem>> -> memref<128xi32, #tpu.memory_space<vmem>>
        %dma_wait3A_314 = arith.constant 0 : i32
        %dma_wait3A_315 = arith.constant 0 : i32
        %dma_wait3A_316 = tpu.memref_slice %arg13[%dma_wait3A_314, %dma_wait3A_315] : memref<10240x64xf32, #tpu.memory_space<vmem_shared>> -> memref<10240x64xf32, #tpu.memory_space<vmem_shared>>
        tpu.wait_indirect_dma semaphore(%arg21 : memref<!tpu.dma_semaphore, #tpu.memory_space<semaphore_mem>>) src(%dma_wait3A_310 : memref<128x64xf32, #tpu.memory_space<vmem>>) dst(%dma_wait3A_316 : memref<10240x64xf32, #tpu.memory_space<vmem_shared>>)
        %eq3A_317 = arith.constant 0 : i32
        %eq3A_318 = arith.cmpi eq, %arg0, %eq3A_317 : i32
        %convert_element_type3A_319 = arith.extui %eq3A_318 : i1 to i32
        %cond3A_320 = arith.constant 0 : i32
        %cond3A_321 = arith.cmpi ne, %convert_element_type3A_319, %cond3A_320 : i32
        scf.if %cond3A_321 {
          %dma_wait3A_335 = arith.constant 0 : i32
          %dma_wait3A_336 = tpu.memref_slice %arg9[%add3A_235, %dma_wait3A_335] : memref<160x128xi32, #tpu.memory_space<vmem>> -> memref<1x128xi32, #tpu.memory_space<vmem>>
          %dma_wait3A_337 = tpu.memref_squeeze %dma_wait3A_336 : memref<1x128xi32, #tpu.memory_space<vmem>> -> memref<128xi32, #tpu.memory_space<vmem>>
          %dma_wait3A_338 = arith.constant 0 : i32
          %dma_wait3A_339 = arith.constant 0 : i32
          %dma_wait3A_340 = tpu.memref_slice %arg14[%dma_wait3A_338, %dma_wait3A_339] : memref<10240x16xf32, #tpu.memory_space<vmem_shared>> -> memref<10240x16xf32, #tpu.memory_space<vmem_shared>>
          tpu.wait_indirect_dma semaphore(%arg21 : memref<!tpu.dma_semaphore, #tpu.memory_space<semaphore_mem>>) src(%arg11 : memref<128x16xf32, #tpu.memory_space<vmem>>) dst(%dma_wait3A_340 : memref<10240x16xf32, #tpu.memory_space<vmem_shared>>)
        } else {
        }
        %add3A_322 = arith.constant 4 : i32
        %add3A_323 = arith.addi %add3A_235, %add3A_322 : i32
        %dma_start3A_324 = arith.constant 2 : i32
        %dma_start3A_325 = arith.constant 0 : i32
        %dma_start3A_326 = arith.constant 0 : i32
        %dma_start3A_327 = tpu.memref_slice %arg10[%dma_start3A_324, %dma_start3A_325, %dma_start3A_326] : memref<4x128x64xf32, #tpu.memory_space<vmem>> -> memref<1x128x64xf32, #tpu.memory_space<vmem>>
        %dma_start3A_328 = tpu.memref_squeeze %dma_start3A_327 : memref<1x128x64xf32, #tpu.memory_space<vmem>> -> memref<128x64xf32, #tpu.memory_space<vmem>>
        %dma_start3A_329 = arith.constant 0 : i32
        %dma_start3A_330 = tpu.memref_slice %arg8[%add3A_323, %dma_start3A_329] : memref<160x128xi32, #tpu.memory_space<vmem>> -> memref<1x128xi32, #tpu.memory_space<vmem>>
        %dma_start3A_331 = tpu.memref_squeeze %dma_start3A_330 : memref<1x128xi32, #tpu.memory_space<vmem>> -> memref<128xi32, #tpu.memory_space<vmem>>
        %dma_start3A_332 = arith.constant 0 : i32
        %dma_start3A_333 = arith.constant 0 : i32
        %dma_start3A_334 = tpu.memref_slice %arg2[%dma_start3A_332, %dma_start3A_333] : memref<20000x64xf32, #tpu.memory_space<hbm>> -> memref<20000x64xf32, #tpu.memory_space<hbm>>
        tpu.enqueue_indirect_dma source(%dma_start3A_334 : memref<20000x64xf32, #tpu.memory_space<hbm>>) target(%dma_start3A_328 : memref<128x64xf32, #tpu.memory_space<vmem>>) offsets(%dma_start3A_331 : memref<128xi32, #tpu.memory_space<vmem>>) semaphore(%arg17 : memref<!tpu.dma_semaphore, #tpu.memory_space<semaphore_mem>>)
      } else {
      }
      %add3A_270 = arith.constant 3 : i32
      %add3A_271 = arith.addi %mul3A_162, %add3A_270 : i32
      %dma_wait3A_272 = arith.constant 3 : i32
      %dma_wait3A_273 = arith.constant 0 : i32
      %dma_wait3A_274 = arith.constant 0 : i32
      %dma_wait3A_275 = tpu.memref_slice %arg10[%dma_wait3A_272, %dma_wait3A_273, %dma_wait3A_274] : memref<4x128x64xf32, #tpu.memory_space<vmem>> -> memref<1x128x64xf32, #tpu.memory_space<vmem>>
      %dma_wait3A_276 = tpu.memref_squeeze %dma_wait3A_275 : memref<1x128x64xf32, #tpu.memory_space<vmem>> -> memref<128x64xf32, #tpu.memory_space<vmem>>
      %dma_wait3A_277 = arith.constant 0 : i32
      %dma_wait3A_278 = tpu.memref_slice %arg8[%add3A_271, %dma_wait3A_277] : memref<160x128xi32, #tpu.memory_space<vmem>> -> memref<1x128xi32, #tpu.memory_space<vmem>>
      %dma_wait3A_279 = tpu.memref_squeeze %dma_wait3A_278 : memref<1x128xi32, #tpu.memory_space<vmem>> -> memref<128xi32, #tpu.memory_space<vmem>>
      %dma_wait3A_280 = arith.constant 0 : i32
      %dma_wait3A_281 = arith.constant 0 : i32
      %dma_wait3A_282 = tpu.memref_slice %arg2[%dma_wait3A_280, %dma_wait3A_281] : memref<20000x64xf32, #tpu.memory_space<hbm>> -> memref<20000x64xf32, #tpu.memory_space<hbm>>
      tpu.wait_indirect_dma semaphore(%arg18 : memref<!tpu.dma_semaphore, #tpu.memory_space<semaphore_mem>>) src(%dma_wait3A_282 : memref<20000x64xf32, #tpu.memory_space<hbm>>) dst(%dma_wait3A_276 : memref<128x64xf32, #tpu.memory_space<vmem>>)
      %dma_start3A_283 = arith.constant 3 : i32
      %dma_start3A_284 = arith.constant 0 : i32
      %dma_start3A_285 = arith.constant 0 : i32
      %dma_start3A_286 = tpu.memref_slice %arg10[%dma_start3A_283, %dma_start3A_284, %dma_start3A_285] : memref<4x128x64xf32, #tpu.memory_space<vmem>> -> memref<1x128x64xf32, #tpu.memory_space<vmem>>
      %dma_start3A_287 = tpu.memref_squeeze %dma_start3A_286 : memref<1x128x64xf32, #tpu.memory_space<vmem>> -> memref<128x64xf32, #tpu.memory_space<vmem>>
      %dma_start3A_288 = arith.constant 0 : i32
      %dma_start3A_289 = tpu.memref_slice %arg9[%add3A_271, %dma_start3A_288] : memref<160x128xi32, #tpu.memory_space<vmem>> -> memref<1x128xi32, #tpu.memory_space<vmem>>
      %dma_start3A_290 = tpu.memref_squeeze %dma_start3A_289 : memref<1x128xi32, #tpu.memory_space<vmem>> -> memref<128xi32, #tpu.memory_space<vmem>>
      %dma_start3A_291 = arith.constant 0 : i32
      %dma_start3A_292 = arith.constant 0 : i32
      %dma_start3A_293 = tpu.memref_slice %arg13[%dma_start3A_291, %dma_start3A_292] : memref<10240x64xf32, #tpu.memory_space<vmem_shared>> -> memref<10240x64xf32, #tpu.memory_space<vmem_shared>>
      tpu.enqueue_indirect_dma source(%dma_start3A_287 : memref<128x64xf32, #tpu.memory_space<vmem>>) target(%dma_start3A_293 : memref<10240x64xf32, #tpu.memory_space<vmem_shared>>) offsets(%dma_start3A_290 : memref<128xi32, #tpu.memory_space<vmem>>) semaphore(%arg22 : memref<!tpu.dma_semaphore, #tpu.memory_space<semaphore_mem>>) {add = true}
      %eq3A_294 = arith.constant 1 : i32
      %eq3A_295 = arith.cmpi eq, %arg0, %eq3A_294 : i32
      %convert_element_type3A_296 = arith.extui %eq3A_295 : i1 to i32
      %cond3A_297 = arith.constant 0 : i32
      %cond3A_298 = arith.cmpi ne, %convert_element_type3A_296, %cond3A_297 : i32
      scf.if %cond3A_298 {
        %dma_start3A_306 = arith.constant 0 : i32
        %dma_start3A_307 = tpu.memref_slice %arg9[%add3A_271, %dma_start3A_306] : memref<160x128xi32, #tpu.memory_space<vmem>> -> memref<1x128xi32, #tpu.memory_space<vmem>>
        %dma_start3A_308 = tpu.memref_squeeze %dma_start3A_307 : memref<1x128xi32, #tpu.memory_space<vmem>> -> memref<128xi32, #tpu.memory_space<vmem>>
        %dma_start3A_309 = arith.constant 0 : i32
        %dma_start3A_310 = arith.constant 0 : i32
        %dma_start3A_311 = tpu.memref_slice %arg14[%dma_start3A_309, %dma_start3A_310] : memref<10240x16xf32, #tpu.memory_space<vmem_shared>> -> memref<10240x16xf32, #tpu.memory_space<vmem_shared>>
        tpu.enqueue_indirect_dma source(%arg11 : memref<128x16xf32, #tpu.memory_space<vmem>>) target(%dma_start3A_311 : memref<10240x16xf32, #tpu.memory_space<vmem_shared>>) offsets(%dma_start3A_308 : memref<128xi32, #tpu.memory_space<vmem>>) semaphore(%arg22 : memref<!tpu.dma_semaphore, #tpu.memory_space<semaphore_mem>>) {add = true}
      } else {
      }
      %add3A_299 = arith.constant 4 : i32
      %add3A_300 = arith.addi %add3A_271, %add3A_299 : i32
      %lt3A_301 = arith.constant 160 : i32
      %lt3A_302 = arith.cmpi slt, %add3A_300, %lt3A_301 : i32
      %convert_element_type3A_303 = arith.extui %lt3A_302 : i1 to i32
      %cond3A_304 = arith.constant 0 : i32
      %cond3A_305 = arith.cmpi ne, %convert_element_type3A_303, %cond3A_304 : i32
      scf.if %cond3A_305 {
        %dma_wait3A_306 = arith.constant 3 : i32
        %dma_wait3A_307 = arith.constant 0 : i32
        %dma_wait3A_308 = arith.constant 0 : i32
        %dma_wait3A_309 = tpu.memref_slice %arg10[%dma_wait3A_306, %dma_wait3A_307, %dma_wait3A_308] : memref<4x128x64xf32, #tpu.memory_space<vmem>> -> memref<1x128x64xf32, #tpu.memory_space<vmem>>
        %dma_wait3A_310 = tpu.memref_squeeze %dma_wait3A_309 : memref<1x128x64xf32, #tpu.memory_space<vmem>> -> memref<128x64xf32, #tpu.memory_space<vmem>>
        %dma_wait3A_311 = arith.constant 0 : i32
        %dma_wait3A_312 = tpu.memref_slice %arg9[%add3A_271, %dma_wait3A_311] : memref<160x128xi32, #tpu.memory_space<vmem>> -> memref<1x128xi32, #tpu.memory_space<vmem>>
        %dma_wait3A_313 = tpu.memref_squeeze %dma_wait3A_312 : memref<1x128xi32, #tpu.memory_space<vmem>> -> memref<128xi32, #tpu.memory_space<vmem>>
        %dma_wait3A_314 = arith.constant 0 : i32
        %dma_wait3A_315 = arith.constant 0 : i32
        %dma_wait3A_316 = tpu.memref_slice %arg13[%dma_wait3A_314, %dma_wait3A_315] : memref<10240x64xf32, #tpu.memory_space<vmem_shared>> -> memref<10240x64xf32, #tpu.memory_space<vmem_shared>>
        tpu.wait_indirect_dma semaphore(%arg22 : memref<!tpu.dma_semaphore, #tpu.memory_space<semaphore_mem>>) src(%dma_wait3A_310 : memref<128x64xf32, #tpu.memory_space<vmem>>) dst(%dma_wait3A_316 : memref<10240x64xf32, #tpu.memory_space<vmem_shared>>)
        %eq3A_317 = arith.constant 1 : i32
        %eq3A_318 = arith.cmpi eq, %arg0, %eq3A_317 : i32
        %convert_element_type3A_319 = arith.extui %eq3A_318 : i1 to i32
        %cond3A_320 = arith.constant 0 : i32
        %cond3A_321 = arith.cmpi ne, %convert_element_type3A_319, %cond3A_320 : i32
        scf.if %cond3A_321 {
          %dma_wait3A_335 = arith.constant 0 : i32
          %dma_wait3A_336 = tpu.memref_slice %arg9[%add3A_271, %dma_wait3A_335] : memref<160x128xi32, #tpu.memory_space<vmem>> -> memref<1x128xi32, #tpu.memory_space<vmem>>
          %dma_wait3A_337 = tpu.memref_squeeze %dma_wait3A_336 : memref<1x128xi32, #tpu.memory_space<vmem>> -> memref<128xi32, #tpu.memory_space<vmem>>
          %dma_wait3A_338 = arith.constant 0 : i32
          %dma_wait3A_339 = arith.constant 0 : i32
          %dma_wait3A_340 = tpu.memref_slice %arg14[%dma_wait3A_338, %dma_wait3A_339] : memref<10240x16xf32, #tpu.memory_space<vmem_shared>> -> memref<10240x16xf32, #tpu.memory_space<vmem_shared>>
          tpu.wait_indirect_dma semaphore(%arg22 : memref<!tpu.dma_semaphore, #tpu.memory_space<semaphore_mem>>) src(%arg11 : memref<128x16xf32, #tpu.memory_space<vmem>>) dst(%dma_wait3A_340 : memref<10240x16xf32, #tpu.memory_space<vmem_shared>>)
        } else {
        }
        %add3A_322 = arith.constant 4 : i32
        %add3A_323 = arith.addi %add3A_271, %add3A_322 : i32
        %dma_start3A_324 = arith.constant 3 : i32
        %dma_start3A_325 = arith.constant 0 : i32
        %dma_start3A_326 = arith.constant 0 : i32
        %dma_start3A_327 = tpu.memref_slice %arg10[%dma_start3A_324, %dma_start3A_325, %dma_start3A_326] : memref<4x128x64xf32, #tpu.memory_space<vmem>> -> memref<1x128x64xf32, #tpu.memory_space<vmem>>
        %dma_start3A_328 = tpu.memref_squeeze %dma_start3A_327 : memref<1x128x64xf32, #tpu.memory_space<vmem>> -> memref<128x64xf32, #tpu.memory_space<vmem>>
        %dma_start3A_329 = arith.constant 0 : i32
        %dma_start3A_330 = tpu.memref_slice %arg8[%add3A_323, %dma_start3A_329] : memref<160x128xi32, #tpu.memory_space<vmem>> -> memref<1x128xi32, #tpu.memory_space<vmem>>
        %dma_start3A_331 = tpu.memref_squeeze %dma_start3A_330 : memref<1x128xi32, #tpu.memory_space<vmem>> -> memref<128xi32, #tpu.memory_space<vmem>>
        %dma_start3A_332 = arith.constant 0 : i32
        %dma_start3A_333 = arith.constant 0 : i32
        %dma_start3A_334 = tpu.memref_slice %arg2[%dma_start3A_332, %dma_start3A_333] : memref<20000x64xf32, #tpu.memory_space<hbm>> -> memref<20000x64xf32, #tpu.memory_space<hbm>>
        tpu.enqueue_indirect_dma source(%dma_start3A_334 : memref<20000x64xf32, #tpu.memory_space<hbm>>) target(%dma_start3A_328 : memref<128x64xf32, #tpu.memory_space<vmem>>) offsets(%dma_start3A_331 : memref<128xi32, #tpu.memory_space<vmem>>) semaphore(%arg18 : memref<!tpu.dma_semaphore, #tpu.memory_space<semaphore_mem>>)
      } else {
      }
    }
    %scan3A_89 = arith.constant 40 : i32
    %dma_wait3A = arith.constant 0 : i32
    %dma_wait3A_90 = arith.constant 156 : i32
    %dma_wait3A_91 = arith.constant 0 : i32
    %dma_wait3A_92 = arith.constant 0 : i32
    %dma_wait3A_93 = tpu.memref_slice %arg10[%dma_wait3A, %dma_wait3A_91, %dma_wait3A_92] : memref<4x128x64xf32, #tpu.memory_space<vmem>> -> memref<1x128x64xf32, #tpu.memory_space<vmem>>
    %dma_wait3A_94 = tpu.memref_squeeze %dma_wait3A_93 : memref<1x128x64xf32, #tpu.memory_space<vmem>> -> memref<128x64xf32, #tpu.memory_space<vmem>>
    %dma_wait3A_95 = arith.constant 0 : i32
    %dma_wait3A_96 = tpu.memref_slice %arg9[%dma_wait3A_90, %dma_wait3A_95] : memref<160x128xi32, #tpu.memory_space<vmem>> -> memref<1x128xi32, #tpu.memory_space<vmem>>
    %dma_wait3A_97 = tpu.memref_squeeze %dma_wait3A_96 : memref<1x128xi32, #tpu.memory_space<vmem>> -> memref<128xi32, #tpu.memory_space<vmem>>
    %dma_wait3A_98 = arith.constant 0 : i32
    %dma_wait3A_99 = arith.constant 0 : i32
    %dma_wait3A_100 = tpu.memref_slice %arg13[%dma_wait3A_98, %dma_wait3A_99] : memref<10240x64xf32, #tpu.memory_space<vmem_shared>> -> memref<10240x64xf32, #tpu.memory_space<vmem_shared>>
    tpu.wait_indirect_dma semaphore(%arg19 : memref<!tpu.dma_semaphore, #tpu.memory_space<semaphore_mem>>) src(%dma_wait3A_94 : memref<128x64xf32, #tpu.memory_space<vmem>>) dst(%dma_wait3A_100 : memref<10240x64xf32, #tpu.memory_space<vmem_shared>>)
    %eq3A_101 = arith.constant 0 : i32
    %eq3A_102 = arith.cmpi eq, %arg0, %eq3A_101 : i32
    %convert_element_type3A_103 = arith.extui %eq3A_102 : i1 to i32
    %cond3A_104 = arith.constant 0 : i32
    %cond3A_105 = arith.cmpi ne, %convert_element_type3A_103, %cond3A_104 : i32
    scf.if %cond3A_105 {
      %dma_wait3A_160 = arith.constant 156 : i32
      %dma_wait3A_161 = arith.constant 0 : i32
      %dma_wait3A_162 = tpu.memref_slice %arg9[%dma_wait3A_160, %dma_wait3A_161] : memref<160x128xi32, #tpu.memory_space<vmem>> -> memref<1x128xi32, #tpu.memory_space<vmem>>
      %dma_wait3A_163 = tpu.memref_squeeze %dma_wait3A_162 : memref<1x128xi32, #tpu.memory_space<vmem>> -> memref<128xi32, #tpu.memory_space<vmem>>
      %dma_wait3A_164 = arith.constant 0 : i32
      %dma_wait3A_165 = arith.constant 0 : i32
      %dma_wait3A_166 = tpu.memref_slice %arg14[%dma_wait3A_164, %dma_wait3A_165] : memref<10240x16xf32, #tpu.memory_space<vmem_shared>> -> memref<10240x16xf32, #tpu.memory_space<vmem_shared>>
      tpu.wait_indirect_dma semaphore(%arg19 : memref<!tpu.dma_semaphore, #tpu.memory_space<semaphore_mem>>) src(%arg11 : memref<128x16xf32, #tpu.memory_space<vmem>>) dst(%dma_wait3A_166 : memref<10240x16xf32, #tpu.memory_space<vmem_shared>>)
    } else {
    }
    %dma_wait3A_106 = arith.constant 1 : i32
    %dma_wait3A_107 = arith.constant 157 : i32
    %dma_wait3A_108 = arith.constant 0 : i32
    %dma_wait3A_109 = arith.constant 0 : i32
    %dma_wait3A_110 = tpu.memref_slice %arg10[%dma_wait3A_106, %dma_wait3A_108, %dma_wait3A_109] : memref<4x128x64xf32, #tpu.memory_space<vmem>> -> memref<1x128x64xf32, #tpu.memory_space<vmem>>
    %dma_wait3A_111 = tpu.memref_squeeze %dma_wait3A_110 : memref<1x128x64xf32, #tpu.memory_space<vmem>> -> memref<128x64xf32, #tpu.memory_space<vmem>>
    %dma_wait3A_112 = arith.constant 0 : i32
    %dma_wait3A_113 = tpu.memref_slice %arg9[%dma_wait3A_107, %dma_wait3A_112] : memref<160x128xi32, #tpu.memory_space<vmem>> -> memref<1x128xi32, #tpu.memory_space<vmem>>
    %dma_wait3A_114 = tpu.memref_squeeze %dma_wait3A_113 : memref<1x128xi32, #tpu.memory_space<vmem>> -> memref<128xi32, #tpu.memory_space<vmem>>
    %dma_wait3A_115 = arith.constant 0 : i32
    %dma_wait3A_116 = arith.constant 0 : i32
    %dma_wait3A_117 = tpu.memref_slice %arg13[%dma_wait3A_115, %dma_wait3A_116] : memref<10240x64xf32, #tpu.memory_space<vmem_shared>> -> memref<10240x64xf32, #tpu.memory_space<vmem_shared>>
    tpu.wait_indirect_dma semaphore(%arg20 : memref<!tpu.dma_semaphore, #tpu.memory_space<semaphore_mem>>) src(%dma_wait3A_111 : memref<128x64xf32, #tpu.memory_space<vmem>>) dst(%dma_wait3A_117 : memref<10240x64xf32, #tpu.memory_space<vmem_shared>>)
    %eq3A_118 = arith.constant 1 : i32
    %eq3A_119 = arith.cmpi eq, %arg0, %eq3A_118 : i32
    %convert_element_type3A_120 = arith.extui %eq3A_119 : i1 to i32
    %cond3A_121 = arith.constant 0 : i32
    %cond3A_122 = arith.cmpi ne, %convert_element_type3A_120, %cond3A_121 : i32
    scf.if %cond3A_122 {
      %dma_wait3A_160 = arith.constant 157 : i32
      %dma_wait3A_161 = arith.constant 0 : i32
      %dma_wait3A_162 = tpu.memref_slice %arg9[%dma_wait3A_160, %dma_wait3A_161] : memref<160x128xi32, #tpu.memory_space<vmem>> -> memref<1x128xi32, #tpu.memory_space<vmem>>
      %dma_wait3A_163 = tpu.memref_squeeze %dma_wait3A_162 : memref<1x128xi32, #tpu.memory_space<vmem>> -> memref<128xi32, #tpu.memory_space<vmem>>
      %dma_wait3A_164 = arith.constant 0 : i32
      %dma_wait3A_165 = arith.constant 0 : i32
      %dma_wait3A_166 = tpu.memref_slice %arg14[%dma_wait3A_164, %dma_wait3A_165] : memref<10240x16xf32, #tpu.memory_space<vmem_shared>> -> memref<10240x16xf32, #tpu.memory_space<vmem_shared>>
      tpu.wait_indirect_dma semaphore(%arg20 : memref<!tpu.dma_semaphore, #tpu.memory_space<semaphore_mem>>) src(%arg11 : memref<128x16xf32, #tpu.memory_space<vmem>>) dst(%dma_wait3A_166 : memref<10240x16xf32, #tpu.memory_space<vmem_shared>>)
    } else {
    }
    %dma_wait3A_123 = arith.constant 2 : i32
    %dma_wait3A_124 = arith.constant 158 : i32
    %dma_wait3A_125 = arith.constant 0 : i32
    %dma_wait3A_126 = arith.constant 0 : i32
    %dma_wait3A_127 = tpu.memref_slice %arg10[%dma_wait3A_123, %dma_wait3A_125, %dma_wait3A_126] : memref<4x128x64xf32, #tpu.memory_space<vmem>> -> memref<1x128x64xf32, #tpu.memory_space<vmem>>
    %dma_wait3A_128 = tpu.memref_squeeze %dma_wait3A_127 : memref<1x128x64xf32, #tpu.memory_space<vmem>> -> memref<128x64xf32, #tpu.memory_space<vmem>>
    %dma_wait3A_129 = arith.constant 0 : i32
    %dma_wait3A_130 = tpu.memref_slice %arg9[%dma_wait3A_124, %dma_wait3A_129] : memref<160x128xi32, #tpu.memory_space<vmem>> -> memref<1x128xi32, #tpu.memory_space<vmem>>
    %dma_wait3A_131 = tpu.memref_squeeze %dma_wait3A_130 : memref<1x128xi32, #tpu.memory_space<vmem>> -> memref<128xi32, #tpu.memory_space<vmem>>
    %dma_wait3A_132 = arith.constant 0 : i32
    %dma_wait3A_133 = arith.constant 0 : i32
    %dma_wait3A_134 = tpu.memref_slice %arg13[%dma_wait3A_132, %dma_wait3A_133] : memref<10240x64xf32, #tpu.memory_space<vmem_shared>> -> memref<10240x64xf32, #tpu.memory_space<vmem_shared>>
    tpu.wait_indirect_dma semaphore(%arg21 : memref<!tpu.dma_semaphore, #tpu.memory_space<semaphore_mem>>) src(%dma_wait3A_128 : memref<128x64xf32, #tpu.memory_space<vmem>>) dst(%dma_wait3A_134 : memref<10240x64xf32, #tpu.memory_space<vmem_shared>>)
    %eq3A_135 = arith.constant 0 : i32
    %eq3A_136 = arith.cmpi eq, %arg0, %eq3A_135 : i32
    %convert_element_type3A_137 = arith.extui %eq3A_136 : i1 to i32
    %cond3A_138 = arith.constant 0 : i32
    %cond3A_139 = arith.cmpi ne, %convert_element_type3A_137, %cond3A_138 : i32
    scf.if %cond3A_139 {
      %dma_wait3A_160 = arith.constant 158 : i32
      %dma_wait3A_161 = arith.constant 0 : i32
      %dma_wait3A_162 = tpu.memref_slice %arg9[%dma_wait3A_160, %dma_wait3A_161] : memref<160x128xi32, #tpu.memory_space<vmem>> -> memref<1x128xi32, #tpu.memory_space<vmem>>
      %dma_wait3A_163 = tpu.memref_squeeze %dma_wait3A_162 : memref<1x128xi32, #tpu.memory_space<vmem>> -> memref<128xi32, #tpu.memory_space<vmem>>
      %dma_wait3A_164 = arith.constant 0 : i32
      %dma_wait3A_165 = arith.constant 0 : i32
      %dma_wait3A_166 = tpu.memref_slice %arg14[%dma_wait3A_164, %dma_wait3A_165] : memref<10240x16xf32, #tpu.memory_space<vmem_shared>> -> memref<10240x16xf32, #tpu.memory_space<vmem_shared>>
      tpu.wait_indirect_dma semaphore(%arg21 : memref<!tpu.dma_semaphore, #tpu.memory_space<semaphore_mem>>) src(%arg11 : memref<128x16xf32, #tpu.memory_space<vmem>>) dst(%dma_wait3A_166 : memref<10240x16xf32, #tpu.memory_space<vmem_shared>>)
    } else {
    }
    %dma_wait3A_140 = arith.constant 3 : i32
    %dma_wait3A_141 = arith.constant 159 : i32
    %dma_wait3A_142 = arith.constant 0 : i32
    %dma_wait3A_143 = arith.constant 0 : i32
    %dma_wait3A_144 = tpu.memref_slice %arg10[%dma_wait3A_140, %dma_wait3A_142, %dma_wait3A_143] : memref<4x128x64xf32, #tpu.memory_space<vmem>> -> memref<1x128x64xf32, #tpu.memory_space<vmem>>
    %dma_wait3A_145 = tpu.memref_squeeze %dma_wait3A_144 : memref<1x128x64xf32, #tpu.memory_space<vmem>> -> memref<128x64xf32, #tpu.memory_space<vmem>>
    %dma_wait3A_146 = arith.constant 0 : i32
    %dma_wait3A_147 = tpu.memref_slice %arg9[%dma_wait3A_141, %dma_wait3A_146] : memref<160x128xi32, #tpu.memory_space<vmem>> -> memref<1x128xi32, #tpu.memory_space<vmem>>
    %dma_wait3A_148 = tpu.memref_squeeze %dma_wait3A_147 : memref<1x128xi32, #tpu.memory_space<vmem>> -> memref<128xi32, #tpu.memory_space<vmem>>
    %dma_wait3A_149 = arith.constant 0 : i32
    %dma_wait3A_150 = arith.constant 0 : i32
    %dma_wait3A_151 = tpu.memref_slice %arg13[%dma_wait3A_149, %dma_wait3A_150] : memref<10240x64xf32, #tpu.memory_space<vmem_shared>> -> memref<10240x64xf32, #tpu.memory_space<vmem_shared>>
    tpu.wait_indirect_dma semaphore(%arg22 : memref<!tpu.dma_semaphore, #tpu.memory_space<semaphore_mem>>) src(%dma_wait3A_145 : memref<128x64xf32, #tpu.memory_space<vmem>>) dst(%dma_wait3A_151 : memref<10240x64xf32, #tpu.memory_space<vmem_shared>>)
    %eq3A_152 = arith.constant 1 : i32
    %eq3A_153 = arith.cmpi eq, %arg0, %eq3A_152 : i32
    %convert_element_type3A_154 = arith.extui %eq3A_153 : i1 to i32
    %cond3A_155 = arith.constant 0 : i32
    %cond3A_156 = arith.cmpi ne, %convert_element_type3A_154, %cond3A_155 : i32
    scf.if %cond3A_156 {
      %dma_wait3A_160 = arith.constant 159 : i32
      %dma_wait3A_161 = arith.constant 0 : i32
      %dma_wait3A_162 = tpu.memref_slice %arg9[%dma_wait3A_160, %dma_wait3A_161] : memref<160x128xi32, #tpu.memory_space<vmem>> -> memref<1x128xi32, #tpu.memory_space<vmem>>
      %dma_wait3A_163 = tpu.memref_squeeze %dma_wait3A_162 : memref<1x128xi32, #tpu.memory_space<vmem>> -> memref<128xi32, #tpu.memory_space<vmem>>
      %dma_wait3A_164 = arith.constant 0 : i32
      %dma_wait3A_165 = arith.constant 0 : i32
      %dma_wait3A_166 = tpu.memref_slice %arg14[%dma_wait3A_164, %dma_wait3A_165] : memref<10240x16xf32, #tpu.memory_space<vmem_shared>> -> memref<10240x16xf32, #tpu.memory_space<vmem_shared>>
      tpu.wait_indirect_dma semaphore(%arg22 : memref<!tpu.dma_semaphore, #tpu.memory_space<semaphore_mem>>) src(%arg11 : memref<128x16xf32, #tpu.memory_space<vmem>>) dst(%dma_wait3A_166 : memref<10240x16xf32, #tpu.memory_space<vmem_shared>>)
    } else {
    }
    %barrier3A_157 = arith.constant 0 : index
    tpu.barrier barrier_id(%barrier3A_157)
    %mul3A_158 = arith.constant 640 : i32
    %mul3A_159 = arith.muli %arg1, %mul3A_158 : i32
    "tpu.region"() ({
      %run_scoped3A_160 = tpu.sem_alloc : memref<!tpu.dma_semaphore, #tpu.memory_space<semaphore_mem>>
      %dma_start3A_161 = arith.constant 0 : i32
      %dma_start3A_162 = tpu.memref_slice %arg6[%arg0, %mul3A_159, %dma_start3A_161] : memref<2x10240x64xf32, #tpu.memory_space<hbm>> -> memref<1x640x64xf32, #tpu.memory_space<hbm>>
      %dma_start3A_163 = tpu.memref_squeeze %dma_start3A_162 : memref<1x640x64xf32, #tpu.memory_space<hbm>> -> memref<640x64xf32, #tpu.memory_space<hbm>>
      %dma_start3A_164 = arith.constant 0 : i32
      %dma_start3A_165 = tpu.memref_slice %arg13[%mul3A_159, %dma_start3A_164] : memref<10240x64xf32, #tpu.memory_space<vmem_shared>> -> memref<640x64xf32, #tpu.memory_space<vmem_shared>>
      tpu.enqueue_dma source(%dma_start3A_165 : memref<640x64xf32, #tpu.memory_space<vmem_shared>>) target(%dma_start3A_163 : memref<640x64xf32, #tpu.memory_space<hbm>>) target_semaphore(%run_scoped3A_160 : memref<!tpu.dma_semaphore, #tpu.memory_space<semaphore_mem>>)
      %dma_wait3A_166 = arith.constant 0 : i32
      %dma_wait3A_167 = tpu.memref_slice %arg6[%arg0, %mul3A_159, %dma_wait3A_166] : memref<2x10240x64xf32, #tpu.memory_space<hbm>> -> memref<1x640x64xf32, #tpu.memory_space<hbm>>
      %dma_wait3A_168 = tpu.memref_squeeze %dma_wait3A_167 : memref<1x640x64xf32, #tpu.memory_space<hbm>> -> memref<640x64xf32, #tpu.memory_space<hbm>>
      %dma_wait3A_169 = arith.constant 0 : i32
      %dma_wait3A_170 = tpu.memref_slice %arg13[%mul3A_159, %dma_wait3A_169] : memref<10240x64xf32, #tpu.memory_space<vmem_shared>> -> memref<640x64xf32, #tpu.memory_space<vmem_shared>>
      tpu.wait_dma2 semaphore(%run_scoped3A_160 : memref<!tpu.dma_semaphore, #tpu.memory_space<semaphore_mem>>) src(%dma_wait3A_170 : memref<640x64xf32, #tpu.memory_space<vmem_shared>>) dst(%dma_wait3A_168 : memref<640x64xf32, #tpu.memory_space<hbm>>)
      tpu.yield
    }) : () -> ()
    "tpu.region"() ({
      %run_scoped3A_160 = tpu.sem_alloc : memref<!tpu.dma_semaphore, #tpu.memory_space<semaphore_mem>>
      %dma_start3A_161 = arith.constant 0 : i32
      %dma_start3A_162 = tpu.memref_slice %arg7[%arg0, %mul3A_159, %dma_start3A_161] : memref<2x10240x16xf32, #tpu.memory_space<hbm>> -> memref<1x640x16xf32, #tpu.memory_space<hbm>>
      %dma_start3A_163 = tpu.memref_squeeze %dma_start3A_162 : memref<1x640x16xf32, #tpu.memory_space<hbm>> -> memref<640x16xf32, #tpu.memory_space<hbm>>
      %dma_start3A_164 = arith.constant 0 : i32
      %dma_start3A_165 = tpu.memref_slice %arg14[%mul3A_159, %dma_start3A_164] : memref<10240x16xf32, #tpu.memory_space<vmem_shared>> -> memref<640x16xf32, #tpu.memory_space<vmem_shared>>
      tpu.enqueue_dma source(%dma_start3A_165 : memref<640x16xf32, #tpu.memory_space<vmem_shared>>) target(%dma_start3A_163 : memref<640x16xf32, #tpu.memory_space<hbm>>) target_semaphore(%run_scoped3A_160 : memref<!tpu.dma_semaphore, #tpu.memory_space<semaphore_mem>>)
      %dma_wait3A_166 = arith.constant 0 : i32
      %dma_wait3A_167 = tpu.memref_slice %arg7[%arg0, %mul3A_159, %dma_wait3A_166] : memref<2x10240x16xf32, #tpu.memory_space<hbm>> -> memref<1x640x16xf32, #tpu.memory_space<hbm>>
      %dma_wait3A_168 = tpu.memref_squeeze %dma_wait3A_167 : memref<1x640x16xf32, #tpu.memory_space<hbm>> -> memref<640x16xf32, #tpu.memory_space<hbm>>
      %dma_wait3A_169 = arith.constant 0 : i32
      %dma_wait3A_170 = tpu.memref_slice %arg14[%mul3A_159, %dma_wait3A_169] : memref<10240x16xf32, #tpu.memory_space<vmem_shared>> -> memref<640x16xf32, #tpu.memory_space<vmem_shared>>
      tpu.wait_dma2 semaphore(%run_scoped3A_160 : memref<!tpu.dma_semaphore, #tpu.memory_space<semaphore_mem>>) src(%dma_wait3A_170 : memref<640x16xf32, #tpu.memory_space<vmem_shared>>) dst(%dma_wait3A_168 : memref<640x16xf32, #tpu.memory_space<hbm>>)
      tpu.yield
    }) : () -> ()
    return
  }
}

#map = affine_map<(d0, d1) -> (0, 0)>
#map1 = affine_map<(d0, d1) -> (0, 0, 0)>
module attributes {stable_mosaic.version = 14 : i64} {
  func.func @_edge_agg_body(%arg0: i32, %arg1: i32, %arg2: memref<20000x64xf32, #tpu.memory_space<hbm>>, %arg3: memref<16x160x128xi32, #tpu.memory_space<hbm>>, %arg4: memref<16x160x128xi32, #tpu.memory_space<hbm>>, %arg5: memref<16x160x128xi32, #tpu.memory_space<hbm>>, %arg6: memref<2x10240x64xf32, #tpu.memory_space<hbm>>, %arg7: memref<160x128xi32, #tpu.memory_space<vmem>>, %arg8: memref<160x128xi32, #tpu.memory_space<vmem>>, %arg9: memref<4x128x64xf32, #tpu.memory_space<vmem>>, %arg10: memref<10240x64xf32, #tpu.memory_space<vmem_shared>>, %arg11: memref<!tpu.dma_semaphore, #tpu.memory_space<semaphore_mem>>, %arg12: memref<!tpu.dma_semaphore, #tpu.memory_space<semaphore_mem>>, %arg13: memref<!tpu.dma_semaphore, #tpu.memory_space<semaphore_mem>>, %arg14: memref<!tpu.dma_semaphore, #tpu.memory_space<semaphore_mem>>, %arg15: memref<!tpu.dma_semaphore, #tpu.memory_space<semaphore_mem>>, %arg16: memref<!tpu.dma_semaphore, #tpu.memory_space<semaphore_mem>>, %arg17: memref<!tpu.dma_semaphore, #tpu.memory_space<semaphore_mem>>, %arg18: memref<!tpu.dma_semaphore, #tpu.memory_space<semaphore_mem>>) attributes {dimension_semantics = [#tpu.dimension_semantics<core_parallel>, #tpu.dimension_semantics<subcore_parallel>], iteration_bounds = array<i64: 2, 16>, scalar_prefetch = 0 : i64, scratch_operands = 12 : i64, tpu.core_type = #tpu.core_type<sc_vector_subcore>, window_params = [{transform_indices = #map}, {transform_indices = #map1}, {transform_indices = #map1}, {transform_indices = #map1}, {transform_indices = #map1}]} {
    %eq3A = arith.constant 0 : i32
    %eq3A_0 = arith.cmpi eq, %arg0, %eq3A : i32
    %convert_element_type3A = arith.extui %eq3A_0 : i1 to i32
    %cond3A = arith.constant 0 : i32
    %cond3A_1 = arith.cmpi ne, %convert_element_type3A, %cond3A : i32
    scf.if %cond3A_1 {
      "tpu.region"() ({
        %run_scoped3A_140 = tpu.sem_alloc : memref<!tpu.dma_semaphore, #tpu.memory_space<semaphore_mem>>
        %dma_start3A_141 = arith.constant 0 : i32
        %dma_start3A_142 = arith.constant 0 : i32
        %dma_start3A_143 = tpu.memref_slice %arg3[%arg1, %dma_start3A_141, %dma_start3A_142] : memref<16x160x128xi32, #tpu.memory_space<hbm>> -> memref<1x160x128xi32, #tpu.memory_space<hbm>>
        %dma_start3A_144 = tpu.memref_squeeze %dma_start3A_143 : memref<1x160x128xi32, #tpu.memory_space<hbm>> -> memref<160x128xi32, #tpu.memory_space<hbm>>
        %dma_start3A_145 = arith.constant 0 : i32
        %dma_start3A_146 = arith.constant 0 : i32
        %dma_start3A_147 = tpu.memref_slice %arg3[%arg1, %dma_start3A_145, %dma_start3A_146] : memref<16x160x128xi32, #tpu.memory_space<hbm>> -> memref<1x160x128xi32, #tpu.memory_space<hbm>>
        %dma_start3A_148 = tpu.memref_squeeze %dma_start3A_147 : memref<1x160x128xi32, #tpu.memory_space<hbm>> -> memref<160x128xi32, #tpu.memory_space<hbm>>
        tpu.enqueue_dma source(%dma_start3A_148 : memref<160x128xi32, #tpu.memory_space<hbm>>) target(%arg7 : memref<160x128xi32, #tpu.memory_space<vmem>>) target_semaphore(%run_scoped3A_140 : memref<!tpu.dma_semaphore, #tpu.memory_space<semaphore_mem>>)
        %dma_wait3A_149 = arith.constant 0 : i32
        %dma_wait3A_150 = arith.constant 0 : i32
        %dma_wait3A_151 = tpu.memref_slice %arg3[%arg1, %dma_wait3A_149, %dma_wait3A_150] : memref<16x160x128xi32, #tpu.memory_space<hbm>> -> memref<1x160x128xi32, #tpu.memory_space<hbm>>
        %dma_wait3A_152 = tpu.memref_squeeze %dma_wait3A_151 : memref<1x160x128xi32, #tpu.memory_space<hbm>> -> memref<160x128xi32, #tpu.memory_space<hbm>>
        %dma_wait3A_153 = arith.constant 0 : i32
        %dma_wait3A_154 = arith.constant 0 : i32
        %dma_wait3A_155 = tpu.memref_slice %arg3[%arg1, %dma_wait3A_153, %dma_wait3A_154] : memref<16x160x128xi32, #tpu.memory_space<hbm>> -> memref<1x160x128xi32, #tpu.memory_space<hbm>>
        %dma_wait3A_156 = tpu.memref_squeeze %dma_wait3A_155 : memref<1x160x128xi32, #tpu.memory_space<hbm>> -> memref<160x128xi32, #tpu.memory_space<hbm>>
        tpu.wait_dma2 semaphore(%run_scoped3A_140 : memref<!tpu.dma_semaphore, #tpu.memory_space<semaphore_mem>>) src(%dma_wait3A_156 : memref<160x128xi32, #tpu.memory_space<hbm>>) dst(%arg7 : memref<160x128xi32, #tpu.memory_space<vmem>>)
        tpu.yield
      }) : () -> ()
    } else {
    }
    %eq3A_2 = arith.constant 1 : i32
    %eq3A_3 = arith.cmpi eq, %arg0, %eq3A_2 : i32
    %convert_element_type3A_4 = arith.extui %eq3A_3 : i1 to i32
    %cond3A_5 = arith.constant 0 : i32
    %cond3A_6 = arith.cmpi ne, %convert_element_type3A_4, %cond3A_5 : i32
    scf.if %cond3A_6 {
      "tpu.region"() ({
        %run_scoped3A_140 = tpu.sem_alloc : memref<!tpu.dma_semaphore, #tpu.memory_space<semaphore_mem>>
        %dma_start3A_141 = arith.constant 0 : i32
        %dma_start3A_142 = arith.constant 0 : i32
        %dma_start3A_143 = tpu.memref_slice %arg4[%arg1, %dma_start3A_141, %dma_start3A_142] : memref<16x160x128xi32, #tpu.memory_space<hbm>> -> memref<1x160x128xi32, #tpu.memory_space<hbm>>
        %dma_start3A_144 = tpu.memref_squeeze %dma_start3A_143 : memref<1x160x128xi32, #tpu.memory_space<hbm>> -> memref<160x128xi32, #tpu.memory_space<hbm>>
        %dma_start3A_145 = arith.constant 0 : i32
        %dma_start3A_146 = arith.constant 0 : i32
        %dma_start3A_147 = tpu.memref_slice %arg4[%arg1, %dma_start3A_145, %dma_start3A_146] : memref<16x160x128xi32, #tpu.memory_space<hbm>> -> memref<1x160x128xi32, #tpu.memory_space<hbm>>
        %dma_start3A_148 = tpu.memref_squeeze %dma_start3A_147 : memref<1x160x128xi32, #tpu.memory_space<hbm>> -> memref<160x128xi32, #tpu.memory_space<hbm>>
        tpu.enqueue_dma source(%dma_start3A_148 : memref<160x128xi32, #tpu.memory_space<hbm>>) target(%arg7 : memref<160x128xi32, #tpu.memory_space<vmem>>) target_semaphore(%run_scoped3A_140 : memref<!tpu.dma_semaphore, #tpu.memory_space<semaphore_mem>>)
        %dma_wait3A_149 = arith.constant 0 : i32
        %dma_wait3A_150 = arith.constant 0 : i32
        %dma_wait3A_151 = tpu.memref_slice %arg4[%arg1, %dma_wait3A_149, %dma_wait3A_150] : memref<16x160x128xi32, #tpu.memory_space<hbm>> -> memref<1x160x128xi32, #tpu.memory_space<hbm>>
        %dma_wait3A_152 = tpu.memref_squeeze %dma_wait3A_151 : memref<1x160x128xi32, #tpu.memory_space<hbm>> -> memref<160x128xi32, #tpu.memory_space<hbm>>
        %dma_wait3A_153 = arith.constant 0 : i32
        %dma_wait3A_154 = arith.constant 0 : i32
        %dma_wait3A_155 = tpu.memref_slice %arg4[%arg1, %dma_wait3A_153, %dma_wait3A_154] : memref<16x160x128xi32, #tpu.memory_space<hbm>> -> memref<1x160x128xi32, #tpu.memory_space<hbm>>
        %dma_wait3A_156 = tpu.memref_squeeze %dma_wait3A_155 : memref<1x160x128xi32, #tpu.memory_space<hbm>> -> memref<160x128xi32, #tpu.memory_space<hbm>>
        tpu.wait_dma2 semaphore(%run_scoped3A_140 : memref<!tpu.dma_semaphore, #tpu.memory_space<semaphore_mem>>) src(%dma_wait3A_156 : memref<160x128xi32, #tpu.memory_space<hbm>>) dst(%arg7 : memref<160x128xi32, #tpu.memory_space<vmem>>)
        tpu.yield
      }) : () -> ()
    } else {
    }
    "tpu.region"() ({
      %run_scoped3A_140 = tpu.sem_alloc : memref<!tpu.dma_semaphore, #tpu.memory_space<semaphore_mem>>
      %dma_start3A_141 = arith.constant 0 : i32
      %dma_start3A_142 = arith.constant 0 : i32
      %dma_start3A_143 = tpu.memref_slice %arg5[%arg1, %dma_start3A_141, %dma_start3A_142] : memref<16x160x128xi32, #tpu.memory_space<hbm>> -> memref<1x160x128xi32, #tpu.memory_space<hbm>>
      %dma_start3A_144 = tpu.memref_squeeze %dma_start3A_143 : memref<1x160x128xi32, #tpu.memory_space<hbm>> -> memref<160x128xi32, #tpu.memory_space<hbm>>
      %dma_start3A_145 = arith.constant 0 : i32
      %dma_start3A_146 = arith.constant 0 : i32
      %dma_start3A_147 = tpu.memref_slice %arg5[%arg1, %dma_start3A_145, %dma_start3A_146] : memref<16x160x128xi32, #tpu.memory_space<hbm>> -> memref<1x160x128xi32, #tpu.memory_space<hbm>>
      %dma_start3A_148 = tpu.memref_squeeze %dma_start3A_147 : memref<1x160x128xi32, #tpu.memory_space<hbm>> -> memref<160x128xi32, #tpu.memory_space<hbm>>
      tpu.enqueue_dma source(%dma_start3A_148 : memref<160x128xi32, #tpu.memory_space<hbm>>) target(%arg8 : memref<160x128xi32, #tpu.memory_space<vmem>>) target_semaphore(%run_scoped3A_140 : memref<!tpu.dma_semaphore, #tpu.memory_space<semaphore_mem>>)
      %dma_wait3A_149 = arith.constant 0 : i32
      %dma_wait3A_150 = arith.constant 0 : i32
      %dma_wait3A_151 = tpu.memref_slice %arg5[%arg1, %dma_wait3A_149, %dma_wait3A_150] : memref<16x160x128xi32, #tpu.memory_space<hbm>> -> memref<1x160x128xi32, #tpu.memory_space<hbm>>
      %dma_wait3A_152 = tpu.memref_squeeze %dma_wait3A_151 : memref<1x160x128xi32, #tpu.memory_space<hbm>> -> memref<160x128xi32, #tpu.memory_space<hbm>>
      %dma_wait3A_153 = arith.constant 0 : i32
      %dma_wait3A_154 = arith.constant 0 : i32
      %dma_wait3A_155 = tpu.memref_slice %arg5[%arg1, %dma_wait3A_153, %dma_wait3A_154] : memref<16x160x128xi32, #tpu.memory_space<hbm>> -> memref<1x160x128xi32, #tpu.memory_space<hbm>>
      %dma_wait3A_156 = tpu.memref_squeeze %dma_wait3A_155 : memref<1x160x128xi32, #tpu.memory_space<hbm>> -> memref<160x128xi32, #tpu.memory_space<hbm>>
      tpu.wait_dma2 semaphore(%run_scoped3A_140 : memref<!tpu.dma_semaphore, #tpu.memory_space<semaphore_mem>>) src(%dma_wait3A_156 : memref<160x128xi32, #tpu.memory_space<hbm>>) dst(%arg8 : memref<160x128xi32, #tpu.memory_space<vmem>>)
      tpu.yield
    }) : () -> ()
    %broadcast_in_dim3A = arith.constant 0.000000e+00 : f32
    %broadcast_in_dim3A_7 = vector.broadcast %broadcast_in_dim3A : f32 to vector<16xf32>
    %broadcast_in_dim3A_8 = arith.constant 1.000000e+00 : f32
    %broadcast_in_dim3A_9 = vector.broadcast %broadcast_in_dim3A_8 : f32 to vector<16xf32>
    %scan3A = arith.constant 0 : i32
    %scan3A_10 = arith.constant 0 : i32
    %scan3A_11 = arith.constant 128 : i32
    %scan3A_12 = arith.addi %scan3A_10, %scan3A_11 : i32
    %scan3A_13 = arith.constant 1 : i32
    scf.for %scan3A_140 = %scan3A_10 to %scan3A_12 step %scan3A_13  : i32 {
      %swap3A = arith.constant 0 : i32
      %swap3A_141 = arith.index_cast %swap3A : i32 to index
      %swap3A_142 = arith.index_cast %scan3A_140 : i32 to index
      %swap3A_143 = arith.constant 0 : index
      %swap3A_144 = tpu.vector_load %arg9[%swap3A_141, %swap3A_142, %swap3A_143] {strides = array<i32>} : memref<4x128x64xf32, #tpu.memory_space<vmem>>, vector<1x1x16xf32>,
      %swap3A_145 = vector.shape_cast %swap3A_144 : vector<1x1x16xf32> to vector<16xf32>
      %swap3A_146 = vector.shape_cast %broadcast_in_dim3A_7 : vector<16xf32> to vector<1x1x16xf32>
      tpu.vector_store %arg9[%swap3A_141, %swap3A_142, %swap3A_143], %swap3A_146 {strides = array<i32>} : memref<4x128x64xf32, #tpu.memory_space<vmem>>, vector<1x1x16xf32>,
      %swap3A_147 = arith.constant 0 : i32
      %swap3A_148 = arith.index_cast %swap3A_147 : i32 to index
      %swap3A_149 = arith.index_cast %scan3A_140 : i32 to index
      %swap3A_150 = arith.constant 16 : index
      %swap3A_151 = tpu.vector_load %arg9[%swap3A_148, %swap3A_149, %swap3A_150] {strides = array<i32>} : memref<4x128x64xf32, #tpu.memory_space<vmem>>, vector<1x1x16xf32>,
      %swap3A_152 = vector.shape_cast %swap3A_151 : vector<1x1x16xf32> to vector<16xf32>
      %swap3A_153 = vector.shape_cast %broadcast_in_dim3A_7 : vector<16xf32> to vector<1x1x16xf32>
      tpu.vector_store %arg9[%swap3A_148, %swap3A_149, %swap3A_150], %swap3A_153 {strides = array<i32>} : memref<4x128x64xf32, #tpu.memory_space<vmem>>, vector<1x1x16xf32>,
      %swap3A_154 = arith.constant 0 : i32
      %swap3A_155 = arith.index_cast %swap3A_154 : i32 to index
      %swap3A_156 = arith.index_cast %scan3A_140 : i32 to index
      %swap3A_157 = arith.constant 32 : index
      %swap3A_158 = tpu.vector_load %arg9[%swap3A_155, %swap3A_156, %swap3A_157] {strides = array<i32>} : memref<4x128x64xf32, #tpu.memory_space<vmem>>, vector<1x1x16xf32>,
      %swap3A_159 = vector.shape_cast %swap3A_158 : vector<1x1x16xf32> to vector<16xf32>
      %swap3A_160 = vector.shape_cast %broadcast_in_dim3A_7 : vector<16xf32> to vector<1x1x16xf32>
      tpu.vector_store %arg9[%swap3A_155, %swap3A_156, %swap3A_157], %swap3A_160 {strides = array<i32>} : memref<4x128x64xf32, #tpu.memory_space<vmem>>, vector<1x1x16xf32>,
      %swap3A_161 = arith.constant 0 : i32
      %swap3A_162 = arith.index_cast %swap3A_161 : i32 to index
      %swap3A_163 = arith.index_cast %scan3A_140 : i32 to index
      %swap3A_164 = arith.constant 48 : index
      %swap3A_165 = tpu.vector_load %arg9[%swap3A_162, %swap3A_163, %swap3A_164] {strides = array<i32>} : memref<4x128x64xf32, #tpu.memory_space<vmem>>, vector<1x1x16xf32>,
      %swap3A_166 = vector.shape_cast %swap3A_165 : vector<1x1x16xf32> to vector<16xf32>
      %swap3A_167 = vector.shape_cast %broadcast_in_dim3A_7 : vector<16xf32> to vector<1x1x16xf32>
      tpu.vector_store %arg9[%swap3A_162, %swap3A_163, %swap3A_164], %swap3A_167 {strides = array<i32>} : memref<4x128x64xf32, #tpu.memory_space<vmem>>, vector<1x1x16xf32>,
    }
    %scan3A_14 = arith.constant 128 : i32
    %mul3A = arith.constant 640 : i32
    %mul3A_15 = arith.muli %arg1, %mul3A : i32
    %add3A = arith.constant 0 : i32
    %add3A_16 = arith.addi %mul3A_15, %add3A : i32
    %run_scoped3A = arith.constant 0 : i32
    "tpu.region"() ({
      %run_scoped3A_140 = tpu.sem_alloc : memref<!tpu.dma_semaphore, #tpu.memory_space<semaphore_mem>>
      %dma_start3A_141 = arith.constant 0 : i32
      %dma_start3A_142 = arith.constant 0 : i32
      %dma_start3A_143 = tpu.memref_slice %arg9[%run_scoped3A, %dma_start3A_141, %dma_start3A_142] : memref<4x128x64xf32, #tpu.memory_space<vmem>> -> memref<1x128x64xf32, #tpu.memory_space<vmem>>
      %dma_start3A_144 = tpu.memref_squeeze %dma_start3A_143 : memref<1x128x64xf32, #tpu.memory_space<vmem>> -> memref<128x64xf32, #tpu.memory_space<vmem>>
      %dma_start3A_145 = arith.constant 0 : i32
      %dma_start3A_146 = tpu.memref_slice %arg10[%add3A_16, %dma_start3A_145] : memref<10240x64xf32, #tpu.memory_space<vmem_shared>> -> memref<128x64xf32, #tpu.memory_space<vmem_shared>>
      %dma_start3A_147 = arith.constant 0 : i32
      %dma_start3A_148 = tpu.memref_slice %arg10[%add3A_16, %dma_start3A_147] : memref<10240x64xf32, #tpu.memory_space<vmem_shared>> -> memref<128x64xf32, #tpu.memory_space<vmem_shared>>
      %dma_start3A_149 = arith.constant 0 : i32
      %dma_start3A_150 = arith.constant 0 : i32
      %dma_start3A_151 = tpu.memref_slice %arg9[%run_scoped3A, %dma_start3A_149, %dma_start3A_150] : memref<4x128x64xf32, #tpu.memory_space<vmem>> -> memref<1x128x64xf32, #tpu.memory_space<vmem>>
      %dma_start3A_152 = tpu.memref_squeeze %dma_start3A_151 : memref<1x128x64xf32, #tpu.memory_space<vmem>> -> memref<128x64xf32, #tpu.memory_space<vmem>>
      tpu.enqueue_dma source(%dma_start3A_152 : memref<128x64xf32, #tpu.memory_space<vmem>>) target(%dma_start3A_148 : memref<128x64xf32, #tpu.memory_space<vmem_shared>>) target_semaphore(%run_scoped3A_140 : memref<!tpu.dma_semaphore, #tpu.memory_space<semaphore_mem>>)
      %dma_wait3A_153 = arith.constant 0 : i32
      %dma_wait3A_154 = arith.constant 0 : i32
      %dma_wait3A_155 = tpu.memref_slice %arg9[%run_scoped3A, %dma_wait3A_153, %dma_wait3A_154] : memref<4x128x64xf32, #tpu.memory_space<vmem>> -> memref<1x128x64xf32, #tpu.memory_space<vmem>>
      %dma_wait3A_156 = tpu.memref_squeeze %dma_wait3A_155 : memref<1x128x64xf32, #tpu.memory_space<vmem>> -> memref<128x64xf32, #tpu.memory_space<vmem>>
      %dma_wait3A_157 = arith.constant 0 : i32
      %dma_wait3A_158 = tpu.memref_slice %arg10[%add3A_16, %dma_wait3A_157] : memref<10240x64xf32, #tpu.memory_space<vmem_shared>> -> memref<128x64xf32, #tpu.memory_space<vmem_shared>>
      %dma_wait3A_159 = arith.constant 0 : i32
      %dma_wait3A_160 = tpu.memref_slice %arg10[%add3A_16, %dma_wait3A_159] : memref<10240x64xf32, #tpu.memory_space<vmem_shared>> -> memref<128x64xf32, #tpu.memory_space<vmem_shared>>
      %dma_wait3A_161 = arith.constant 0 : i32
      %dma_wait3A_162 = arith.constant 0 : i32
      %dma_wait3A_163 = tpu.memref_slice %arg9[%run_scoped3A, %dma_wait3A_161, %dma_wait3A_162] : memref<4x128x64xf32, #tpu.memory_space<vmem>> -> memref<1x128x64xf32, #tpu.memory_space<vmem>>
      %dma_wait3A_164 = tpu.memref_squeeze %dma_wait3A_163 : memref<1x128x64xf32, #tpu.memory_space<vmem>> -> memref<128x64xf32, #tpu.memory_space<vmem>>
      tpu.wait_dma2 semaphore(%run_scoped3A_140 : memref<!tpu.dma_semaphore, #tpu.memory_space<semaphore_mem>>) src(%dma_wait3A_164 : memref<128x64xf32, #tpu.memory_space<vmem>>) dst(%dma_wait3A_160 : memref<128x64xf32, #tpu.memory_space<vmem_shared>>)
      tpu.yield
    }) : () -> ()
    %mul3A_17 = arith.constant 640 : i32
    %mul3A_18 = arith.muli %arg1, %mul3A_17 : i32
    %add3A_19 = arith.constant 128 : i32
    %add3A_20 = arith.addi %mul3A_18, %add3A_19 : i32
    %run_scoped3A_21 = arith.constant 0 : i32
    "tpu.region"() ({
      %run_scoped3A_140 = tpu.sem_alloc : memref<!tpu.dma_semaphore, #tpu.memory_space<semaphore_mem>>
      %dma_start3A_141 = arith.constant 0 : i32
      %dma_start3A_142 = arith.constant 0 : i32
      %dma_start3A_143 = tpu.memref_slice %arg9[%run_scoped3A_21, %dma_start3A_141, %dma_start3A_142] : memref<4x128x64xf32, #tpu.memory_space<vmem>> -> memref<1x128x64xf32, #tpu.memory_space<vmem>>
      %dma_start3A_144 = tpu.memref_squeeze %dma_start3A_143 : memref<1x128x64xf32, #tpu.memory_space<vmem>> -> memref<128x64xf32, #tpu.memory_space<vmem>>
      %dma_start3A_145 = arith.constant 0 : i32
      %dma_start3A_146 = tpu.memref_slice %arg10[%add3A_20, %dma_start3A_145] : memref<10240x64xf32, #tpu.memory_space<vmem_shared>> -> memref<128x64xf32, #tpu.memory_space<vmem_shared>>
      %dma_start3A_147 = arith.constant 0 : i32
      %dma_start3A_148 = tpu.memref_slice %arg10[%add3A_20, %dma_start3A_147] : memref<10240x64xf32, #tpu.memory_space<vmem_shared>> -> memref<128x64xf32, #tpu.memory_space<vmem_shared>>
      %dma_start3A_149 = arith.constant 0 : i32
      %dma_start3A_150 = arith.constant 0 : i32
      %dma_start3A_151 = tpu.memref_slice %arg9[%run_scoped3A_21, %dma_start3A_149, %dma_start3A_150] : memref<4x128x64xf32, #tpu.memory_space<vmem>> -> memref<1x128x64xf32, #tpu.memory_space<vmem>>
      %dma_start3A_152 = tpu.memref_squeeze %dma_start3A_151 : memref<1x128x64xf32, #tpu.memory_space<vmem>> -> memref<128x64xf32, #tpu.memory_space<vmem>>
      tpu.enqueue_dma source(%dma_start3A_152 : memref<128x64xf32, #tpu.memory_space<vmem>>) target(%dma_start3A_148 : memref<128x64xf32, #tpu.memory_space<vmem_shared>>) target_semaphore(%run_scoped3A_140 : memref<!tpu.dma_semaphore, #tpu.memory_space<semaphore_mem>>)
      %dma_wait3A_153 = arith.constant 0 : i32
      %dma_wait3A_154 = arith.constant 0 : i32
      %dma_wait3A_155 = tpu.memref_slice %arg9[%run_scoped3A_21, %dma_wait3A_153, %dma_wait3A_154] : memref<4x128x64xf32, #tpu.memory_space<vmem>> -> memref<1x128x64xf32, #tpu.memory_space<vmem>>
      %dma_wait3A_156 = tpu.memref_squeeze %dma_wait3A_155 : memref<1x128x64xf32, #tpu.memory_space<vmem>> -> memref<128x64xf32, #tpu.memory_space<vmem>>
      %dma_wait3A_157 = arith.constant 0 : i32
      %dma_wait3A_158 = tpu.memref_slice %arg10[%add3A_20, %dma_wait3A_157] : memref<10240x64xf32, #tpu.memory_space<vmem_shared>> -> memref<128x64xf32, #tpu.memory_space<vmem_shared>>
      %dma_wait3A_159 = arith.constant 0 : i32
      %dma_wait3A_160 = tpu.memref_slice %arg10[%add3A_20, %dma_wait3A_159] : memref<10240x64xf32, #tpu.memory_space<vmem_shared>> -> memref<128x64xf32, #tpu.memory_space<vmem_shared>>
      %dma_wait3A_161 = arith.constant 0 : i32
      %dma_wait3A_162 = arith.constant 0 : i32
      %dma_wait3A_163 = tpu.memref_slice %arg9[%run_scoped3A_21, %dma_wait3A_161, %dma_wait3A_162] : memref<4x128x64xf32, #tpu.memory_space<vmem>> -> memref<1x128x64xf32, #tpu.memory_space<vmem>>
      %dma_wait3A_164 = tpu.memref_squeeze %dma_wait3A_163 : memref<1x128x64xf32, #tpu.memory_space<vmem>> -> memref<128x64xf32, #tpu.memory_space<vmem>>
      tpu.wait_dma2 semaphore(%run_scoped3A_140 : memref<!tpu.dma_semaphore, #tpu.memory_space<semaphore_mem>>) src(%dma_wait3A_164 : memref<128x64xf32, #tpu.memory_space<vmem>>) dst(%dma_wait3A_160 : memref<128x64xf32, #tpu.memory_space<vmem_shared>>)
      tpu.yield
    }) : () -> ()
    %mul3A_22 = arith.constant 640 : i32
    %mul3A_23 = arith.muli %arg1, %mul3A_22 : i32
    %add3A_24 = arith.constant 256 : i32
    %add3A_25 = arith.addi %mul3A_23, %add3A_24 : i32
    %run_scoped3A_26 = arith.constant 0 : i32
    "tpu.region"() ({
      %run_scoped3A_140 = tpu.sem_alloc : memref<!tpu.dma_semaphore, #tpu.memory_space<semaphore_mem>>
      %dma_start3A_141 = arith.constant 0 : i32
      %dma_start3A_142 = arith.constant 0 : i32
      %dma_start3A_143 = tpu.memref_slice %arg9[%run_scoped3A_26, %dma_start3A_141, %dma_start3A_142] : memref<4x128x64xf32, #tpu.memory_space<vmem>> -> memref<1x128x64xf32, #tpu.memory_space<vmem>>
      %dma_start3A_144 = tpu.memref_squeeze %dma_start3A_143 : memref<1x128x64xf32, #tpu.memory_space<vmem>> -> memref<128x64xf32, #tpu.memory_space<vmem>>
      %dma_start3A_145 = arith.constant 0 : i32
      %dma_start3A_146 = tpu.memref_slice %arg10[%add3A_25, %dma_start3A_145] : memref<10240x64xf32, #tpu.memory_space<vmem_shared>> -> memref<128x64xf32, #tpu.memory_space<vmem_shared>>
      %dma_start3A_147 = arith.constant 0 : i32
      %dma_start3A_148 = tpu.memref_slice %arg10[%add3A_25, %dma_start3A_147] : memref<10240x64xf32, #tpu.memory_space<vmem_shared>> -> memref<128x64xf32, #tpu.memory_space<vmem_shared>>
      %dma_start3A_149 = arith.constant 0 : i32
      %dma_start3A_150 = arith.constant 0 : i32
      %dma_start3A_151 = tpu.memref_slice %arg9[%run_scoped3A_26, %dma_start3A_149, %dma_start3A_150] : memref<4x128x64xf32, #tpu.memory_space<vmem>> -> memref<1x128x64xf32, #tpu.memory_space<vmem>>
      %dma_start3A_152 = tpu.memref_squeeze %dma_start3A_151 : memref<1x128x64xf32, #tpu.memory_space<vmem>> -> memref<128x64xf32, #tpu.memory_space<vmem>>
      tpu.enqueue_dma source(%dma_start3A_152 : memref<128x64xf32, #tpu.memory_space<vmem>>) target(%dma_start3A_148 : memref<128x64xf32, #tpu.memory_space<vmem_shared>>) target_semaphore(%run_scoped3A_140 : memref<!tpu.dma_semaphore, #tpu.memory_space<semaphore_mem>>)
      %dma_wait3A_153 = arith.constant 0 : i32
      %dma_wait3A_154 = arith.constant 0 : i32
      %dma_wait3A_155 = tpu.memref_slice %arg9[%run_scoped3A_26, %dma_wait3A_153, %dma_wait3A_154] : memref<4x128x64xf32, #tpu.memory_space<vmem>> -> memref<1x128x64xf32, #tpu.memory_space<vmem>>
      %dma_wait3A_156 = tpu.memref_squeeze %dma_wait3A_155 : memref<1x128x64xf32, #tpu.memory_space<vmem>> -> memref<128x64xf32, #tpu.memory_space<vmem>>
      %dma_wait3A_157 = arith.constant 0 : i32
      %dma_wait3A_158 = tpu.memref_slice %arg10[%add3A_25, %dma_wait3A_157] : memref<10240x64xf32, #tpu.memory_space<vmem_shared>> -> memref<128x64xf32, #tpu.memory_space<vmem_shared>>
      %dma_wait3A_159 = arith.constant 0 : i32
      %dma_wait3A_160 = tpu.memref_slice %arg10[%add3A_25, %dma_wait3A_159] : memref<10240x64xf32, #tpu.memory_space<vmem_shared>> -> memref<128x64xf32, #tpu.memory_space<vmem_shared>>
      %dma_wait3A_161 = arith.constant 0 : i32
      %dma_wait3A_162 = arith.constant 0 : i32
      %dma_wait3A_163 = tpu.memref_slice %arg9[%run_scoped3A_26, %dma_wait3A_161, %dma_wait3A_162] : memref<4x128x64xf32, #tpu.memory_space<vmem>> -> memref<1x128x64xf32, #tpu.memory_space<vmem>>
      %dma_wait3A_164 = tpu.memref_squeeze %dma_wait3A_163 : memref<1x128x64xf32, #tpu.memory_space<vmem>> -> memref<128x64xf32, #tpu.memory_space<vmem>>
      tpu.wait_dma2 semaphore(%run_scoped3A_140 : memref<!tpu.dma_semaphore, #tpu.memory_space<semaphore_mem>>) src(%dma_wait3A_164 : memref<128x64xf32, #tpu.memory_space<vmem>>) dst(%dma_wait3A_160 : memref<128x64xf32, #tpu.memory_space<vmem_shared>>)
      tpu.yield
    }) : () -> ()
    %mul3A_27 = arith.constant 640 : i32
    %mul3A_28 = arith.muli %arg1, %mul3A_27 : i32
    %add3A_29 = arith.constant 384 : i32
    %add3A_30 = arith.addi %mul3A_28, %add3A_29 : i32
    %run_scoped3A_31 = arith.constant 0 : i32
    "tpu.region"() ({
      %run_scoped3A_140 = tpu.sem_alloc : memref<!tpu.dma_semaphore, #tpu.memory_space<semaphore_mem>>
      %dma_start3A_141 = arith.constant 0 : i32
      %dma_start3A_142 = arith.constant 0 : i32
      %dma_start3A_143 = tpu.memref_slice %arg9[%run_scoped3A_31, %dma_start3A_141, %dma_start3A_142] : memref<4x128x64xf32, #tpu.memory_space<vmem>> -> memref<1x128x64xf32, #tpu.memory_space<vmem>>
      %dma_start3A_144 = tpu.memref_squeeze %dma_start3A_143 : memref<1x128x64xf32, #tpu.memory_space<vmem>> -> memref<128x64xf32, #tpu.memory_space<vmem>>
      %dma_start3A_145 = arith.constant 0 : i32
      %dma_start3A_146 = tpu.memref_slice %arg10[%add3A_30, %dma_start3A_145] : memref<10240x64xf32, #tpu.memory_space<vmem_shared>> -> memref<128x64xf32, #tpu.memory_space<vmem_shared>>
      %dma_start3A_147 = arith.constant 0 : i32
      %dma_start3A_148 = tpu.memref_slice %arg10[%add3A_30, %dma_start3A_147] : memref<10240x64xf32, #tpu.memory_space<vmem_shared>> -> memref<128x64xf32, #tpu.memory_space<vmem_shared>>
      %dma_start3A_149 = arith.constant 0 : i32
      %dma_start3A_150 = arith.constant 0 : i32
      %dma_start3A_151 = tpu.memref_slice %arg9[%run_scoped3A_31, %dma_start3A_149, %dma_start3A_150] : memref<4x128x64xf32, #tpu.memory_space<vmem>> -> memref<1x128x64xf32, #tpu.memory_space<vmem>>
      %dma_start3A_152 = tpu.memref_squeeze %dma_start3A_151 : memref<1x128x64xf32, #tpu.memory_space<vmem>> -> memref<128x64xf32, #tpu.memory_space<vmem>>
      tpu.enqueue_dma source(%dma_start3A_152 : memref<128x64xf32, #tpu.memory_space<vmem>>) target(%dma_start3A_148 : memref<128x64xf32, #tpu.memory_space<vmem_shared>>) target_semaphore(%run_scoped3A_140 : memref<!tpu.dma_semaphore, #tpu.memory_space<semaphore_mem>>)
      %dma_wait3A_153 = arith.constant 0 : i32
      %dma_wait3A_154 = arith.constant 0 : i32
      %dma_wait3A_155 = tpu.memref_slice %arg9[%run_scoped3A_31, %dma_wait3A_153, %dma_wait3A_154] : memref<4x128x64xf32, #tpu.memory_space<vmem>> -> memref<1x128x64xf32, #tpu.memory_space<vmem>>
      %dma_wait3A_156 = tpu.memref_squeeze %dma_wait3A_155 : memref<1x128x64xf32, #tpu.memory_space<vmem>> -> memref<128x64xf32, #tpu.memory_space<vmem>>
      %dma_wait3A_157 = arith.constant 0 : i32
      %dma_wait3A_158 = tpu.memref_slice %arg10[%add3A_30, %dma_wait3A_157] : memref<10240x64xf32, #tpu.memory_space<vmem_shared>> -> memref<128x64xf32, #tpu.memory_space<vmem_shared>>
      %dma_wait3A_159 = arith.constant 0 : i32
      %dma_wait3A_160 = tpu.memref_slice %arg10[%add3A_30, %dma_wait3A_159] : memref<10240x64xf32, #tpu.memory_space<vmem_shared>> -> memref<128x64xf32, #tpu.memory_space<vmem_shared>>
      %dma_wait3A_161 = arith.constant 0 : i32
      %dma_wait3A_162 = arith.constant 0 : i32
      %dma_wait3A_163 = tpu.memref_slice %arg9[%run_scoped3A_31, %dma_wait3A_161, %dma_wait3A_162] : memref<4x128x64xf32, #tpu.memory_space<vmem>> -> memref<1x128x64xf32, #tpu.memory_space<vmem>>
      %dma_wait3A_164 = tpu.memref_squeeze %dma_wait3A_163 : memref<1x128x64xf32, #tpu.memory_space<vmem>> -> memref<128x64xf32, #tpu.memory_space<vmem>>
      tpu.wait_dma2 semaphore(%run_scoped3A_140 : memref<!tpu.dma_semaphore, #tpu.memory_space<semaphore_mem>>) src(%dma_wait3A_164 : memref<128x64xf32, #tpu.memory_space<vmem>>) dst(%dma_wait3A_160 : memref<128x64xf32, #tpu.memory_space<vmem_shared>>)
      tpu.yield
    }) : () -> ()
    %mul3A_32 = arith.constant 640 : i32
    %mul3A_33 = arith.muli %arg1, %mul3A_32 : i32
    %add3A_34 = arith.constant 512 : i32
    %add3A_35 = arith.addi %mul3A_33, %add3A_34 : i32
    %run_scoped3A_36 = arith.constant 0 : i32
    "tpu.region"() ({
      %run_scoped3A_140 = tpu.sem_alloc : memref<!tpu.dma_semaphore, #tpu.memory_space<semaphore_mem>>
      %dma_start3A_141 = arith.constant 0 : i32
      %dma_start3A_142 = arith.constant 0 : i32
      %dma_start3A_143 = tpu.memref_slice %arg9[%run_scoped3A_36, %dma_start3A_141, %dma_start3A_142] : memref<4x128x64xf32, #tpu.memory_space<vmem>> -> memref<1x128x64xf32, #tpu.memory_space<vmem>>
      %dma_start3A_144 = tpu.memref_squeeze %dma_start3A_143 : memref<1x128x64xf32, #tpu.memory_space<vmem>> -> memref<128x64xf32, #tpu.memory_space<vmem>>
      %dma_start3A_145 = arith.constant 0 : i32
      %dma_start3A_146 = tpu.memref_slice %arg10[%add3A_35, %dma_start3A_145] : memref<10240x64xf32, #tpu.memory_space<vmem_shared>> -> memref<128x64xf32, #tpu.memory_space<vmem_shared>>
      %dma_start3A_147 = arith.constant 0 : i32
      %dma_start3A_148 = tpu.memref_slice %arg10[%add3A_35, %dma_start3A_147] : memref<10240x64xf32, #tpu.memory_space<vmem_shared>> -> memref<128x64xf32, #tpu.memory_space<vmem_shared>>
      %dma_start3A_149 = arith.constant 0 : i32
      %dma_start3A_150 = arith.constant 0 : i32
      %dma_start3A_151 = tpu.memref_slice %arg9[%run_scoped3A_36, %dma_start3A_149, %dma_start3A_150] : memref<4x128x64xf32, #tpu.memory_space<vmem>> -> memref<1x128x64xf32, #tpu.memory_space<vmem>>
      %dma_start3A_152 = tpu.memref_squeeze %dma_start3A_151 : memref<1x128x64xf32, #tpu.memory_space<vmem>> -> memref<128x64xf32, #tpu.memory_space<vmem>>
      tpu.enqueue_dma source(%dma_start3A_152 : memref<128x64xf32, #tpu.memory_space<vmem>>) target(%dma_start3A_148 : memref<128x64xf32, #tpu.memory_space<vmem_shared>>) target_semaphore(%run_scoped3A_140 : memref<!tpu.dma_semaphore, #tpu.memory_space<semaphore_mem>>)
      %dma_wait3A_153 = arith.constant 0 : i32
      %dma_wait3A_154 = arith.constant 0 : i32
      %dma_wait3A_155 = tpu.memref_slice %arg9[%run_scoped3A_36, %dma_wait3A_153, %dma_wait3A_154] : memref<4x128x64xf32, #tpu.memory_space<vmem>> -> memref<1x128x64xf32, #tpu.memory_space<vmem>>
      %dma_wait3A_156 = tpu.memref_squeeze %dma_wait3A_155 : memref<1x128x64xf32, #tpu.memory_space<vmem>> -> memref<128x64xf32, #tpu.memory_space<vmem>>
      %dma_wait3A_157 = arith.constant 0 : i32
      %dma_wait3A_158 = tpu.memref_slice %arg10[%add3A_35, %dma_wait3A_157] : memref<10240x64xf32, #tpu.memory_space<vmem_shared>> -> memref<128x64xf32, #tpu.memory_space<vmem_shared>>
      %dma_wait3A_159 = arith.constant 0 : i32
      %dma_wait3A_160 = tpu.memref_slice %arg10[%add3A_35, %dma_wait3A_159] : memref<10240x64xf32, #tpu.memory_space<vmem_shared>> -> memref<128x64xf32, #tpu.memory_space<vmem_shared>>
      %dma_wait3A_161 = arith.constant 0 : i32
      %dma_wait3A_162 = arith.constant 0 : i32
      %dma_wait3A_163 = tpu.memref_slice %arg9[%run_scoped3A_36, %dma_wait3A_161, %dma_wait3A_162] : memref<4x128x64xf32, #tpu.memory_space<vmem>> -> memref<1x128x64xf32, #tpu.memory_space<vmem>>
      %dma_wait3A_164 = tpu.memref_squeeze %dma_wait3A_163 : memref<1x128x64xf32, #tpu.memory_space<vmem>> -> memref<128x64xf32, #tpu.memory_space<vmem>>
      tpu.wait_dma2 semaphore(%run_scoped3A_140 : memref<!tpu.dma_semaphore, #tpu.memory_space<semaphore_mem>>) src(%dma_wait3A_164 : memref<128x64xf32, #tpu.memory_space<vmem>>) dst(%dma_wait3A_160 : memref<128x64xf32, #tpu.memory_space<vmem_shared>>)
      tpu.yield
    }) : () -> ()
    %barrier3A = arith.constant 0 : index
    tpu.barrier barrier_id(%barrier3A)
    %dma_start3A = arith.constant 0 : i32
    %dma_start3A_37 = arith.constant 0 : i32
    %dma_start3A_38 = arith.constant 0 : i32
    %dma_start3A_39 = arith.constant 0 : i32
    %dma_start3A_40 = tpu.memref_slice %arg9[%dma_start3A_37, %dma_start3A_38, %dma_start3A_39] : memref<4x128x64xf32, #tpu.memory_space<vmem>> -> memref<1x128x64xf32, #tpu.memory_space<vmem>>
    %dma_start3A_41 = tpu.memref_squeeze %dma_start3A_40 : memref<1x128x64xf32, #tpu.memory_space<vmem>> -> memref<128x64xf32, #tpu.memory_space<vmem>>
    %dma_start3A_42 = arith.constant 0 : i32
    %dma_start3A_43 = tpu.memref_slice %arg7[%dma_start3A, %dma_start3A_42] : memref<160x128xi32, #tpu.memory_space<vmem>> -> memref<1x128xi32, #tpu.memory_space<vmem>>
    %dma_start3A_44 = tpu.memref_squeeze %dma_start3A_43 : memref<1x128xi32, #tpu.memory_space<vmem>> -> memref<128xi32, #tpu.memory_space<vmem>>
    %dma_start3A_45 = arith.constant 0 : i32
    %dma_start3A_46 = arith.constant 0 : i32
    %dma_start3A_47 = tpu.memref_slice %arg2[%dma_start3A_45, %dma_start3A_46] : memref<20000x64xf32, #tpu.memory_space<hbm>> -> memref<20000x64xf32, #tpu.memory_space<hbm>>
    tpu.enqueue_indirect_dma source(%dma_start3A_47 : memref<20000x64xf32, #tpu.memory_space<hbm>>) target(%dma_start3A_41 : memref<128x64xf32, #tpu.memory_space<vmem>>) offsets(%dma_start3A_44 : memref<128xi32, #tpu.memory_space<vmem>>) semaphore(%arg11 : memref<!tpu.dma_semaphore, #tpu.memory_space<semaphore_mem>>)
    %dma_start3A_48 = arith.constant 1 : i32
    %dma_start3A_49 = arith.constant 1 : i32
    %dma_start3A_50 = arith.constant 0 : i32
    %dma_start3A_51 = arith.constant 0 : i32
    %dma_start3A_52 = tpu.memref_slice %arg9[%dma_start3A_49, %dma_start3A_50, %dma_start3A_51] : memref<4x128x64xf32, #tpu.memory_space<vmem>> -> memref<1x128x64xf32, #tpu.memory_space<vmem>>
    %dma_start3A_53 = tpu.memref_squeeze %dma_start3A_52 : memref<1x128x64xf32, #tpu.memory_space<vmem>> -> memref<128x64xf32, #tpu.memory_space<vmem>>
    %dma_start3A_54 = arith.constant 0 : i32
    %dma_start3A_55 = tpu.memref_slice %arg7[%dma_start3A_48, %dma_start3A_54] : memref<160x128xi32, #tpu.memory_space<vmem>> -> memref<1x128xi32, #tpu.memory_space<vmem>>
    %dma_start3A_56 = tpu.memref_squeeze %dma_start3A_55 : memref<1x128xi32, #tpu.memory_space<vmem>> -> memref<128xi32, #tpu.memory_space<vmem>>
    %dma_start3A_57 = arith.constant 0 : i32
    %dma_start3A_58 = arith.constant 0 : i32
    %dma_start3A_59 = tpu.memref_slice %arg2[%dma_start3A_57, %dma_start3A_58] : memref<20000x64xf32, #tpu.memory_space<hbm>> -> memref<20000x64xf32, #tpu.memory_space<hbm>>
    tpu.enqueue_indirect_dma source(%dma_start3A_59 : memref<20000x64xf32, #tpu.memory_space<hbm>>) target(%dma_start3A_53 : memref<128x64xf32, #tpu.memory_space<vmem>>) offsets(%dma_start3A_56 : memref<128xi32, #tpu.memory_space<vmem>>) semaphore(%arg12 : memref<!tpu.dma_semaphore, #tpu.memory_space<semaphore_mem>>)
    %dma_start3A_60 = arith.constant 2 : i32
    %dma_start3A_61 = arith.constant 2 : i32
    %dma_start3A_62 = arith.constant 0 : i32
    %dma_start3A_63 = arith.constant 0 : i32
    %dma_start3A_64 = tpu.memref_slice %arg9[%dma_start3A_61, %dma_start3A_62, %dma_start3A_63] : memref<4x128x64xf32, #tpu.memory_space<vmem>> -> memref<1x128x64xf32, #tpu.memory_space<vmem>>
    %dma_start3A_65 = tpu.memref_squeeze %dma_start3A_64 : memref<1x128x64xf32, #tpu.memory_space<vmem>> -> memref<128x64xf32, #tpu.memory_space<vmem>>
    %dma_start3A_66 = arith.constant 0 : i32
    %dma_start3A_67 = tpu.memref_slice %arg7[%dma_start3A_60, %dma_start3A_66] : memref<160x128xi32, #tpu.memory_space<vmem>> -> memref<1x128xi32, #tpu.memory_space<vmem>>
    %dma_start3A_68 = tpu.memref_squeeze %dma_start3A_67 : memref<1x128xi32, #tpu.memory_space<vmem>> -> memref<128xi32, #tpu.memory_space<vmem>>
    %dma_start3A_69 = arith.constant 0 : i32
    %dma_start3A_70 = arith.constant 0 : i32
    %dma_start3A_71 = tpu.memref_slice %arg2[%dma_start3A_69, %dma_start3A_70] : memref<20000x64xf32, #tpu.memory_space<hbm>> -> memref<20000x64xf32, #tpu.memory_space<hbm>>
    tpu.enqueue_indirect_dma source(%dma_start3A_71 : memref<20000x64xf32, #tpu.memory_space<hbm>>) target(%dma_start3A_65 : memref<128x64xf32, #tpu.memory_space<vmem>>) offsets(%dma_start3A_68 : memref<128xi32, #tpu.memory_space<vmem>>) semaphore(%arg13 : memref<!tpu.dma_semaphore, #tpu.memory_space<semaphore_mem>>)
    %dma_start3A_72 = arith.constant 3 : i32
    %dma_start3A_73 = arith.constant 3 : i32
    %dma_start3A_74 = arith.constant 0 : i32
    %dma_start3A_75 = arith.constant 0 : i32
    %dma_start3A_76 = tpu.memref_slice %arg9[%dma_start3A_73, %dma_start3A_74, %dma_start3A_75] : memref<4x128x64xf32, #tpu.memory_space<vmem>> -> memref<1x128x64xf32, #tpu.memory_space<vmem>>
    %dma_start3A_77 = tpu.memref_squeeze %dma_start3A_76 : memref<1x128x64xf32, #tpu.memory_space<vmem>> -> memref<128x64xf32, #tpu.memory_space<vmem>>
    %dma_start3A_78 = arith.constant 0 : i32
    %dma_start3A_79 = tpu.memref_slice %arg7[%dma_start3A_72, %dma_start3A_78] : memref<160x128xi32, #tpu.memory_space<vmem>> -> memref<1x128xi32, #tpu.memory_space<vmem>>
    %dma_start3A_80 = tpu.memref_squeeze %dma_start3A_79 : memref<1x128xi32, #tpu.memory_space<vmem>> -> memref<128xi32, #tpu.memory_space<vmem>>
    %dma_start3A_81 = arith.constant 0 : i32
    %dma_start3A_82 = arith.constant 0 : i32
    %dma_start3A_83 = tpu.memref_slice %arg2[%dma_start3A_81, %dma_start3A_82] : memref<20000x64xf32, #tpu.memory_space<hbm>> -> memref<20000x64xf32, #tpu.memory_space<hbm>>
    tpu.enqueue_indirect_dma source(%dma_start3A_83 : memref<20000x64xf32, #tpu.memory_space<hbm>>) target(%dma_start3A_77 : memref<128x64xf32, #tpu.memory_space<vmem>>) offsets(%dma_start3A_80 : memref<128xi32, #tpu.memory_space<vmem>>) semaphore(%arg14 : memref<!tpu.dma_semaphore, #tpu.memory_space<semaphore_mem>>)
    %scan3A_84 = arith.constant 0 : i32
    %scan3A_85 = arith.constant 0 : i32
    %scan3A_86 = arith.constant 40 : i32
    %scan3A_87 = arith.addi %scan3A_85, %scan3A_86 : i32
    %scan3A_88 = arith.constant 1 : i32
    scf.for %scan3A_140 = %scan3A_85 to %scan3A_87 step %scan3A_88  : i32 {
      %mul3A_141 = arith.constant 4 : i32
      %mul3A_142 = arith.muli %mul3A_141, %scan3A_140 : i32
      %add3A_143 = arith.constant 0 : i32
      %add3A_144 = arith.addi %mul3A_142, %add3A_143 : i32
      %dma_wait3A_145 = arith.constant 0 : i32
      %dma_wait3A_146 = arith.constant 0 : i32
      %dma_wait3A_147 = arith.constant 0 : i32
      %dma_wait3A_148 = tpu.memref_slice %arg9[%dma_wait3A_145, %dma_wait3A_146, %dma_wait3A_147] : memref<4x128x64xf32, #tpu.memory_space<vmem>> -> memref<1x128x64xf32, #tpu.memory_space<vmem>>
      %dma_wait3A_149 = tpu.memref_squeeze %dma_wait3A_148 : memref<1x128x64xf32, #tpu.memory_space<vmem>> -> memref<128x64xf32, #tpu.memory_space<vmem>>
      %dma_wait3A_150 = arith.constant 0 : i32
      %dma_wait3A_151 = tpu.memref_slice %arg7[%add3A_144, %dma_wait3A_150] : memref<160x128xi32, #tpu.memory_space<vmem>> -> memref<1x128xi32, #tpu.memory_space<vmem>>
      %dma_wait3A_152 = tpu.memref_squeeze %dma_wait3A_151 : memref<1x128xi32, #tpu.memory_space<vmem>> -> memref<128xi32, #tpu.memory_space<vmem>>
      %dma_wait3A_153 = arith.constant 0 : i32
      %dma_wait3A_154 = arith.constant 0 : i32
      %dma_wait3A_155 = tpu.memref_slice %arg2[%dma_wait3A_153, %dma_wait3A_154] : memref<20000x64xf32, #tpu.memory_space<hbm>> -> memref<20000x64xf32, #tpu.memory_space<hbm>>
      tpu.wait_indirect_dma semaphore(%arg11 : memref<!tpu.dma_semaphore, #tpu.memory_space<semaphore_mem>>) src(%dma_wait3A_155 : memref<20000x64xf32, #tpu.memory_space<hbm>>) dst(%dma_wait3A_149 : memref<128x64xf32, #tpu.memory_space<vmem>>)
      %dma_start3A_156 = arith.constant 0 : i32
      %dma_start3A_157 = arith.constant 0 : i32
      %dma_start3A_158 = arith.constant 0 : i32
      %dma_start3A_159 = tpu.memref_slice %arg9[%dma_start3A_156, %dma_start3A_157, %dma_start3A_158] : memref<4x128x64xf32, #tpu.memory_space<vmem>> -> memref<1x128x64xf32, #tpu.memory_space<vmem>>
      %dma_start3A_160 = tpu.memref_squeeze %dma_start3A_159 : memref<1x128x64xf32, #tpu.memory_space<vmem>> -> memref<128x64xf32, #tpu.memory_space<vmem>>
      %dma_start3A_161 = arith.constant 0 : i32
      %dma_start3A_162 = tpu.memref_slice %arg8[%add3A_144, %dma_start3A_161] : memref<160x128xi32, #tpu.memory_space<vmem>> -> memref<1x128xi32, #tpu.memory_space<vmem>>
      %dma_start3A_163 = tpu.memref_squeeze %dma_start3A_162 : memref<1x128xi32, #tpu.memory_space<vmem>> -> memref<128xi32, #tpu.memory_space<vmem>>
      %dma_start3A_164 = arith.constant 0 : i32
      %dma_start3A_165 = arith.constant 0 : i32
      %dma_start3A_166 = tpu.memref_slice %arg10[%dma_start3A_164, %dma_start3A_165] : memref<10240x64xf32, #tpu.memory_space<vmem_shared>> -> memref<10240x64xf32, #tpu.memory_space<vmem_shared>>
      tpu.enqueue_indirect_dma source(%dma_start3A_160 : memref<128x64xf32, #tpu.memory_space<vmem>>) target(%dma_start3A_166 : memref<10240x64xf32, #tpu.memory_space<vmem_shared>>) offsets(%dma_start3A_163 : memref<128xi32, #tpu.memory_space<vmem>>) semaphore(%arg15 : memref<!tpu.dma_semaphore, #tpu.memory_space<semaphore_mem>>) {add = true}
      %add3A_167 = arith.constant 4 : i32
      %add3A_168 = arith.addi %add3A_144, %add3A_167 : i32
      %lt3A = arith.constant 160 : i32
      %lt3A_169 = arith.cmpi slt, %add3A_168, %lt3A : i32
      %convert_element_type3A_170 = arith.extui %lt3A_169 : i1 to i32
      %cond3A_171 = arith.constant 0 : i32
      %cond3A_172 = arith.cmpi ne, %convert_element_type3A_170, %cond3A_171 : i32
      scf.if %cond3A_172 {
        %dma_wait3A_266 = arith.constant 0 : i32
        %dma_wait3A_267 = arith.constant 0 : i32
        %dma_wait3A_268 = arith.constant 0 : i32
        %dma_wait3A_269 = tpu.memref_slice %arg9[%dma_wait3A_266, %dma_wait3A_267, %dma_wait3A_268] : memref<4x128x64xf32, #tpu.memory_space<vmem>> -> memref<1x128x64xf32, #tpu.memory_space<vmem>>
        %dma_wait3A_270 = tpu.memref_squeeze %dma_wait3A_269 : memref<1x128x64xf32, #tpu.memory_space<vmem>> -> memref<128x64xf32, #tpu.memory_space<vmem>>
        %dma_wait3A_271 = arith.constant 0 : i32
        %dma_wait3A_272 = tpu.memref_slice %arg8[%add3A_144, %dma_wait3A_271] : memref<160x128xi32, #tpu.memory_space<vmem>> -> memref<1x128xi32, #tpu.memory_space<vmem>>
        %dma_wait3A_273 = tpu.memref_squeeze %dma_wait3A_272 : memref<1x128xi32, #tpu.memory_space<vmem>> -> memref<128xi32, #tpu.memory_space<vmem>>
        %dma_wait3A_274 = arith.constant 0 : i32
        %dma_wait3A_275 = arith.constant 0 : i32
        %dma_wait3A_276 = tpu.memref_slice %arg10[%dma_wait3A_274, %dma_wait3A_275] : memref<10240x64xf32, #tpu.memory_space<vmem_shared>> -> memref<10240x64xf32, #tpu.memory_space<vmem_shared>>
        tpu.wait_indirect_dma semaphore(%arg15 : memref<!tpu.dma_semaphore, #tpu.memory_space<semaphore_mem>>) src(%dma_wait3A_270 : memref<128x64xf32, #tpu.memory_space<vmem>>) dst(%dma_wait3A_276 : memref<10240x64xf32, #tpu.memory_space<vmem_shared>>)
        %add3A_277 = arith.constant 4 : i32
        %add3A_278 = arith.addi %add3A_144, %add3A_277 : i32
        %dma_start3A_279 = arith.constant 0 : i32
        %dma_start3A_280 = arith.constant 0 : i32
        %dma_start3A_281 = arith.constant 0 : i32
        %dma_start3A_282 = tpu.memref_slice %arg9[%dma_start3A_279, %dma_start3A_280, %dma_start3A_281] : memref<4x128x64xf32, #tpu.memory_space<vmem>> -> memref<1x128x64xf32, #tpu.memory_space<vmem>>
        %dma_start3A_283 = tpu.memref_squeeze %dma_start3A_282 : memref<1x128x64xf32, #tpu.memory_space<vmem>> -> memref<128x64xf32, #tpu.memory_space<vmem>>
        %dma_start3A_284 = arith.constant 0 : i32
        %dma_start3A_285 = tpu.memref_slice %arg7[%add3A_278, %dma_start3A_284] : memref<160x128xi32, #tpu.memory_space<vmem>> -> memref<1x128xi32, #tpu.memory_space<vmem>>
        %dma_start3A_286 = tpu.memref_squeeze %dma_start3A_285 : memref<1x128xi32, #tpu.memory_space<vmem>> -> memref<128xi32, #tpu.memory_space<vmem>>
        %dma_start3A_287 = arith.constant 0 : i32
        %dma_start3A_288 = arith.constant 0 : i32
        %dma_start3A_289 = tpu.memref_slice %arg2[%dma_start3A_287, %dma_start3A_288] : memref<20000x64xf32, #tpu.memory_space<hbm>> -> memref<20000x64xf32, #tpu.memory_space<hbm>>
        tpu.enqueue_indirect_dma source(%dma_start3A_289 : memref<20000x64xf32, #tpu.memory_space<hbm>>) target(%dma_start3A_283 : memref<128x64xf32, #tpu.memory_space<vmem>>) offsets(%dma_start3A_286 : memref<128xi32, #tpu.memory_space<vmem>>) semaphore(%arg11 : memref<!tpu.dma_semaphore, #tpu.memory_space<semaphore_mem>>)
      } else {
      }
      %add3A_173 = arith.constant 1 : i32
      %add3A_174 = arith.addi %mul3A_142, %add3A_173 : i32
      %dma_wait3A_175 = arith.constant 1 : i32
      %dma_wait3A_176 = arith.constant 0 : i32
      %dma_wait3A_177 = arith.constant 0 : i32
      %dma_wait3A_178 = tpu.memref_slice %arg9[%dma_wait3A_175, %dma_wait3A_176, %dma_wait3A_177] : memref<4x128x64xf32, #tpu.memory_space<vmem>> -> memref<1x128x64xf32, #tpu.memory_space<vmem>>
      %dma_wait3A_179 = tpu.memref_squeeze %dma_wait3A_178 : memref<1x128x64xf32, #tpu.memory_space<vmem>> -> memref<128x64xf32, #tpu.memory_space<vmem>>
      %dma_wait3A_180 = arith.constant 0 : i32
      %dma_wait3A_181 = tpu.memref_slice %arg7[%add3A_174, %dma_wait3A_180] : memref<160x128xi32, #tpu.memory_space<vmem>> -> memref<1x128xi32, #tpu.memory_space<vmem>>
      %dma_wait3A_182 = tpu.memref_squeeze %dma_wait3A_181 : memref<1x128xi32, #tpu.memory_space<vmem>> -> memref<128xi32, #tpu.memory_space<vmem>>
      %dma_wait3A_183 = arith.constant 0 : i32
      %dma_wait3A_184 = arith.constant 0 : i32
      %dma_wait3A_185 = tpu.memref_slice %arg2[%dma_wait3A_183, %dma_wait3A_184] : memref<20000x64xf32, #tpu.memory_space<hbm>> -> memref<20000x64xf32, #tpu.memory_space<hbm>>
      tpu.wait_indirect_dma semaphore(%arg12 : memref<!tpu.dma_semaphore, #tpu.memory_space<semaphore_mem>>) src(%dma_wait3A_185 : memref<20000x64xf32, #tpu.memory_space<hbm>>) dst(%dma_wait3A_179 : memref<128x64xf32, #tpu.memory_space<vmem>>)
      %dma_start3A_186 = arith.constant 1 : i32
      %dma_start3A_187 = arith.constant 0 : i32
      %dma_start3A_188 = arith.constant 0 : i32
      %dma_start3A_189 = tpu.memref_slice %arg9[%dma_start3A_186, %dma_start3A_187, %dma_start3A_188] : memref<4x128x64xf32, #tpu.memory_space<vmem>> -> memref<1x128x64xf32, #tpu.memory_space<vmem>>
      %dma_start3A_190 = tpu.memref_squeeze %dma_start3A_189 : memref<1x128x64xf32, #tpu.memory_space<vmem>> -> memref<128x64xf32, #tpu.memory_space<vmem>>
      %dma_start3A_191 = arith.constant 0 : i32
      %dma_start3A_192 = tpu.memref_slice %arg8[%add3A_174, %dma_start3A_191] : memref<160x128xi32, #tpu.memory_space<vmem>> -> memref<1x128xi32, #tpu.memory_space<vmem>>
      %dma_start3A_193 = tpu.memref_squeeze %dma_start3A_192 : memref<1x128xi32, #tpu.memory_space<vmem>> -> memref<128xi32, #tpu.memory_space<vmem>>
      %dma_start3A_194 = arith.constant 0 : i32
      %dma_start3A_195 = arith.constant 0 : i32
      %dma_start3A_196 = tpu.memref_slice %arg10[%dma_start3A_194, %dma_start3A_195] : memref<10240x64xf32, #tpu.memory_space<vmem_shared>> -> memref<10240x64xf32, #tpu.memory_space<vmem_shared>>
      tpu.enqueue_indirect_dma source(%dma_start3A_190 : memref<128x64xf32, #tpu.memory_space<vmem>>) target(%dma_start3A_196 : memref<10240x64xf32, #tpu.memory_space<vmem_shared>>) offsets(%dma_start3A_193 : memref<128xi32, #tpu.memory_space<vmem>>) semaphore(%arg16 : memref<!tpu.dma_semaphore, #tpu.memory_space<semaphore_mem>>) {add = true}
      %add3A_197 = arith.constant 4 : i32
      %add3A_198 = arith.addi %add3A_174, %add3A_197 : i32
      %lt3A_199 = arith.constant 160 : i32
      %lt3A_200 = arith.cmpi slt, %add3A_198, %lt3A_199 : i32
      %convert_element_type3A_201 = arith.extui %lt3A_200 : i1 to i32
      %cond3A_202 = arith.constant 0 : i32
      %cond3A_203 = arith.cmpi ne, %convert_element_type3A_201, %cond3A_202 : i32
      scf.if %cond3A_203 {
        %dma_wait3A_266 = arith.constant 1 : i32
        %dma_wait3A_267 = arith.constant 0 : i32
        %dma_wait3A_268 = arith.constant 0 : i32
        %dma_wait3A_269 = tpu.memref_slice %arg9[%dma_wait3A_266, %dma_wait3A_267, %dma_wait3A_268] : memref<4x128x64xf32, #tpu.memory_space<vmem>> -> memref<1x128x64xf32, #tpu.memory_space<vmem>>
        %dma_wait3A_270 = tpu.memref_squeeze %dma_wait3A_269 : memref<1x128x64xf32, #tpu.memory_space<vmem>> -> memref<128x64xf32, #tpu.memory_space<vmem>>
        %dma_wait3A_271 = arith.constant 0 : i32
        %dma_wait3A_272 = tpu.memref_slice %arg8[%add3A_174, %dma_wait3A_271] : memref<160x128xi32, #tpu.memory_space<vmem>> -> memref<1x128xi32, #tpu.memory_space<vmem>>
        %dma_wait3A_273 = tpu.memref_squeeze %dma_wait3A_272 : memref<1x128xi32, #tpu.memory_space<vmem>> -> memref<128xi32, #tpu.memory_space<vmem>>
        %dma_wait3A_274 = arith.constant 0 : i32
        %dma_wait3A_275 = arith.constant 0 : i32
        %dma_wait3A_276 = tpu.memref_slice %arg10[%dma_wait3A_274, %dma_wait3A_275] : memref<10240x64xf32, #tpu.memory_space<vmem_shared>> -> memref<10240x64xf32, #tpu.memory_space<vmem_shared>>
        tpu.wait_indirect_dma semaphore(%arg16 : memref<!tpu.dma_semaphore, #tpu.memory_space<semaphore_mem>>) src(%dma_wait3A_270 : memref<128x64xf32, #tpu.memory_space<vmem>>) dst(%dma_wait3A_276 : memref<10240x64xf32, #tpu.memory_space<vmem_shared>>)
        %add3A_277 = arith.constant 4 : i32
        %add3A_278 = arith.addi %add3A_174, %add3A_277 : i32
        %dma_start3A_279 = arith.constant 1 : i32
        %dma_start3A_280 = arith.constant 0 : i32
        %dma_start3A_281 = arith.constant 0 : i32
        %dma_start3A_282 = tpu.memref_slice %arg9[%dma_start3A_279, %dma_start3A_280, %dma_start3A_281] : memref<4x128x64xf32, #tpu.memory_space<vmem>> -> memref<1x128x64xf32, #tpu.memory_space<vmem>>
        %dma_start3A_283 = tpu.memref_squeeze %dma_start3A_282 : memref<1x128x64xf32, #tpu.memory_space<vmem>> -> memref<128x64xf32, #tpu.memory_space<vmem>>
        %dma_start3A_284 = arith.constant 0 : i32
        %dma_start3A_285 = tpu.memref_slice %arg7[%add3A_278, %dma_start3A_284] : memref<160x128xi32, #tpu.memory_space<vmem>> -> memref<1x128xi32, #tpu.memory_space<vmem>>
        %dma_start3A_286 = tpu.memref_squeeze %dma_start3A_285 : memref<1x128xi32, #tpu.memory_space<vmem>> -> memref<128xi32, #tpu.memory_space<vmem>>
        %dma_start3A_287 = arith.constant 0 : i32
        %dma_start3A_288 = arith.constant 0 : i32
        %dma_start3A_289 = tpu.memref_slice %arg2[%dma_start3A_287, %dma_start3A_288] : memref<20000x64xf32, #tpu.memory_space<hbm>> -> memref<20000x64xf32, #tpu.memory_space<hbm>>
        tpu.enqueue_indirect_dma source(%dma_start3A_289 : memref<20000x64xf32, #tpu.memory_space<hbm>>) target(%dma_start3A_283 : memref<128x64xf32, #tpu.memory_space<vmem>>) offsets(%dma_start3A_286 : memref<128xi32, #tpu.memory_space<vmem>>) semaphore(%arg12 : memref<!tpu.dma_semaphore, #tpu.memory_space<semaphore_mem>>)
      } else {
      }
      %add3A_204 = arith.constant 2 : i32
      %add3A_205 = arith.addi %mul3A_142, %add3A_204 : i32
      %dma_wait3A_206 = arith.constant 2 : i32
      %dma_wait3A_207 = arith.constant 0 : i32
      %dma_wait3A_208 = arith.constant 0 : i32
      %dma_wait3A_209 = tpu.memref_slice %arg9[%dma_wait3A_206, %dma_wait3A_207, %dma_wait3A_208] : memref<4x128x64xf32, #tpu.memory_space<vmem>> -> memref<1x128x64xf32, #tpu.memory_space<vmem>>
      %dma_wait3A_210 = tpu.memref_squeeze %dma_wait3A_209 : memref<1x128x64xf32, #tpu.memory_space<vmem>> -> memref<128x64xf32, #tpu.memory_space<vmem>>
      %dma_wait3A_211 = arith.constant 0 : i32
      %dma_wait3A_212 = tpu.memref_slice %arg7[%add3A_205, %dma_wait3A_211] : memref<160x128xi32, #tpu.memory_space<vmem>> -> memref<1x128xi32, #tpu.memory_space<vmem>>
      %dma_wait3A_213 = tpu.memref_squeeze %dma_wait3A_212 : memref<1x128xi32, #tpu.memory_space<vmem>> -> memref<128xi32, #tpu.memory_space<vmem>>
      %dma_wait3A_214 = arith.constant 0 : i32
      %dma_wait3A_215 = arith.constant 0 : i32
      %dma_wait3A_216 = tpu.memref_slice %arg2[%dma_wait3A_214, %dma_wait3A_215] : memref<20000x64xf32, #tpu.memory_space<hbm>> -> memref<20000x64xf32, #tpu.memory_space<hbm>>
      tpu.wait_indirect_dma semaphore(%arg13 : memref<!tpu.dma_semaphore, #tpu.memory_space<semaphore_mem>>) src(%dma_wait3A_216 : memref<20000x64xf32, #tpu.memory_space<hbm>>) dst(%dma_wait3A_210 : memref<128x64xf32, #tpu.memory_space<vmem>>)
      %dma_start3A_217 = arith.constant 2 : i32
      %dma_start3A_218 = arith.constant 0 : i32
      %dma_start3A_219 = arith.constant 0 : i32
      %dma_start3A_220 = tpu.memref_slice %arg9[%dma_start3A_217, %dma_start3A_218, %dma_start3A_219] : memref<4x128x64xf32, #tpu.memory_space<vmem>> -> memref<1x128x64xf32, #tpu.memory_space<vmem>>
      %dma_start3A_221 = tpu.memref_squeeze %dma_start3A_220 : memref<1x128x64xf32, #tpu.memory_space<vmem>> -> memref<128x64xf32, #tpu.memory_space<vmem>>
      %dma_start3A_222 = arith.constant 0 : i32
      %dma_start3A_223 = tpu.memref_slice %arg8[%add3A_205, %dma_start3A_222] : memref<160x128xi32, #tpu.memory_space<vmem>> -> memref<1x128xi32, #tpu.memory_space<vmem>>
      %dma_start3A_224 = tpu.memref_squeeze %dma_start3A_223 : memref<1x128xi32, #tpu.memory_space<vmem>> -> memref<128xi32, #tpu.memory_space<vmem>>
      %dma_start3A_225 = arith.constant 0 : i32
      %dma_start3A_226 = arith.constant 0 : i32
      %dma_start3A_227 = tpu.memref_slice %arg10[%dma_start3A_225, %dma_start3A_226] : memref<10240x64xf32, #tpu.memory_space<vmem_shared>> -> memref<10240x64xf32, #tpu.memory_space<vmem_shared>>
      tpu.enqueue_indirect_dma source(%dma_start3A_221 : memref<128x64xf32, #tpu.memory_space<vmem>>) target(%dma_start3A_227 : memref<10240x64xf32, #tpu.memory_space<vmem_shared>>) offsets(%dma_start3A_224 : memref<128xi32, #tpu.memory_space<vmem>>) semaphore(%arg17 : memref<!tpu.dma_semaphore, #tpu.memory_space<semaphore_mem>>) {add = true}
      %add3A_228 = arith.constant 4 : i32
      %add3A_229 = arith.addi %add3A_205, %add3A_228 : i32
      %lt3A_230 = arith.constant 160 : i32
      %lt3A_231 = arith.cmpi slt, %add3A_229, %lt3A_230 : i32
      %convert_element_type3A_232 = arith.extui %lt3A_231 : i1 to i32
      %cond3A_233 = arith.constant 0 : i32
      %cond3A_234 = arith.cmpi ne, %convert_element_type3A_232, %cond3A_233 : i32
      scf.if %cond3A_234 {
        %dma_wait3A_266 = arith.constant 2 : i32
        %dma_wait3A_267 = arith.constant 0 : i32
        %dma_wait3A_268 = arith.constant 0 : i32
        %dma_wait3A_269 = tpu.memref_slice %arg9[%dma_wait3A_266, %dma_wait3A_267, %dma_wait3A_268] : memref<4x128x64xf32, #tpu.memory_space<vmem>> -> memref<1x128x64xf32, #tpu.memory_space<vmem>>
        %dma_wait3A_270 = tpu.memref_squeeze %dma_wait3A_269 : memref<1x128x64xf32, #tpu.memory_space<vmem>> -> memref<128x64xf32, #tpu.memory_space<vmem>>
        %dma_wait3A_271 = arith.constant 0 : i32
        %dma_wait3A_272 = tpu.memref_slice %arg8[%add3A_205, %dma_wait3A_271] : memref<160x128xi32, #tpu.memory_space<vmem>> -> memref<1x128xi32, #tpu.memory_space<vmem>>
        %dma_wait3A_273 = tpu.memref_squeeze %dma_wait3A_272 : memref<1x128xi32, #tpu.memory_space<vmem>> -> memref<128xi32, #tpu.memory_space<vmem>>
        %dma_wait3A_274 = arith.constant 0 : i32
        %dma_wait3A_275 = arith.constant 0 : i32
        %dma_wait3A_276 = tpu.memref_slice %arg10[%dma_wait3A_274, %dma_wait3A_275] : memref<10240x64xf32, #tpu.memory_space<vmem_shared>> -> memref<10240x64xf32, #tpu.memory_space<vmem_shared>>
        tpu.wait_indirect_dma semaphore(%arg17 : memref<!tpu.dma_semaphore, #tpu.memory_space<semaphore_mem>>) src(%dma_wait3A_270 : memref<128x64xf32, #tpu.memory_space<vmem>>) dst(%dma_wait3A_276 : memref<10240x64xf32, #tpu.memory_space<vmem_shared>>)
        %add3A_277 = arith.constant 4 : i32
        %add3A_278 = arith.addi %add3A_205, %add3A_277 : i32
        %dma_start3A_279 = arith.constant 2 : i32
        %dma_start3A_280 = arith.constant 0 : i32
        %dma_start3A_281 = arith.constant 0 : i32
        %dma_start3A_282 = tpu.memref_slice %arg9[%dma_start3A_279, %dma_start3A_280, %dma_start3A_281] : memref<4x128x64xf32, #tpu.memory_space<vmem>> -> memref<1x128x64xf32, #tpu.memory_space<vmem>>
        %dma_start3A_283 = tpu.memref_squeeze %dma_start3A_282 : memref<1x128x64xf32, #tpu.memory_space<vmem>> -> memref<128x64xf32, #tpu.memory_space<vmem>>
        %dma_start3A_284 = arith.constant 0 : i32
        %dma_start3A_285 = tpu.memref_slice %arg7[%add3A_278, %dma_start3A_284] : memref<160x128xi32, #tpu.memory_space<vmem>> -> memref<1x128xi32, #tpu.memory_space<vmem>>
        %dma_start3A_286 = tpu.memref_squeeze %dma_start3A_285 : memref<1x128xi32, #tpu.memory_space<vmem>> -> memref<128xi32, #tpu.memory_space<vmem>>
        %dma_start3A_287 = arith.constant 0 : i32
        %dma_start3A_288 = arith.constant 0 : i32
        %dma_start3A_289 = tpu.memref_slice %arg2[%dma_start3A_287, %dma_start3A_288] : memref<20000x64xf32, #tpu.memory_space<hbm>> -> memref<20000x64xf32, #tpu.memory_space<hbm>>
        tpu.enqueue_indirect_dma source(%dma_start3A_289 : memref<20000x64xf32, #tpu.memory_space<hbm>>) target(%dma_start3A_283 : memref<128x64xf32, #tpu.memory_space<vmem>>) offsets(%dma_start3A_286 : memref<128xi32, #tpu.memory_space<vmem>>) semaphore(%arg13 : memref<!tpu.dma_semaphore, #tpu.memory_space<semaphore_mem>>)
      } else {
      }
      %add3A_235 = arith.constant 3 : i32
      %add3A_236 = arith.addi %mul3A_142, %add3A_235 : i32
      %dma_wait3A_237 = arith.constant 3 : i32
      %dma_wait3A_238 = arith.constant 0 : i32
      %dma_wait3A_239 = arith.constant 0 : i32
      %dma_wait3A_240 = tpu.memref_slice %arg9[%dma_wait3A_237, %dma_wait3A_238, %dma_wait3A_239] : memref<4x128x64xf32, #tpu.memory_space<vmem>> -> memref<1x128x64xf32, #tpu.memory_space<vmem>>
      %dma_wait3A_241 = tpu.memref_squeeze %dma_wait3A_240 : memref<1x128x64xf32, #tpu.memory_space<vmem>> -> memref<128x64xf32, #tpu.memory_space<vmem>>
      %dma_wait3A_242 = arith.constant 0 : i32
      %dma_wait3A_243 = tpu.memref_slice %arg7[%add3A_236, %dma_wait3A_242] : memref<160x128xi32, #tpu.memory_space<vmem>> -> memref<1x128xi32, #tpu.memory_space<vmem>>
      %dma_wait3A_244 = tpu.memref_squeeze %dma_wait3A_243 : memref<1x128xi32, #tpu.memory_space<vmem>> -> memref<128xi32, #tpu.memory_space<vmem>>
      %dma_wait3A_245 = arith.constant 0 : i32
      %dma_wait3A_246 = arith.constant 0 : i32
      %dma_wait3A_247 = tpu.memref_slice %arg2[%dma_wait3A_245, %dma_wait3A_246] : memref<20000x64xf32, #tpu.memory_space<hbm>> -> memref<20000x64xf32, #tpu.memory_space<hbm>>
      tpu.wait_indirect_dma semaphore(%arg14 : memref<!tpu.dma_semaphore, #tpu.memory_space<semaphore_mem>>) src(%dma_wait3A_247 : memref<20000x64xf32, #tpu.memory_space<hbm>>) dst(%dma_wait3A_241 : memref<128x64xf32, #tpu.memory_space<vmem>>)
      %dma_start3A_248 = arith.constant 3 : i32
      %dma_start3A_249 = arith.constant 0 : i32
      %dma_start3A_250 = arith.constant 0 : i32
      %dma_start3A_251 = tpu.memref_slice %arg9[%dma_start3A_248, %dma_start3A_249, %dma_start3A_250] : memref<4x128x64xf32, #tpu.memory_space<vmem>> -> memref<1x128x64xf32, #tpu.memory_space<vmem>>
      %dma_start3A_252 = tpu.memref_squeeze %dma_start3A_251 : memref<1x128x64xf32, #tpu.memory_space<vmem>> -> memref<128x64xf32, #tpu.memory_space<vmem>>
      %dma_start3A_253 = arith.constant 0 : i32
      %dma_start3A_254 = tpu.memref_slice %arg8[%add3A_236, %dma_start3A_253] : memref<160x128xi32, #tpu.memory_space<vmem>> -> memref<1x128xi32, #tpu.memory_space<vmem>>
      %dma_start3A_255 = tpu.memref_squeeze %dma_start3A_254 : memref<1x128xi32, #tpu.memory_space<vmem>> -> memref<128xi32, #tpu.memory_space<vmem>>
      %dma_start3A_256 = arith.constant 0 : i32
      %dma_start3A_257 = arith.constant 0 : i32
      %dma_start3A_258 = tpu.memref_slice %arg10[%dma_start3A_256, %dma_start3A_257] : memref<10240x64xf32, #tpu.memory_space<vmem_shared>> -> memref<10240x64xf32, #tpu.memory_space<vmem_shared>>
      tpu.enqueue_indirect_dma source(%dma_start3A_252 : memref<128x64xf32, #tpu.memory_space<vmem>>) target(%dma_start3A_258 : memref<10240x64xf32, #tpu.memory_space<vmem_shared>>) offsets(%dma_start3A_255 : memref<128xi32, #tpu.memory_space<vmem>>) semaphore(%arg18 : memref<!tpu.dma_semaphore, #tpu.memory_space<semaphore_mem>>) {add = true}
      %add3A_259 = arith.constant 4 : i32
      %add3A_260 = arith.addi %add3A_236, %add3A_259 : i32
      %lt3A_261 = arith.constant 160 : i32
      %lt3A_262 = arith.cmpi slt, %add3A_260, %lt3A_261 : i32
      %convert_element_type3A_263 = arith.extui %lt3A_262 : i1 to i32
      %cond3A_264 = arith.constant 0 : i32
      %cond3A_265 = arith.cmpi ne, %convert_element_type3A_263, %cond3A_264 : i32
      scf.if %cond3A_265 {
        %dma_wait3A_266 = arith.constant 3 : i32
        %dma_wait3A_267 = arith.constant 0 : i32
        %dma_wait3A_268 = arith.constant 0 : i32
        %dma_wait3A_269 = tpu.memref_slice %arg9[%dma_wait3A_266, %dma_wait3A_267, %dma_wait3A_268] : memref<4x128x64xf32, #tpu.memory_space<vmem>> -> memref<1x128x64xf32, #tpu.memory_space<vmem>>
        %dma_wait3A_270 = tpu.memref_squeeze %dma_wait3A_269 : memref<1x128x64xf32, #tpu.memory_space<vmem>> -> memref<128x64xf32, #tpu.memory_space<vmem>>
        %dma_wait3A_271 = arith.constant 0 : i32
        %dma_wait3A_272 = tpu.memref_slice %arg8[%add3A_236, %dma_wait3A_271] : memref<160x128xi32, #tpu.memory_space<vmem>> -> memref<1x128xi32, #tpu.memory_space<vmem>>
        %dma_wait3A_273 = tpu.memref_squeeze %dma_wait3A_272 : memref<1x128xi32, #tpu.memory_space<vmem>> -> memref<128xi32, #tpu.memory_space<vmem>>
        %dma_wait3A_274 = arith.constant 0 : i32
        %dma_wait3A_275 = arith.constant 0 : i32
        %dma_wait3A_276 = tpu.memref_slice %arg10[%dma_wait3A_274, %dma_wait3A_275] : memref<10240x64xf32, #tpu.memory_space<vmem_shared>> -> memref<10240x64xf32, #tpu.memory_space<vmem_shared>>
        tpu.wait_indirect_dma semaphore(%arg18 : memref<!tpu.dma_semaphore, #tpu.memory_space<semaphore_mem>>) src(%dma_wait3A_270 : memref<128x64xf32, #tpu.memory_space<vmem>>) dst(%dma_wait3A_276 : memref<10240x64xf32, #tpu.memory_space<vmem_shared>>)
        %add3A_277 = arith.constant 4 : i32
        %add3A_278 = arith.addi %add3A_236, %add3A_277 : i32
        %dma_start3A_279 = arith.constant 3 : i32
        %dma_start3A_280 = arith.constant 0 : i32
        %dma_start3A_281 = arith.constant 0 : i32
        %dma_start3A_282 = tpu.memref_slice %arg9[%dma_start3A_279, %dma_start3A_280, %dma_start3A_281] : memref<4x128x64xf32, #tpu.memory_space<vmem>> -> memref<1x128x64xf32, #tpu.memory_space<vmem>>
        %dma_start3A_283 = tpu.memref_squeeze %dma_start3A_282 : memref<1x128x64xf32, #tpu.memory_space<vmem>> -> memref<128x64xf32, #tpu.memory_space<vmem>>
        %dma_start3A_284 = arith.constant 0 : i32
        %dma_start3A_285 = tpu.memref_slice %arg7[%add3A_278, %dma_start3A_284] : memref<160x128xi32, #tpu.memory_space<vmem>> -> memref<1x128xi32, #tpu.memory_space<vmem>>
        %dma_start3A_286 = tpu.memref_squeeze %dma_start3A_285 : memref<1x128xi32, #tpu.memory_space<vmem>> -> memref<128xi32, #tpu.memory_space<vmem>>
        %dma_start3A_287 = arith.constant 0 : i32
        %dma_start3A_288 = arith.constant 0 : i32
        %dma_start3A_289 = tpu.memref_slice %arg2[%dma_start3A_287, %dma_start3A_288] : memref<20000x64xf32, #tpu.memory_space<hbm>> -> memref<20000x64xf32, #tpu.memory_space<hbm>>
        tpu.enqueue_indirect_dma source(%dma_start3A_289 : memref<20000x64xf32, #tpu.memory_space<hbm>>) target(%dma_start3A_283 : memref<128x64xf32, #tpu.memory_space<vmem>>) offsets(%dma_start3A_286 : memref<128xi32, #tpu.memory_space<vmem>>) semaphore(%arg14 : memref<!tpu.dma_semaphore, #tpu.memory_space<semaphore_mem>>)
      } else {
      }
    }
    %scan3A_89 = arith.constant 40 : i32
    %dma_wait3A = arith.constant 0 : i32
    %dma_wait3A_90 = arith.constant 156 : i32
    %dma_wait3A_91 = arith.constant 0 : i32
    %dma_wait3A_92 = arith.constant 0 : i32
    %dma_wait3A_93 = tpu.memref_slice %arg9[%dma_wait3A, %dma_wait3A_91, %dma_wait3A_92] : memref<4x128x64xf32, #tpu.memory_space<vmem>> -> memref<1x128x64xf32, #tpu.memory_space<vmem>>
    %dma_wait3A_94 = tpu.memref_squeeze %dma_wait3A_93 : memref<1x128x64xf32, #tpu.memory_space<vmem>> -> memref<128x64xf32, #tpu.memory_space<vmem>>
    %dma_wait3A_95 = arith.constant 0 : i32
    %dma_wait3A_96 = tpu.memref_slice %arg8[%dma_wait3A_90, %dma_wait3A_95] : memref<160x128xi32, #tpu.memory_space<vmem>> -> memref<1x128xi32, #tpu.memory_space<vmem>>
    %dma_wait3A_97 = tpu.memref_squeeze %dma_wait3A_96 : memref<1x128xi32, #tpu.memory_space<vmem>> -> memref<128xi32, #tpu.memory_space<vmem>>
    %dma_wait3A_98 = arith.constant 0 : i32
    %dma_wait3A_99 = arith.constant 0 : i32
    %dma_wait3A_100 = tpu.memref_slice %arg10[%dma_wait3A_98, %dma_wait3A_99] : memref<10240x64xf32, #tpu.memory_space<vmem_shared>> -> memref<10240x64xf32, #tpu.memory_space<vmem_shared>>
    tpu.wait_indirect_dma semaphore(%arg15 : memref<!tpu.dma_semaphore, #tpu.memory_space<semaphore_mem>>) src(%dma_wait3A_94 : memref<128x64xf32, #tpu.memory_space<vmem>>) dst(%dma_wait3A_100 : memref<10240x64xf32, #tpu.memory_space<vmem_shared>>)
    %dma_wait3A_101 = arith.constant 1 : i32
    %dma_wait3A_102 = arith.constant 157 : i32
    %dma_wait3A_103 = arith.constant 0 : i32
    %dma_wait3A_104 = arith.constant 0 : i32
    %dma_wait3A_105 = tpu.memref_slice %arg9[%dma_wait3A_101, %dma_wait3A_103, %dma_wait3A_104] : memref<4x128x64xf32, #tpu.memory_space<vmem>> -> memref<1x128x64xf32, #tpu.memory_space<vmem>>
    %dma_wait3A_106 = tpu.memref_squeeze %dma_wait3A_105 : memref<1x128x64xf32, #tpu.memory_space<vmem>> -> memref<128x64xf32, #tpu.memory_space<vmem>>
    %dma_wait3A_107 = arith.constant 0 : i32
    %dma_wait3A_108 = tpu.memref_slice %arg8[%dma_wait3A_102, %dma_wait3A_107] : memref<160x128xi32, #tpu.memory_space<vmem>> -> memref<1x128xi32, #tpu.memory_space<vmem>>
    %dma_wait3A_109 = tpu.memref_squeeze %dma_wait3A_108 : memref<1x128xi32, #tpu.memory_space<vmem>> -> memref<128xi32, #tpu.memory_space<vmem>>
    %dma_wait3A_110 = arith.constant 0 : i32
    %dma_wait3A_111 = arith.constant 0 : i32
    %dma_wait3A_112 = tpu.memref_slice %arg10[%dma_wait3A_110, %dma_wait3A_111] : memref<10240x64xf32, #tpu.memory_space<vmem_shared>> -> memref<10240x64xf32, #tpu.memory_space<vmem_shared>>
    tpu.wait_indirect_dma semaphore(%arg16 : memref<!tpu.dma_semaphore, #tpu.memory_space<semaphore_mem>>) src(%dma_wait3A_106 : memref<128x64xf32, #tpu.memory_space<vmem>>) dst(%dma_wait3A_112 : memref<10240x64xf32, #tpu.memory_space<vmem_shared>>)
    %dma_wait3A_113 = arith.constant 2 : i32
    %dma_wait3A_114 = arith.constant 158 : i32
    %dma_wait3A_115 = arith.constant 0 : i32
    %dma_wait3A_116 = arith.constant 0 : i32
    %dma_wait3A_117 = tpu.memref_slice %arg9[%dma_wait3A_113, %dma_wait3A_115, %dma_wait3A_116] : memref<4x128x64xf32, #tpu.memory_space<vmem>> -> memref<1x128x64xf32, #tpu.memory_space<vmem>>
    %dma_wait3A_118 = tpu.memref_squeeze %dma_wait3A_117 : memref<1x128x64xf32, #tpu.memory_space<vmem>> -> memref<128x64xf32, #tpu.memory_space<vmem>>
    %dma_wait3A_119 = arith.constant 0 : i32
    %dma_wait3A_120 = tpu.memref_slice %arg8[%dma_wait3A_114, %dma_wait3A_119] : memref<160x128xi32, #tpu.memory_space<vmem>> -> memref<1x128xi32, #tpu.memory_space<vmem>>
    %dma_wait3A_121 = tpu.memref_squeeze %dma_wait3A_120 : memref<1x128xi32, #tpu.memory_space<vmem>> -> memref<128xi32, #tpu.memory_space<vmem>>
    %dma_wait3A_122 = arith.constant 0 : i32
    %dma_wait3A_123 = arith.constant 0 : i32
    %dma_wait3A_124 = tpu.memref_slice %arg10[%dma_wait3A_122, %dma_wait3A_123] : memref<10240x64xf32, #tpu.memory_space<vmem_shared>> -> memref<10240x64xf32, #tpu.memory_space<vmem_shared>>
    tpu.wait_indirect_dma semaphore(%arg17 : memref<!tpu.dma_semaphore, #tpu.memory_space<semaphore_mem>>) src(%dma_wait3A_118 : memref<128x64xf32, #tpu.memory_space<vmem>>) dst(%dma_wait3A_124 : memref<10240x64xf32, #tpu.memory_space<vmem_shared>>)
    %dma_wait3A_125 = arith.constant 3 : i32
    %dma_wait3A_126 = arith.constant 159 : i32
    %dma_wait3A_127 = arith.constant 0 : i32
    %dma_wait3A_128 = arith.constant 0 : i32
    %dma_wait3A_129 = tpu.memref_slice %arg9[%dma_wait3A_125, %dma_wait3A_127, %dma_wait3A_128] : memref<4x128x64xf32, #tpu.memory_space<vmem>> -> memref<1x128x64xf32, #tpu.memory_space<vmem>>
    %dma_wait3A_130 = tpu.memref_squeeze %dma_wait3A_129 : memref<1x128x64xf32, #tpu.memory_space<vmem>> -> memref<128x64xf32, #tpu.memory_space<vmem>>
    %dma_wait3A_131 = arith.constant 0 : i32
    %dma_wait3A_132 = tpu.memref_slice %arg8[%dma_wait3A_126, %dma_wait3A_131] : memref<160x128xi32, #tpu.memory_space<vmem>> -> memref<1x128xi32, #tpu.memory_space<vmem>>
    %dma_wait3A_133 = tpu.memref_squeeze %dma_wait3A_132 : memref<1x128xi32, #tpu.memory_space<vmem>> -> memref<128xi32, #tpu.memory_space<vmem>>
    %dma_wait3A_134 = arith.constant 0 : i32
    %dma_wait3A_135 = arith.constant 0 : i32
    %dma_wait3A_136 = tpu.memref_slice %arg10[%dma_wait3A_134, %dma_wait3A_135] : memref<10240x64xf32, #tpu.memory_space<vmem_shared>> -> memref<10240x64xf32, #tpu.memory_space<vmem_shared>>
    tpu.wait_indirect_dma semaphore(%arg18 : memref<!tpu.dma_semaphore, #tpu.memory_space<semaphore_mem>>) src(%dma_wait3A_130 : memref<128x64xf32, #tpu.memory_space<vmem>>) dst(%dma_wait3A_136 : memref<10240x64xf32, #tpu.memory_space<vmem_shared>>)
    %barrier3A_137 = arith.constant 0 : index
    tpu.barrier barrier_id(%barrier3A_137)
    %mul3A_138 = arith.constant 640 : i32
    %mul3A_139 = arith.muli %arg1, %mul3A_138 : i32
    "tpu.region"() ({
      %run_scoped3A_140 = tpu.sem_alloc : memref<!tpu.dma_semaphore, #tpu.memory_space<semaphore_mem>>
      %dma_start3A_141 = arith.constant 0 : i32
      %dma_start3A_142 = tpu.memref_slice %arg6[%arg0, %mul3A_139, %dma_start3A_141] : memref<2x10240x64xf32, #tpu.memory_space<hbm>> -> memref<1x640x64xf32, #tpu.memory_space<hbm>>
      %dma_start3A_143 = tpu.memref_squeeze %dma_start3A_142 : memref<1x640x64xf32, #tpu.memory_space<hbm>> -> memref<640x64xf32, #tpu.memory_space<hbm>>
      %dma_start3A_144 = arith.constant 0 : i32
      %dma_start3A_145 = tpu.memref_slice %arg10[%mul3A_139, %dma_start3A_144] : memref<10240x64xf32, #tpu.memory_space<vmem_shared>> -> memref<640x64xf32, #tpu.memory_space<vmem_shared>>
      tpu.enqueue_dma source(%dma_start3A_145 : memref<640x64xf32, #tpu.memory_space<vmem_shared>>) target(%dma_start3A_143 : memref<640x64xf32, #tpu.memory_space<hbm>>) target_semaphore(%run_scoped3A_140 : memref<!tpu.dma_semaphore, #tpu.memory_space<semaphore_mem>>)
      %dma_wait3A_146 = arith.constant 0 : i32
      %dma_wait3A_147 = tpu.memref_slice %arg6[%arg0, %mul3A_139, %dma_wait3A_146] : memref<2x10240x64xf32, #tpu.memory_space<hbm>> -> memref<1x640x64xf32, #tpu.memory_space<hbm>>
      %dma_wait3A_148 = tpu.memref_squeeze %dma_wait3A_147 : memref<1x640x64xf32, #tpu.memory_space<hbm>> -> memref<640x64xf32, #tpu.memory_space<hbm>>
      %dma_wait3A_149 = arith.constant 0 : i32
      %dma_wait3A_150 = tpu.memref_slice %arg10[%mul3A_139, %dma_wait3A_149] : memref<10240x64xf32, #tpu.memory_space<vmem_shared>> -> memref<640x64xf32, #tpu.memory_space<vmem_shared>>
      tpu.wait_dma2 semaphore(%run_scoped3A_140 : memref<!tpu.dma_semaphore, #tpu.memory_space<semaphore_mem>>) src(%dma_wait3A_150 : memref<640x64xf32, #tpu.memory_space<vmem_shared>>) dst(%dma_wait3A_148 : memref<640x64xf32, #tpu.memory_space<hbm>>)
      tpu.yield
    }) : () -> ()
    return
  }
}

module attributes {stable_mosaic.version = 14 : i64} {
  func.func @_h0_body(%arg0: i32, %arg1: memref<2000x128xf32, #tpu.memory_space<vmem>>, %arg2: memref<2000x16xf32, #tpu.memory_space<vmem>>, %arg3: memref<128x128xf32, #tpu.memory_space<vmem>>, %arg4: memref<16x128xf32, #tpu.memory_space<vmem>>, %arg5: memref<1x128xf32, #tpu.memory_space<vmem>>, %arg6: memref<2000x128xf32, #tpu.memory_space<vmem>>) attributes {dimension_semantics = [#tpu.dimension_semantics<arbitrary>], iteration_bounds = array<i64: 5>, scalar_prefetch = 0 : i64, scratch_operands = 0 : i64, tpu.core_type = #tpu.core_type<tc>, window_params = [{transform_indices = @transform_0, window_bounds = array<i64: 2000, 128>}, {transform_indices = @transform_1, window_bounds = array<i64: 2000, 16>}, {pipeline_mode = #tpu.pipeline_mode<synchronous>, transform_indices = @transform_2, window_bounds = array<i64: 128, 128>}, {pipeline_mode = #tpu.pipeline_mode<synchronous>, transform_indices = @transform_3, window_bounds = array<i64: 16, 128>}, {pipeline_mode = #tpu.pipeline_mode<synchronous>, transform_indices = @transform_4, window_bounds = array<i64: 1, 128>}, {transform_indices = @transform_5, window_bounds = array<i64: 2000, 128>}]} {
    %get3A = arith.constant 0 : index
    %get3A_0 = arith.constant 0 : index
    %get3A_1 = vector.load %arg1[%get3A, %get3A_0] : memref<2000x128xf32, #tpu.memory_space<vmem>>, vector<2000x128xf32>
    %get3A_2 = arith.constant 0 : index
    %get3A_3 = arith.constant 0 : index
    %get3A_4 = vector.load %arg3[%get3A_2, %get3A_3] : memref<128x128xf32, #tpu.memory_space<vmem>>, vector<128x128xf32>
    %dot_general3A = arith.constant dense<0.000000e+00> : vector<2000x128xf32>
    %dot_general3A_5 = tpu.matmul %get3A_1, %get3A_4, %dot_general3A {dimension_numbers = #tpu.dot_dimension_numbers<[1], [0], [0], [1], [0, 0, 1, 1], [], []>, transpose_lhs_hint = false} : vector<2000x128xf32>, vector<128x128xf32>, vector<2000x128xf32> -> vector<2000x128xf32>
    %get3A_6 = arith.constant 0 : index
    %get3A_7 = arith.constant 0 : index
    %get3A_8 = vector.load %arg2[%get3A_6, %get3A_7] : memref<2000x16xf32, #tpu.memory_space<vmem>>, vector<2000x16xf32>
    %get3A_9 = arith.constant 0 : index
    %get3A_10 = arith.constant 0 : index
    %get3A_11 = vector.load %arg4[%get3A_9, %get3A_10] : memref<16x128xf32, #tpu.memory_space<vmem>>, vector<16x128xf32>
    %dot_general3A_12 = arith.constant dense<0.000000e+00> : vector<2000x128xf32>
    %dot_general3A_13 = tpu.matmul %get3A_8, %get3A_11, %dot_general3A_12 {dimension_numbers = #tpu.dot_dimension_numbers<[1], [0], [0], [1], [0, 0, 1, 1], [], []>, transpose_lhs_hint = false} : vector<2000x16xf32>, vector<16x128xf32>, vector<2000x128xf32> -> vector<2000x128xf32>
    %add3A = arith.addf %dot_general3A_5, %dot_general3A_13 : vector<2000x128xf32>
    %get3A_14 = arith.constant 0 : index
    %get3A_15 = arith.constant 0 : index
    %get3A_16 = vector.load %arg5[%get3A_14, %get3A_15] : memref<1x128xf32, #tpu.memory_space<vmem>>, vector<1x128xf32>
    %add3A_17 = vector.broadcast %get3A_16 : vector<1x128xf32> to vector<2000x128xf32>
    %add3A_18 = arith.addf %add3A, %add3A_17 : vector<2000x128xf32>
    %swap3A = arith.constant 0 : index
    %swap3A_19 = arith.constant 0 : index
    %swap3A_20 = vector.load %arg6[%swap3A, %swap3A_19] : memref<2000x128xf32, #tpu.memory_space<vmem>>, vector<2000x128xf32>
    tpu.vector_store %arg6[%swap3A, %swap3A_19], %add3A_18 {strides = array<i32>} : memref<2000x128xf32, #tpu.memory_space<vmem>>, vector<2000x128xf32>,
    return
  }
  func.func @transform_0(%arg0: i32) -> (i32, i32) {
    %c0_i32 = arith.constant 0 : i32
    %c0_i32_0 = arith.constant 0 : i32
    return %arg0, %c0_i32 : i32, i32
  }
  func.func @transform_1(%arg0: i32) -> (i32, i32) {
    %c0_i32 = arith.constant 0 : i32
    %c0_i32_0 = arith.constant 0 : i32
    return %arg0, %c0_i32 : i32, i32
  }
  func.func @transform_2(%arg0: i32) -> (i32, i32) {
    %c0_i32 = arith.constant 0 : i32
    %c0_i32_0 = arith.constant 0 : i32
    %c0_i32_1 = arith.constant 0 : i32
    return %c0_i32, %c0_i32_0 : i32, i32
  }
  func.func @transform_3(%arg0: i32) -> (i32, i32) {
    %c0_i32 = arith.constant 0 : i32
    %c0_i32_0 = arith.constant 0 : i32
    %c0_i32_1 = arith.constant 0 : i32
    return %c0_i32, %c0_i32_0 : i32, i32
  }
  func.func @transform_4(%arg0: i32) -> (i32, i32) {
    %c0_i32 = arith.constant 0 : i32
    %c0_i32_0 = arith.constant 0 : i32
    %c0_i32_1 = arith.constant 0 : i32
    return %c0_i32, %c0_i32_0 : i32, i32
  }
  func.func @transform_5(%arg0: i32) -> (i32, i32) {
    %c0_i32 = arith.constant 0 : i32
    %c0_i32_0 = arith.constant 0 : i32
    return %arg0, %c0_i32 : i32, i32
  }
}

module attributes {stable_mosaic.version = 14 : i64} {
  func.func @_gru_body(%arg0: i32, %arg1: memref<2x1000x128xf32, #tpu.memory_space<vmem>>, %arg2: memref<2x2000x16xf32, #tpu.memory_space<vmem>>, %arg3: memref<2000x128xf32, #tpu.memory_space<vmem>>, %arg4: memref<2x128x128xf32, #tpu.memory_space<vmem>>, %arg5: memref<2x128x128xf32, #tpu.memory_space<vmem>>, %arg6: memref<1x128xf32, #tpu.memory_space<vmem>>, %arg7: memref<128x384xf32, #tpu.memory_space<vmem>>, %arg8: memref<1x384xf32, #tpu.memory_space<vmem>>, %arg9: memref<128x384xf32, #tpu.memory_space<vmem>>, %arg10: memref<1x384xf32, #tpu.memory_space<vmem>>, %arg11: memref<2000x128xf32, #tpu.memory_space<vmem>>) attributes {dimension_semantics = [#tpu.dimension_semantics<arbitrary>], iteration_bounds = array<i64: 5>, scalar_prefetch = 0 : i64, scratch_operands = 0 : i64, tpu.core_type = #tpu.core_type<tc>, window_params = [{transform_indices = @transform_0, window_bounds = array<i64: 2, 1000, 128>}, {transform_indices = @transform_1, window_bounds = array<i64: 2, 2000, 16>}, {transform_indices = @transform_2, window_bounds = array<i64: 2000, 128>}, {pipeline_mode = #tpu.pipeline_mode<synchronous>, transform_indices = @transform_3, window_bounds = array<i64: 2, 128, 128>}, {pipeline_mode = #tpu.pipeline_mode<synchronous>, transform_indices = @transform_4, window_bounds = array<i64: 2, 128, 128>}, {pipeline_mode = #tpu.pipeline_mode<synchronous>, transform_indices = @transform_5, window_bounds = array<i64: 1, 128>}, {pipeline_mode = #tpu.pipeline_mode<synchronous>, transform_indices = @transform_6, window_bounds = array<i64: 128, 384>}, {pipeline_mode = #tpu.pipeline_mode<synchronous>, transform_indices = @transform_7, window_bounds = array<i64: 1, 384>}, {pipeline_mode = #tpu.pipeline_mode<synchronous>, transform_indices = @transform_8, window_bounds = array<i64: 128, 384>}, {pipeline_mode = #tpu.pipeline_mode<synchronous>, transform_indices = @transform_9, window_bounds = array<i64: 1, 384>}, {transform_indices = @transform_10, window_bounds = array<i64: 2000, 128>}]} {
    %get3A = arith.constant 0 : index
    %get3A_0 = arith.constant 0 : index
    %get3A_1 = arith.constant 0 : index
    %get3A_2 = vector.load %arg2[%get3A, %get3A_0, %get3A_1] : memref<2x2000x16xf32, #tpu.memory_space<vmem>>, vector<1x2000x1xf32>
    %get3A_3 = vector.shape_cast %get3A_2 : vector<1x2000x1xf32> to vector<2000x1xf32>
    %get3A_4 = arith.constant 1 : index
    %get3A_5 = arith.constant 0 : index
    %get3A_6 = arith.constant 0 : index
    %get3A_7 = vector.load %arg2[%get3A_4, %get3A_5, %get3A_6] : memref<2x2000x16xf32, #tpu.memory_space<vmem>>, vector<1x2000x1xf32>
    %get3A_8 = vector.shape_cast %get3A_7 : vector<1x2000x1xf32> to vector<2000x1xf32>
    %add3A = arith.addf %get3A_3, %get3A_8 : vector<2000x1xf32>
    %get3A_9 = arith.constant 0 : index
    %get3A_10 = arith.constant 0 : index
    %get3A_11 = arith.constant 0 : index
    %get3A_12 = vector.load %arg1[%get3A_9, %get3A_10, %get3A_11] : memref<2x1000x128xf32, #tpu.memory_space<vmem>>, vector<1x1000x128xf32>
    %get3A_13 = vector.shape_cast %get3A_12 : vector<1x1000x128xf32> to vector<1000x128xf32>
    %get3A_14 = arith.constant 0 : index
    %get3A_15 = arith.constant 0 : index
    %get3A_16 = arith.constant 0 : index
    %get3A_17 = vector.load %arg4[%get3A_14, %get3A_15, %get3A_16] : memref<2x128x128xf32, #tpu.memory_space<vmem>>, vector<1x128x128xf32>
    %get3A_18 = vector.shape_cast %get3A_17 : vector<1x128x128xf32> to vector<128x128xf32>
    %dot_general3A = arith.constant dense<0.000000e+00> : vector<1000x128xf32>
    %dot_general3A_19 = tpu.matmul %get3A_13, %get3A_18, %dot_general3A {dimension_numbers = #tpu.dot_dimension_numbers<[1], [0], [0], [1], [0, 0, 1, 1], [], []>, transpose_lhs_hint = false} : vector<1000x128xf32>, vector<128x128xf32>, vector<1000x128xf32> -> vector<1000x128xf32>
    %get3A_20 = arith.constant 1 : index
    %get3A_21 = arith.constant 0 : index
    %get3A_22 = arith.constant 0 : index
    %get3A_23 = vector.load %arg1[%get3A_20, %get3A_21, %get3A_22] : memref<2x1000x128xf32, #tpu.memory_space<vmem>>, vector<1x1000x128xf32>
    %get3A_24 = vector.shape_cast %get3A_23 : vector<1x1000x128xf32> to vector<1000x128xf32>
    %get3A_25 = arith.constant 1 : index
    %get3A_26 = arith.constant 0 : index
    %get3A_27 = arith.constant 0 : index
    %get3A_28 = vector.load %arg4[%get3A_25, %get3A_26, %get3A_27] : memref<2x128x128xf32, #tpu.memory_space<vmem>>, vector<1x128x128xf32>
    %get3A_29 = vector.shape_cast %get3A_28 : vector<1x128x128xf32> to vector<128x128xf32>
    %dot_general3A_30 = arith.constant dense<0.000000e+00> : vector<1000x128xf32>
    %dot_general3A_31 = tpu.matmul %get3A_24, %get3A_29, %dot_general3A_30 {dimension_numbers = #tpu.dot_dimension_numbers<[1], [0], [0], [1], [0, 0, 1, 1], [], []>, transpose_lhs_hint = false} : vector<1000x128xf32>, vector<128x128xf32>, vector<1000x128xf32> -> vector<1000x128xf32>
    %add3A_32 = arith.addf %dot_general3A_19, %dot_general3A_31 : vector<1000x128xf32>
    %get3A_33 = arith.constant 0 : index
    %get3A_34 = arith.constant 0 : index
    %get3A_35 = arith.constant 0 : index
    %get3A_36 = vector.load %arg1[%get3A_33, %get3A_34, %get3A_35] : memref<2x1000x128xf32, #tpu.memory_space<vmem>>, vector<1x1000x128xf32>
    %get3A_37 = vector.shape_cast %get3A_36 : vector<1x1000x128xf32> to vector<1000x128xf32>
    %get3A_38 = arith.constant 0 : index
    %get3A_39 = arith.constant 0 : index
    %get3A_40 = arith.constant 0 : index
    %get3A_41 = vector.load %arg5[%get3A_38, %get3A_39, %get3A_40] : memref<2x128x128xf32, #tpu.memory_space<vmem>>, vector<1x128x128xf32>
    %get3A_42 = vector.shape_cast %get3A_41 : vector<1x128x128xf32> to vector<128x128xf32>
    %dot_general3A_43 = arith.constant dense<0.000000e+00> : vector<1000x128xf32>
    %dot_general3A_44 = tpu.matmul %get3A_37, %get3A_42, %dot_general3A_43 {dimension_numbers = #tpu.dot_dimension_numbers<[1], [0], [0], [1], [0, 0, 1, 1], [], []>, transpose_lhs_hint = false} : vector<1000x128xf32>, vector<128x128xf32>, vector<1000x128xf32> -> vector<1000x128xf32>
    %get3A_45 = arith.constant 1 : index
    %get3A_46 = arith.constant 0 : index
    %get3A_47 = arith.constant 0 : index
    %get3A_48 = vector.load %arg1[%get3A_45, %get3A_46, %get3A_47] : memref<2x1000x128xf32, #tpu.memory_space<vmem>>, vector<1x1000x128xf32>
    %get3A_49 = vector.shape_cast %get3A_48 : vector<1x1000x128xf32> to vector<1000x128xf32>
    %get3A_50 = arith.constant 1 : index
    %get3A_51 = arith.constant 0 : index
    %get3A_52 = arith.constant 0 : index
    %get3A_53 = vector.load %arg5[%get3A_50, %get3A_51, %get3A_52] : memref<2x128x128xf32, #tpu.memory_space<vmem>>, vector<1x128x128xf32>
    %get3A_54 = vector.shape_cast %get3A_53 : vector<1x128x128xf32> to vector<128x128xf32>
    %dot_general3A_55 = arith.constant dense<0.000000e+00> : vector<1000x128xf32>
    %dot_general3A_56 = tpu.matmul %get3A_49, %get3A_54, %dot_general3A_55 {dimension_numbers = #tpu.dot_dimension_numbers<[1], [0], [0], [1], [0, 0, 1, 1], [], []>, transpose_lhs_hint = false} : vector<1000x128xf32>, vector<128x128xf32>, vector<1000x128xf32> -> vector<1000x128xf32>
    %add3A_57 = arith.addf %dot_general3A_44, %dot_general3A_56 : vector<1000x128xf32>
    %stack3A = vector.shape_cast %add3A_32 : vector<1000x128xf32> to vector<1000x1x128xf32>
    %stack3A_58 = vector.shape_cast %add3A_57 : vector<1000x128xf32> to vector<1000x1x128xf32>
    %stack3A_59 = tpu.concatenate %stack3A, %stack3A_58 in 1 : vector<1000x1x128xf32>, vector<1000x1x128xf32> -> vector<1000x2x128xf32>
    %reshape3A = vector.shape_cast %stack3A_59 : vector<1000x2x128xf32> to vector<2000x128xf32>
    %get3A_60 = arith.constant 0 : index
    %get3A_61 = arith.constant 0 : index
    %get3A_62 = vector.load %arg6[%get3A_60, %get3A_61] : memref<1x128xf32, #tpu.memory_space<vmem>>, vector<1x128xf32>
    %mul3A = vector.broadcast %add3A : vector<2000x1xf32> to vector<2000x128xf32>
    %mul3A_63 = vector.broadcast %get3A_62 : vector<1x128xf32> to vector<2000x128xf32>
    %mul3A_64 = arith.mulf %mul3A, %mul3A_63 : vector<2000x128xf32>
    %add3A_65 = arith.addf %reshape3A, %mul3A_64 : vector<2000x128xf32>
    %get3A_66 = arith.constant 0 : index
    %get3A_67 = arith.constant 0 : index
    %get3A_68 = vector.load %arg3[%get3A_66, %get3A_67] : memref<2000x128xf32, #tpu.memory_space<vmem>>, vector<2000x128xf32>
    %get3A_69 = arith.constant 0 : index
    %get3A_70 = arith.constant 0 : index
    %get3A_71 = vector.load %arg7[%get3A_69, %get3A_70] : memref<128x384xf32, #tpu.memory_space<vmem>>, vector<128x384xf32>
    %dot_general3A_72 = arith.constant dense<0.000000e+00> : vector<2000x384xf32>
    %dot_general3A_73 = tpu.matmul %add3A_65, %get3A_71, %dot_general3A_72 {dimension_numbers = #tpu.dot_dimension_numbers<[1], [0], [0], [1], [0, 0, 1, 1], [], []>, transpose_lhs_hint = false} : vector<2000x128xf32>, vector<128x384xf32>, vector<2000x384xf32> -> vector<2000x384xf32>
    %get3A_74 = arith.constant 0 : index
    %get3A_75 = arith.constant 0 : index
    %get3A_76 = vector.load %arg8[%get3A_74, %get3A_75] : memref<1x384xf32, #tpu.memory_space<vmem>>, vector<1x384xf32>
    %add3A_77 = vector.broadcast %get3A_76 : vector<1x384xf32> to vector<2000x384xf32>
    %add3A_78 = arith.addf %dot_general3A_73, %add3A_77 : vector<2000x384xf32>
    %get3A_79 = arith.constant 0 : index
    %get3A_80 = arith.constant 0 : index
    %get3A_81 = vector.load %arg9[%get3A_79, %get3A_80] : memref<128x384xf32, #tpu.memory_space<vmem>>, vector<128x384xf32>
    %dot_general3A_82 = arith.constant dense<0.000000e+00> : vector<2000x384xf32>
    %dot_general3A_83 = tpu.matmul %get3A_68, %get3A_81, %dot_general3A_82 {dimension_numbers = #tpu.dot_dimension_numbers<[1], [0], [0], [1], [0, 0, 1, 1], [], []>, transpose_lhs_hint = false} : vector<2000x128xf32>, vector<128x384xf32>, vector<2000x384xf32> -> vector<2000x384xf32>
    %get3A_84 = arith.constant 0 : index
    %get3A_85 = arith.constant 0 : index
    %get3A_86 = vector.load %arg10[%get3A_84, %get3A_85] : memref<1x384xf32, #tpu.memory_space<vmem>>, vector<1x384xf32>
    %add3A_87 = vector.broadcast %get3A_86 : vector<1x384xf32> to vector<2000x384xf32>
    %add3A_88 = arith.addf %dot_general3A_83, %add3A_87 : vector<2000x384xf32>
    %slice3A = vector.extract_strided_slice %add3A_78 {offsets = [0, 0], sizes = [2000, 128], strides = [1, 1]} : vector<2000x384xf32> to vector<2000x128xf32>
    %slice3A_89 = vector.extract_strided_slice %add3A_88 {offsets = [0, 0], sizes = [2000, 128], strides = [1, 1]} : vector<2000x384xf32> to vector<2000x128xf32>
    %add3A_90 = arith.addf %slice3A, %slice3A_89 : vector<2000x128xf32>
    %logistic3A = arith.negf %add3A_90 : vector<2000x128xf32>
    %logistic3A_91 = math.exp %logistic3A : vector<2000x128xf32>
    %logistic3A_92 = arith.constant 1.000000e+00 : f32
    %logistic3A_93 = vector.broadcast %logistic3A_92 : f32 to vector<2000x128xf32>
    %logistic3A_94 = arith.addf %logistic3A_93, %logistic3A_91 : vector<2000x128xf32>
    %logistic3A_95 = arith.divf %logistic3A_93, %logistic3A_94 : vector<2000x128xf32>
    %slice3A_96 = vector.extract_strided_slice %add3A_78 {offsets = [0, 128], sizes = [2000, 128], strides = [1, 1]} : vector<2000x384xf32> to vector<2000x128xf32>
    %slice3A_97 = vector.extract_strided_slice %add3A_88 {offsets = [0, 128], sizes = [2000, 128], strides = [1, 1]} : vector<2000x384xf32> to vector<2000x128xf32>
    %add3A_98 = arith.addf %slice3A_96, %slice3A_97 : vector<2000x128xf32>
    %logistic3A_99 = arith.negf %add3A_98 : vector<2000x128xf32>
    %logistic3A_100 = math.exp %logistic3A_99 : vector<2000x128xf32>
    %logistic3A_101 = arith.constant 1.000000e+00 : f32
    %logistic3A_102 = vector.broadcast %logistic3A_101 : f32 to vector<2000x128xf32>
    %logistic3A_103 = arith.addf %logistic3A_102, %logistic3A_100 : vector<2000x128xf32>
    %logistic3A_104 = arith.divf %logistic3A_102, %logistic3A_103 : vector<2000x128xf32>
    %slice3A_105 = vector.extract_strided_slice %add3A_78 {offsets = [0, 256], sizes = [2000, 128], strides = [1, 1]} : vector<2000x384xf32> to vector<2000x128xf32>
    %slice3A_106 = vector.extract_strided_slice %add3A_88 {offsets = [0, 256], sizes = [2000, 128], strides = [1, 1]} : vector<2000x384xf32> to vector<2000x128xf32>
    %mul3A_107 = arith.mulf %logistic3A_95, %slice3A_106 : vector<2000x128xf32>
    %add3A_108 = arith.addf %slice3A_105, %mul3A_107 : vector<2000x128xf32>
    %tanh3A = math.tanh %add3A_108 : vector<2000x128xf32>
    %sub3A = arith.constant 1.000000e+00 : f32
    %sub3A_109 = vector.broadcast %sub3A : f32 to vector<2000x128xf32>
    %sub3A_110 = arith.subf %sub3A_109, %logistic3A_104 : vector<2000x128xf32>
    %mul3A_111 = arith.mulf %sub3A_110, %tanh3A : vector<2000x128xf32>
    %mul3A_112 = arith.mulf %logistic3A_104, %get3A_68 : vector<2000x128xf32>
    %add3A_113 = arith.addf %mul3A_111, %mul3A_112 : vector<2000x128xf32>
    %swap3A = arith.constant 0 : index
    %swap3A_114 = arith.constant 0 : index
    %swap3A_115 = vector.load %arg11[%swap3A, %swap3A_114] : memref<2000x128xf32, #tpu.memory_space<vmem>>, vector<2000x128xf32>
    tpu.vector_store %arg11[%swap3A, %swap3A_114], %add3A_113 {strides = array<i32>} : memref<2000x128xf32, #tpu.memory_space<vmem>>, vector<2000x128xf32>,
    return
  }
  func.func @transform_0(%arg0: i32) -> (i32, i32, i32) {
    %c0_i32 = arith.constant 0 : i32
    %c0_i32_0 = arith.constant 0 : i32
    %c0_i32_1 = arith.constant 0 : i32
    return %c0_i32, %arg0, %c0_i32_0 : i32, i32, i32
  }
  func.func @transform_1(%arg0: i32) -> (i32, i32, i32) {
    %c0_i32 = arith.constant 0 : i32
    %c0_i32_0 = arith.constant 0 : i32
    %c0_i32_1 = arith.constant 0 : i32
    return %c0_i32, %arg0, %c0_i32_0 : i32, i32, i32
  }
  func.func @transform_2(%arg0: i32) -> (i32, i32) {
    %c0_i32 = arith.constant 0 : i32
    %c0_i32_0 = arith.constant 0 : i32
    return %arg0, %c0_i32 : i32, i32
  }
  func.func @transform_3(%arg0: i32) -> (i32, i32, i32) {
    %c0_i32 = arith.constant 0 : i32
    %c0_i32_0 = arith.constant 0 : i32
    %c0_i32_1 = arith.constant 0 : i32
    %c0_i32_2 = arith.constant 0 : i32
    return %c0_i32, %c0_i32_0, %c0_i32_1 : i32, i32, i32
  }
  func.func @transform_4(%arg0: i32) -> (i32, i32, i32) {
    %c0_i32 = arith.constant 0 : i32
    %c0_i32_0 = arith.constant 0 : i32
    %c0_i32_1 = arith.constant 0 : i32
    %c0_i32_2 = arith.constant 0 : i32
    return %c0_i32, %c0_i32_0, %c0_i32_1 : i32, i32, i32
  }
  func.func @transform_5(%arg0: i32) -> (i32, i32) {
    %c0_i32 = arith.constant 0 : i32
    %c0_i32_0 = arith.constant 0 : i32
    %c0_i32_1 = arith.constant 0 : i32
    return %c0_i32, %c0_i32_0 : i32, i32
  }
  func.func @transform_6(%arg0: i32) -> (i32, i32) {
    %c0_i32 = arith.constant 0 : i32
    %c0_i32_0 = arith.constant 0 : i32
    %c0_i32_1 = arith.constant 0 : i32
    return %c0_i32, %c0_i32_0 : i32, i32
  }
  func.func @transform_7(%arg0: i32) -> (i32, i32) {
    %c0_i32 = arith.constant 0 : i32
    %c0_i32_0 = arith.constant 0 : i32
    %c0_i32_1 = arith.constant 0 : i32
    return %c0_i32, %c0_i32_0 : i32, i32
  }
  func.func @transform_8(%arg0: i32) -> (i32, i32) {
    %c0_i32 = arith.constant 0 : i32
    %c0_i32_0 = arith.constant 0 : i32
    %c0_i32_1 = arith.constant 0 : i32
    return %c0_i32, %c0_i32_0 : i32, i32
  }
  func.func @transform_9(%arg0: i32) -> (i32, i32) {
    %c0_i32 = arith.constant 0 : i32
    %c0_i32_0 = arith.constant 0 : i32
    %c0_i32_1 = arith.constant 0 : i32
    return %c0_i32, %c0_i32_0 : i32, i32
  }
  func.func @transform_10(%arg0: i32) -> (i32, i32) {
    %c0_i32 = arith.constant 0 : i32
    %c0_i32_0 = arith.constant 0 : i32
    return %arg0, %c0_i32 : i32, i32
  }
}

module attributes {stable_mosaic.version = 14 : i64} {
  func.func @_gru_body(%arg0: i32, %arg1: memref<2x1000x128xf32, #tpu.memory_space<vmem>>, %arg2: memref<2x2000x16xf32, #tpu.memory_space<vmem>>, %arg3: memref<2000x128xf32, #tpu.memory_space<vmem>>, %arg4: memref<2x128x128xf32, #tpu.memory_space<vmem>>, %arg5: memref<2x128x128xf32, #tpu.memory_space<vmem>>, %arg6: memref<1x128xf32, #tpu.memory_space<vmem>>, %arg7: memref<128x384xf32, #tpu.memory_space<vmem>>, %arg8: memref<1x384xf32, #tpu.memory_space<vmem>>, %arg9: memref<128x384xf32, #tpu.memory_space<vmem>>, %arg10: memref<1x384xf32, #tpu.memory_space<vmem>>, %arg11: memref<2000x128xf32, #tpu.memory_space<vmem>>) attributes {dimension_semantics = [#tpu.dimension_semantics<arbitrary>], iteration_bounds = array<i64: 5>, scalar_prefetch = 0 : i64, scratch_operands = 0 : i64, tpu.core_type = #tpu.core_type<tc>, window_params = [{transform_indices = @transform_0, window_bounds = array<i64: 2, 1000, 128>}, {transform_indices = @transform_1, window_bounds = array<i64: 2, 2000, 16>}, {transform_indices = @transform_2, window_bounds = array<i64: 2000, 128>}, {pipeline_mode = #tpu.pipeline_mode<synchronous>, transform_indices = @transform_3, window_bounds = array<i64: 2, 128, 128>}, {pipeline_mode = #tpu.pipeline_mode<synchronous>, transform_indices = @transform_4, window_bounds = array<i64: 2, 128, 128>}, {pipeline_mode = #tpu.pipeline_mode<synchronous>, transform_indices = @transform_5, window_bounds = array<i64: 1, 128>}, {pipeline_mode = #tpu.pipeline_mode<synchronous>, transform_indices = @transform_6, window_bounds = array<i64: 128, 384>}, {pipeline_mode = #tpu.pipeline_mode<synchronous>, transform_indices = @transform_7, window_bounds = array<i64: 1, 384>}, {pipeline_mode = #tpu.pipeline_mode<synchronous>, transform_indices = @transform_8, window_bounds = array<i64: 128, 384>}, {pipeline_mode = #tpu.pipeline_mode<synchronous>, transform_indices = @transform_9, window_bounds = array<i64: 1, 384>}, {transform_indices = @transform_10, window_bounds = array<i64: 2000, 128>}]} {
    %get3A = arith.constant 0 : index
    %get3A_0 = arith.constant 0 : index
    %get3A_1 = arith.constant 0 : index
    %get3A_2 = vector.load %arg2[%get3A, %get3A_0, %get3A_1] : memref<2x2000x16xf32, #tpu.memory_space<vmem>>, vector<1x2000x1xf32>
    %get3A_3 = vector.shape_cast %get3A_2 : vector<1x2000x1xf32> to vector<2000x1xf32>
    %get3A_4 = arith.constant 1 : index
    %get3A_5 = arith.constant 0 : index
    %get3A_6 = arith.constant 0 : index
    %get3A_7 = vector.load %arg2[%get3A_4, %get3A_5, %get3A_6] : memref<2x2000x16xf32, #tpu.memory_space<vmem>>, vector<1x2000x1xf32>
    %get3A_8 = vector.shape_cast %get3A_7 : vector<1x2000x1xf32> to vector<2000x1xf32>
    %add3A = arith.addf %get3A_3, %get3A_8 : vector<2000x1xf32>
    %get3A_9 = arith.constant 0 : index
    %get3A_10 = arith.constant 0 : index
    %get3A_11 = arith.constant 0 : index
    %get3A_12 = vector.load %arg1[%get3A_9, %get3A_10, %get3A_11] : memref<2x1000x128xf32, #tpu.memory_space<vmem>>, vector<1x1000x128xf32>
    %get3A_13 = vector.shape_cast %get3A_12 : vector<1x1000x128xf32> to vector<1000x128xf32>
    %get3A_14 = arith.constant 0 : index
    %get3A_15 = arith.constant 0 : index
    %get3A_16 = arith.constant 0 : index
    %get3A_17 = vector.load %arg4[%get3A_14, %get3A_15, %get3A_16] : memref<2x128x128xf32, #tpu.memory_space<vmem>>, vector<1x128x128xf32>
    %get3A_18 = vector.shape_cast %get3A_17 : vector<1x128x128xf32> to vector<128x128xf32>
    %dot_general3A = arith.constant dense<0.000000e+00> : vector<1000x128xf32>
    %dot_general3A_19 = tpu.matmul %get3A_13, %get3A_18, %dot_general3A {dimension_numbers = #tpu.dot_dimension_numbers<[1], [0], [0], [1], [0, 0, 1, 1], [], []>, transpose_lhs_hint = false} : vector<1000x128xf32>, vector<128x128xf32>, vector<1000x128xf32> -> vector<1000x128xf32>
    %get3A_20 = arith.constant 1 : index
    %get3A_21 = arith.constant 0 : index
    %get3A_22 = arith.constant 0 : index
    %get3A_23 = vector.load %arg1[%get3A_20, %get3A_21, %get3A_22] : memref<2x1000x128xf32, #tpu.memory_space<vmem>>, vector<1x1000x128xf32>
    %get3A_24 = vector.shape_cast %get3A_23 : vector<1x1000x128xf32> to vector<1000x128xf32>
    %get3A_25 = arith.constant 1 : index
    %get3A_26 = arith.constant 0 : index
    %get3A_27 = arith.constant 0 : index
    %get3A_28 = vector.load %arg4[%get3A_25, %get3A_26, %get3A_27] : memref<2x128x128xf32, #tpu.memory_space<vmem>>, vector<1x128x128xf32>
    %get3A_29 = vector.shape_cast %get3A_28 : vector<1x128x128xf32> to vector<128x128xf32>
    %dot_general3A_30 = arith.constant dense<0.000000e+00> : vector<1000x128xf32>
    %dot_general3A_31 = tpu.matmul %get3A_24, %get3A_29, %dot_general3A_30 {dimension_numbers = #tpu.dot_dimension_numbers<[1], [0], [0], [1], [0, 0, 1, 1], [], []>, transpose_lhs_hint = false} : vector<1000x128xf32>, vector<128x128xf32>, vector<1000x128xf32> -> vector<1000x128xf32>
    %add3A_32 = arith.addf %dot_general3A_19, %dot_general3A_31 : vector<1000x128xf32>
    %get3A_33 = arith.constant 0 : index
    %get3A_34 = arith.constant 0 : index
    %get3A_35 = arith.constant 0 : index
    %get3A_36 = vector.load %arg1[%get3A_33, %get3A_34, %get3A_35] : memref<2x1000x128xf32, #tpu.memory_space<vmem>>, vector<1x1000x128xf32>
    %get3A_37 = vector.shape_cast %get3A_36 : vector<1x1000x128xf32> to vector<1000x128xf32>
    %get3A_38 = arith.constant 0 : index
    %get3A_39 = arith.constant 0 : index
    %get3A_40 = arith.constant 0 : index
    %get3A_41 = vector.load %arg5[%get3A_38, %get3A_39, %get3A_40] : memref<2x128x128xf32, #tpu.memory_space<vmem>>, vector<1x128x128xf32>
    %get3A_42 = vector.shape_cast %get3A_41 : vector<1x128x128xf32> to vector<128x128xf32>
    %dot_general3A_43 = arith.constant dense<0.000000e+00> : vector<1000x128xf32>
    %dot_general3A_44 = tpu.matmul %get3A_37, %get3A_42, %dot_general3A_43 {dimension_numbers = #tpu.dot_dimension_numbers<[1], [0], [0], [1], [0, 0, 1, 1], [], []>, transpose_lhs_hint = false} : vector<1000x128xf32>, vector<128x128xf32>, vector<1000x128xf32> -> vector<1000x128xf32>
    %get3A_45 = arith.constant 1 : index
    %get3A_46 = arith.constant 0 : index
    %get3A_47 = arith.constant 0 : index
    %get3A_48 = vector.load %arg1[%get3A_45, %get3A_46, %get3A_47] : memref<2x1000x128xf32, #tpu.memory_space<vmem>>, vector<1x1000x128xf32>
    %get3A_49 = vector.shape_cast %get3A_48 : vector<1x1000x128xf32> to vector<1000x128xf32>
    %get3A_50 = arith.constant 1 : index
    %get3A_51 = arith.constant 0 : index
    %get3A_52 = arith.constant 0 : index
    %get3A_53 = vector.load %arg5[%get3A_50, %get3A_51, %get3A_52] : memref<2x128x128xf32, #tpu.memory_space<vmem>>, vector<1x128x128xf32>
    %get3A_54 = vector.shape_cast %get3A_53 : vector<1x128x128xf32> to vector<128x128xf32>
    %dot_general3A_55 = arith.constant dense<0.000000e+00> : vector<1000x128xf32>
    %dot_general3A_56 = tpu.matmul %get3A_49, %get3A_54, %dot_general3A_55 {dimension_numbers = #tpu.dot_dimension_numbers<[1], [0], [0], [1], [0, 0, 1, 1], [], []>, transpose_lhs_hint = false} : vector<1000x128xf32>, vector<128x128xf32>, vector<1000x128xf32> -> vector<1000x128xf32>
    %add3A_57 = arith.addf %dot_general3A_44, %dot_general3A_56 : vector<1000x128xf32>
    %stack3A = vector.shape_cast %add3A_32 : vector<1000x128xf32> to vector<1000x1x128xf32>
    %stack3A_58 = vector.shape_cast %add3A_57 : vector<1000x128xf32> to vector<1000x1x128xf32>
    %stack3A_59 = tpu.concatenate %stack3A, %stack3A_58 in 1 : vector<1000x1x128xf32>, vector<1000x1x128xf32> -> vector<1000x2x128xf32>
    %reshape3A = vector.shape_cast %stack3A_59 : vector<1000x2x128xf32> to vector<2000x128xf32>
    %get3A_60 = arith.constant 0 : index
    %get3A_61 = arith.constant 0 : index
    %get3A_62 = vector.load %arg6[%get3A_60, %get3A_61] : memref<1x128xf32, #tpu.memory_space<vmem>>, vector<1x128xf32>
    %mul3A = vector.broadcast %add3A : vector<2000x1xf32> to vector<2000x128xf32>
    %mul3A_63 = vector.broadcast %get3A_62 : vector<1x128xf32> to vector<2000x128xf32>
    %mul3A_64 = arith.mulf %mul3A, %mul3A_63 : vector<2000x128xf32>
    %add3A_65 = arith.addf %reshape3A, %mul3A_64 : vector<2000x128xf32>
    %get3A_66 = arith.constant 0 : index
    %get3A_67 = arith.constant 0 : index
    %get3A_68 = vector.load %arg3[%get3A_66, %get3A_67] : memref<2000x128xf32, #tpu.memory_space<vmem>>, vector<2000x128xf32>
    %get3A_69 = arith.constant 0 : index
    %get3A_70 = arith.constant 0 : index
    %get3A_71 = vector.load %arg7[%get3A_69, %get3A_70] : memref<128x384xf32, #tpu.memory_space<vmem>>, vector<128x384xf32>
    %dot_general3A_72 = arith.constant dense<0.000000e+00> : vector<2000x384xf32>
    %dot_general3A_73 = tpu.matmul %add3A_65, %get3A_71, %dot_general3A_72 {dimension_numbers = #tpu.dot_dimension_numbers<[1], [0], [0], [1], [0, 0, 1, 1], [], []>, transpose_lhs_hint = false} : vector<2000x128xf32>, vector<128x384xf32>, vector<2000x384xf32> -> vector<2000x384xf32>
    %get3A_74 = arith.constant 0 : index
    %get3A_75 = arith.constant 0 : index
    %get3A_76 = vector.load %arg8[%get3A_74, %get3A_75] : memref<1x384xf32, #tpu.memory_space<vmem>>, vector<1x384xf32>
    %add3A_77 = vector.broadcast %get3A_76 : vector<1x384xf32> to vector<2000x384xf32>
    %add3A_78 = arith.addf %dot_general3A_73, %add3A_77 : vector<2000x384xf32>
    %get3A_79 = arith.constant 0 : index
    %get3A_80 = arith.constant 0 : index
    %get3A_81 = vector.load %arg9[%get3A_79, %get3A_80] : memref<128x384xf32, #tpu.memory_space<vmem>>, vector<128x384xf32>
    %dot_general3A_82 = arith.constant dense<0.000000e+00> : vector<2000x384xf32>
    %dot_general3A_83 = tpu.matmul %get3A_68, %get3A_81, %dot_general3A_82 {dimension_numbers = #tpu.dot_dimension_numbers<[1], [0], [0], [1], [0, 0, 1, 1], [], []>, transpose_lhs_hint = false} : vector<2000x128xf32>, vector<128x384xf32>, vector<2000x384xf32> -> vector<2000x384xf32>
    %get3A_84 = arith.constant 0 : index
    %get3A_85 = arith.constant 0 : index
    %get3A_86 = vector.load %arg10[%get3A_84, %get3A_85] : memref<1x384xf32, #tpu.memory_space<vmem>>, vector<1x384xf32>
    %add3A_87 = vector.broadcast %get3A_86 : vector<1x384xf32> to vector<2000x384xf32>
    %add3A_88 = arith.addf %dot_general3A_83, %add3A_87 : vector<2000x384xf32>
    %slice3A = vector.extract_strided_slice %add3A_78 {offsets = [0, 0], sizes = [2000, 128], strides = [1, 1]} : vector<2000x384xf32> to vector<2000x128xf32>
    %slice3A_89 = vector.extract_strided_slice %add3A_88 {offsets = [0, 0], sizes = [2000, 128], strides = [1, 1]} : vector<2000x384xf32> to vector<2000x128xf32>
    %add3A_90 = arith.addf %slice3A, %slice3A_89 : vector<2000x128xf32>
    %logistic3A = arith.negf %add3A_90 : vector<2000x128xf32>
    %logistic3A_91 = math.exp %logistic3A : vector<2000x128xf32>
    %logistic3A_92 = arith.constant 1.000000e+00 : f32
    %logistic3A_93 = vector.broadcast %logistic3A_92 : f32 to vector<2000x128xf32>
    %logistic3A_94 = arith.addf %logistic3A_93, %logistic3A_91 : vector<2000x128xf32>
    %logistic3A_95 = arith.divf %logistic3A_93, %logistic3A_94 : vector<2000x128xf32>
    %slice3A_96 = vector.extract_strided_slice %add3A_78 {offsets = [0, 128], sizes = [2000, 128], strides = [1, 1]} : vector<2000x384xf32> to vector<2000x128xf32>
    %slice3A_97 = vector.extract_strided_slice %add3A_88 {offsets = [0, 128], sizes = [2000, 128], strides = [1, 1]} : vector<2000x384xf32> to vector<2000x128xf32>
    %add3A_98 = arith.addf %slice3A_96, %slice3A_97 : vector<2000x128xf32>
    %logistic3A_99 = arith.negf %add3A_98 : vector<2000x128xf32>
    %logistic3A_100 = math.exp %logistic3A_99 : vector<2000x128xf32>
    %logistic3A_101 = arith.constant 1.000000e+00 : f32
    %logistic3A_102 = vector.broadcast %logistic3A_101 : f32 to vector<2000x128xf32>
    %logistic3A_103 = arith.addf %logistic3A_102, %logistic3A_100 : vector<2000x128xf32>
    %logistic3A_104 = arith.divf %logistic3A_102, %logistic3A_103 : vector<2000x128xf32>
    %slice3A_105 = vector.extract_strided_slice %add3A_78 {offsets = [0, 256], sizes = [2000, 128], strides = [1, 1]} : vector<2000x384xf32> to vector<2000x128xf32>
    %slice3A_106 = vector.extract_strided_slice %add3A_88 {offsets = [0, 256], sizes = [2000, 128], strides = [1, 1]} : vector<2000x384xf32> to vector<2000x128xf32>
    %mul3A_107 = arith.mulf %logistic3A_95, %slice3A_106 : vector<2000x128xf32>
    %add3A_108 = arith.addf %slice3A_105, %mul3A_107 : vector<2000x128xf32>
    %tanh3A = math.tanh %add3A_108 : vector<2000x128xf32>
    %sub3A = arith.constant 1.000000e+00 : f32
    %sub3A_109 = vector.broadcast %sub3A : f32 to vector<2000x128xf32>
    %sub3A_110 = arith.subf %sub3A_109, %logistic3A_104 : vector<2000x128xf32>
    %mul3A_111 = arith.mulf %sub3A_110, %tanh3A : vector<2000x128xf32>
    %mul3A_112 = arith.mulf %logistic3A_104, %get3A_68 : vector<2000x128xf32>
    %add3A_113 = arith.addf %mul3A_111, %mul3A_112 : vector<2000x128xf32>
    %swap3A = arith.constant 0 : index
    %swap3A_114 = arith.constant 0 : index
    %swap3A_115 = vector.load %arg11[%swap3A, %swap3A_114] : memref<2000x128xf32, #tpu.memory_space<vmem>>, vector<2000x128xf32>
    tpu.vector_store %arg11[%swap3A, %swap3A_114], %add3A_113 {strides = array<i32>} : memref<2000x128xf32, #tpu.memory_space<vmem>>, vector<2000x128xf32>,
    return
  }
  func.func @transform_0(%arg0: i32) -> (i32, i32, i32) {
    %c0_i32 = arith.constant 0 : i32
    %c0_i32_0 = arith.constant 0 : i32
    %c0_i32_1 = arith.constant 0 : i32
    return %c0_i32, %arg0, %c0_i32_0 : i32, i32, i32
  }
  func.func @transform_1(%arg0: i32) -> (i32, i32, i32) {
    %c0_i32 = arith.constant 0 : i32
    %c0_i32_0 = arith.constant 0 : i32
    %c0_i32_1 = arith.constant 0 : i32
    return %c0_i32, %arg0, %c0_i32_0 : i32, i32, i32
  }
  func.func @transform_2(%arg0: i32) -> (i32, i32) {
    %c0_i32 = arith.constant 0 : i32
    %c0_i32_0 = arith.constant 0 : i32
    return %arg0, %c0_i32 : i32, i32
  }
  func.func @transform_3(%arg0: i32) -> (i32, i32, i32) {
    %c0_i32 = arith.constant 0 : i32
    %c0_i32_0 = arith.constant 0 : i32
    %c0_i32_1 = arith.constant 0 : i32
    %c0_i32_2 = arith.constant 0 : i32
    return %c0_i32, %c0_i32_0, %c0_i32_1 : i32, i32, i32
  }
  func.func @transform_4(%arg0: i32) -> (i32, i32, i32) {
    %c0_i32 = arith.constant 0 : i32
    %c0_i32_0 = arith.constant 0 : i32
    %c0_i32_1 = arith.constant 0 : i32
    %c0_i32_2 = arith.constant 0 : i32
    return %c0_i32, %c0_i32_0, %c0_i32_1 : i32, i32, i32
  }
  func.func @transform_5(%arg0: i32) -> (i32, i32) {
    %c0_i32 = arith.constant 0 : i32
    %c0_i32_0 = arith.constant 0 : i32
    %c0_i32_1 = arith.constant 0 : i32
    return %c0_i32, %c0_i32_0 : i32, i32
  }
  func.func @transform_6(%arg0: i32) -> (i32, i32) {
    %c0_i32 = arith.constant 0 : i32
    %c0_i32_0 = arith.constant 0 : i32
    %c0_i32_1 = arith.constant 0 : i32
    return %c0_i32, %c0_i32_0 : i32, i32
  }
  func.func @transform_7(%arg0: i32) -> (i32, i32) {
    %c0_i32 = arith.constant 0 : i32
    %c0_i32_0 = arith.constant 0 : i32
    %c0_i32_1 = arith.constant 0 : i32
    return %c0_i32, %c0_i32_0 : i32, i32
  }
  func.func @transform_8(%arg0: i32) -> (i32, i32) {
    %c0_i32 = arith.constant 0 : i32
    %c0_i32_0 = arith.constant 0 : i32
    %c0_i32_1 = arith.constant 0 : i32
    return %c0_i32, %c0_i32_0 : i32, i32
  }
  func.func @transform_9(%arg0: i32) -> (i32, i32) {
    %c0_i32 = arith.constant 0 : i32
    %c0_i32_0 = arith.constant 0 : i32
    %c0_i32_1 = arith.constant 0 : i32
    return %c0_i32, %c0_i32_0 : i32, i32
  }
  func.func @transform_10(%arg0: i32) -> (i32, i32) {
    %c0_i32 = arith.constant 0 : i32
    %c0_i32_0 = arith.constant 0 : i32
    return %arg0, %c0_i32 : i32, i32
  }
}

</mosaic_0001>

<sc_bundles>
// kernel: kernel.10.cloned.1.call-start
scs
__scs_entry_jumppad:
0x0: {  	(pc) =	sbr.rel $0x88, $3  }
0x1: {  	(tag) =	ssettag $0x0;
	lr =	simm.s32 $0x1  }
0x2: {  	[smem:$0x3F96] =	sst lr;
	_ =	strace $0xD0000000  }
0x3: {  	_ = 	snop  }
0x4: {  	_ = 	snop  }
0x5: {  	_ = 	snop  }
0x6: {  	_ = 	snop  }
0x7: {  	_ = 	snop  }
__scs_overlays_trampoline_lowered:
0x8: {  	[smem:$0x3FA5] =	sst s0  }
0x9: {  	[smem:$0x3FA6] =	sst s1  }
0xa: {  	[smem:$0x3FA7] =	sst s2  }
0xb: {  	[smem:$0x3FA8] =	sst s3  }
0xc: {  	[smem:$0x3FA9] =	sst s4  }
0xd: {  	[smem:$0x3FAA] =	sst s5  }
0xe: {  	[smem:$0x3FAB] =	sst s6  }
0xf: {  	[smem:$0x3FAC] =	sst s7  }
0x10: {  	[smem:$0x3FAD] =	sst s8  }
0x11: {  	[smem:$0x3FAE] =	sst s9;
	s0 =	simm.s32 @!p0 $0x0  }
0x12: {  	s1 =	sld [smem:$0x3F94];
	s0 =	simm.s32 @p0 $0x1  }
0x13: {  	[smem:$0x3FAF] =	sst s0;
	s0 =	simm.s32 @!p1 $0x0  }
0x14: {  	s2 =	sld [smem:$0x3F93];
	s0 =	simm.s32 @p1 $0x1  }
0x15: {  	[smem:$0x3FB0] =	sst s0;
	s0 =	simm.s32 @!p2 $0x0  }
0x16: {  	s3 =	sld [smem:$0x3FDB];
	s0 =	simm.s32 @p2 $0x1  }
0x17: {  	s4 =	simm.s32 $0x1BF5;
	[smem:$0x3FB2] =	sst s0  }
0x18: {  	s0 =	sld [smem:$0x3F95];
	_ =	swait.ge [sflag:s4], $0x0  }
0x19: {  	s7 =	sld [smem:$0x3F96]  }
0x1a: {  	s8 =	sadd.s32 $0xFFFFE003, lr  }
0x1b: {  	s9 =	sadd.s32 $0xFFFFFEF7, lr;
	s5 =	simm.s32 $0xFFFFFFFF;
	p2 =	slt.u32 s8, $0xFFFFF086  }
0x1c: {  	p1 =	slt.u32 s9, $0xF7A;
	s5 =	simm.s32 @!p2 $0x0  }
0x1d: {  	s5 =	simm.s32 @p1 $0x1;
	p0 =	seq.s32 s7, s2  }
0x1e: {  	s7 =	smul.u32 @!p0 $0xF7A, s2;
	p2 =	seq.s32 @!p0 s5, $0x0  }
0x1f: {  	s9 =	smul.u32 $0xF7A, s1;
	s8 =	simm.s32 @!p0 $0x1BF5;
	p2 =	por !p2, p0  }
0x20: {  	[sflag:s8] =	ssyncset.s32 @!p0 $0xFFFFF086;
	s6 =	sadd.s32 @!p0 s3, s7;
	s7 =	simm.s32 @!p0 $0x108  }
0x21: {  	s3 =	sadd.s32 s3, s9;
	s6 =	sadd.s32 @!p0 $0x88, s6;
	s7 =	simm.s32 @p2 $0x1082  }
0x22: {  	[simem:s7], [sflag:s8] =	dma.local @!p0 [hbm:s6], $0xF7A  }
0x23: {  	s9 =	sor.u32 $0xD0000000, s2;
	s6 =	simm.s32 $0x108;
	_ =	swait.ge @!p0 [sflag:s8], $0x0  }
0x24: {  	s3 =	sadd.s32 $0x88, s3;
	s6 =	simm.s32 @!p1 $0x1082;
	[sflag:s4] =	ssyncset.s32 $0xFFFFF086  }
0x25: {  	[simem:s6], [sflag:s4] =	dma.local [hbm:s3], $0xF7A  }
0x26: {  	[smem:$0x3F96] =	sst s1;
	(tag) =	ssettag s2;
	_ =	strace s9  }
0x27: {  	s1 =	sld [smem:$0x3FA6]  }
0x28: {  	s2 =	sld [smem:$0x3FA7]  }
0x29: {  	s4 =	sld [smem:$0x3FA9]  }
0x2a: {  	p0 =	seq.s32 s5, $0x0;
	s5 =	sld [smem:$0x3FAA]  }
0x2b: {  	s6 =	sld [smem:$0x3FAB]  }
0x2c: {  	s7 =	sld [smem:$0x3FAC]  }
0x2d: {  	s3 =	simm.s32 $0x108;
	s8 =	sld [smem:$0x3FAD]  }
0x2e: {  	s3 =	simm.s32 @!p0 $0x1082;
	s9 =	sld [smem:$0x3FAE]  }
0x2f: {  	lr =	sadd.s32 s0, s3;
	s0 =	sld [smem:$0x3FA5]  }
0x30: {  	s3 =	sld [smem:$0x3FA8]  }
0x31: {  	[smem:$0x3FB1] =	sst s10  }
0x32: {  	s10 =	sld [smem:$0x3FAF];
	_ =	sdelay $0x3  }
0x33: {  	p0 =	seq.s32 s10, $0x1;
	s10 =	sld [smem:$0x3FB1];
	_ =	sdelay $0x3  }
0x34: {  	[smem:$0x3FB1] =	sst s10  }
0x35: {  	s10 =	sld [smem:$0x3FB0];
	_ =	sdelay $0x3  }
0x36: {  	p1 =	seq.s32 s10, $0x1;
	s10 =	sld [smem:$0x3FB1];
	_ =	sdelay $0x3  }
0x37: {  	[smem:$0x3FB1] =	sst s10  }
0x38: {  	s10 =	sld [smem:$0x3FB2]  }
0x39: {  	_ = 	snop;
	(pc) =	sbr.ind lr, $3  }
0x3a: {  	_ = 	snop  }
0x3b: {  	_ = 	snop  }
0x3c: {  	p2 =	seq.s32 s10, $0x1;
	s10 =	sld [smem:$0x3FB1]  }
0x3d: {  	_ =	shalt  }
0x3e: {  	_ =	shalt  }
0x3f: {  	_ =	shalt  }
0x40: {  	_ =	shalt  }
0x41: {  	_ =	shalt  }
0x42: {  	_ =	shalt  }
0x43: {  	_ =	shalt  }
0x44: {  	_ =	shalt  }
0x45: {  	_ =	shalt  }
0x46: {  	_ =	shalt  }
0x47: {  	_ =	shalt  }
0x48: {  	_ =	shalt  }
0x49: {  	_ =	shalt  }
0x4a: {  	_ =	shalt  }
0x4b: {  	_ =	shalt  }
0x4c: {  	_ =	shalt  }
0x4d: {  	_ =	shalt  }
0x4e: {  	_ =	shalt  }
0x4f: {  	_ =	shalt  }
0x50: {  	_ =	shalt  }
0x51: {  	_ =	shalt  }
0x52: {  	_ =	shalt  }
0x53: {  	_ =	shalt  }
0x54: {  	_ =	shalt  }
0x55: {  	_ =	shalt  }
0x56: {  	_ =	shalt  }
0x57: {  	_ =	shalt  }
0x58: {  	_ =	shalt  }
0x59: {  	_ =	shalt  }
0x5a: {  	_ =	shalt  }
0x5b: {  	_ =	shalt  }
0x5c: {  	_ =	shalt  }
0x5d: {  	_ =	shalt  }
0x5e: {  	_ =	shalt  }
0x5f: {  	_ =	shalt  }
0x60: {  	_ =	shalt  }
0x61: {  	_ =	shalt  }
0x62: {  	_ =	shalt  }
0x63: {  	_ =	shalt  }
0x64: {  	_ =	shalt  }
0x65: {  	_ =	shalt  }
0x66: {  	_ =	shalt  }
0x67: {  	_ =	shalt  }
0x68: {  	_ =	shalt  }
0x69: {  	_ =	shalt  }
0x6a: {  	_ =	shalt  }
0x6b: {  	_ =	shalt  }
0x6c: {  	_ =	shalt  }
0x6d: {  	_ =	shalt  }
0x6e: {  	_ =	shalt  }
0x6f: {  	_ =	shalt  }
0x70: {  	_ =	shalt  }
0x71: {  	_ =	shalt  }
0x72: {  	_ =	shalt  }
0x73: {  	_ =	shalt  }
0x74: {  	_ =	shalt  }
0x75: {  	_ =	shalt  }
0x76: {  	_ =	shalt  }
0x77: {  	_ =	shalt  }
0x78: {  	_ =	shalt  }
0x79: {  	_ =	shalt  }
0x7a: {  	_ =	shalt  }
0x7b: {  	_ =	shalt  }
0x7c: {  	_ =	shalt  }
0x7d: {  	_ =	shalt  }
0x7e: {  	_ =	shalt  }
0x7f: {  	_ =	shalt  }
0x80: {  	_ =	shalt  }
0x81: {  	_ =	shalt  }
0x82: {  	_ =	shalt  }
0x83: {  	_ =	shalt  }
0x84: {  	_ =	shalt  }
0x85: {  	_ =	shalt  }
0x86: {  	_ =	shalt  }
0x87: {  	_ =	shalt  }
.Lfunc_end0:
.L_simem_size_0:
called_computation.1_lowered:
.L_overlay_start_0:
0x88: {  	s2 =	sld [smem:$0x3FD9]  }
0x89: {  	s3 =	sld [smem:$0x3FFE];
	_ =	sdelay $0x1  }
0x8a: {  	s1 =	srdreg.scid  }
0x8b: {  	s0 =	sand.u32 $0x1, s1  }
0x8c: {  	s17 =	sshll.u32 s0, $0xA;
	s2 =	sadd.s32 s3, s2  }
0x8d: {  	s2 =	sadd.s32 s2, s17  }
0x8e: {  	[smem:$0x3FBD] =	sst s2  }
0x8f: {  	_ = 	snop  }
0x90: {  	s2 =	sld [smem:$0x3FD0];
	(tm) =	ssettm $0x1  }
0x91: {  	s18 =	sld [smem:$0x3FFB];
	_ =	sdelay $0x3  }
0x92: {  	_ =	strace s18  }
0x93: {  	s3 =	sld [smem:$0x3FFC];
	_ =	sdelay $0x3  }
0x94: {  	_ =	strace s3  }
0x95: {  	s3 =	sld [smem:$0x3FFD];
	_ =	sdelay $0x3  }
0x96: {  	_ =	strace s3  }
0x97: {  	_ =	strace $0x8FFFFFFF  }
0x98: {  	s19 =	sld [smem:$0x3FDB];
	_ =	sdelay $0x1  }
0x99: {  	s4 =	simm.s32 $_scs_section_size  }
0x9a: {  	s5 =	simm.s32 $_size__tile_overlayer_lowered;
	s6 =	simm.s32 $_tile_overlayer_lowered  }
0x9b: {  	s22 =	simm.s32 $0x1BFF;
	s21 =	sshll.u32 s6, $0x1;
	s3 =	sadd.s32 s4, s19  }
0x9c: {  	s7 =	simm.s32 $0x0;
	s20 =	sshll.u32 s5, $0x1;
	s5 =	sadd.s32 s21, s3  }
0x9d: {  	[timem:s7], [sflag:s22] =	dma.local [hbm:s5], s20  }
0x9e: {  	_ =	swait.ge [sflag:s22], s20  }
0x9f: {  	s4 =	ssub.s32 $0x0, s20;
	[sflag:s22] =	ssyncset.done $0x0  }
0xa0: {  	[sflag:s22] =	ssyncadd.s32 s4;
	_ =	sdelay $0x1  }
0xa1: {  	s23 =	simm.s32 $0x1B8B  }
0xa2: {  	_ =	swait.ge [sflag:s23], $0x1  }
0xa3: {  	[sflag:s23] =	ssyncset.done $0x0  }
0xa4: {  	s25 =	simm.s32 $0x1B8E;
	s24 =	sld [smem:$0x3FFE];
	[sflag:s23] =	ssyncadd.s32 $0xFFFFFFFF  }
0xa5: {  	s26 =	simm.s32 $execute0_lowered;
	[smem:$0x3FD2] =	sst s25  }
0xa6: {  	s5 =	sshll.u32 s26, $0x1;
	_ =	strace $0x80000049;
	[dreg:$0x1] =	wrdreg $0xFFFFFFFF  }
0xa7: {  	s28 =	simm.s32 $_size_execute0_lowered;
	s3 =	sadd.s32 s3, s5;
	[dreg:$0x0] =	wrdreg $0x0  }
0xa8: {  	s5 =	sshll.u32 s28, $0x1;
	[dreg:$0x2] =	wrdreg s3  }
0xa9: {  	[dreg:$0x3] =	wrdreg s5  }
0xaa: {  	[dreg:$0x4] =	wrdreg $0xC0  }
0xab: {  	_ =	task [dreg:s7], $0x5FFFF  }
0xac: {  	[dreg:$0x1] =	wrdreg $0xFFFFFFFF  }
0xad: {  	[dreg:$0x0] =	wrdreg $0x60  }
0xae: {  	[dreg:$0x2] =	wrdreg s2  }
0xaf: {  	[dreg:$0x3] =	wrdreg s24  }
0xb0: {  	[dreg:$0x4] =	wrdreg $0x120000  }
0xb1: {  	[dreg:$0x5] =	wrdreg $0x9  }
0xb2: {  	_ =	task.clear_ibuf [dreg:s7], $0x6FFFF;
	_ =	strace $0x90000049  }
0xb3: {  	s29 =	simm.s32 $0x9;
	_ =	strace $0x8000004B  }
0xb4: {  	_ =	swait.ge [sflag:s29], $0x1  }
0xb5: {  	[sflag:s29] =	ssyncadd.s32 $0xFFFFFFFF  }
0xb6: {  	_ =	strace $0x9000004B  }
0xb7: {  	_ =	sfence  }
0xb8: {  	s30 =	sld [smem:$0x0];
	_ =	sdelay $0x2  }
0xb9: {  	s31 =	sshll.u32 s1, $0xD;
	s1 =	sshrl.u32 s1, $0x2  }
0xba: {  	s3 =	sand.u32 $0x4000, s31;
	s1 =	sadd.s32 s1, s30  }
0xbb: {  	s0 =	sor.u32 s3, s0;
	s1 =	sshll.u32 s1, $0x11  }
0xbc: {  	s0 =	sor.u32 s1, s0  }
0xbd: {  	s0 =	sadd.s32 $0x8F2B, s0  }
0xbe: {  	[sflag:s0] =	ssyncadd.remote.s32 $0x1  }
0xbf: {  	_ =	sfence.sel $0xFFFF  }
0xc0: {  	[dreg:$0x0] =	wrdreg $0xFFFFFFFF;
	(pc) =	sbr.abs _section_cstart, $3  }
0xc1: {  	[dreg:$0x1] =	wrdreg $0xFFFFFFFF  }
0xc2: {  	_ =	task.clear_ibuf [dreg:s7], $0x2FFFF;
	_ =	strace $0x9FFFFFFF  }
0xc3: {  	(tm) =	ssettm $0x7FFFFFFF  }
tec
execute0_lowered:
.L_overlay_start_1:
0x0: {  	(tag) =	ssettag $0x1  }
0x1: {  	s1 =	rddreg [dreg:$0x0]  }
0x2: {  	s0 =	rddreg [dreg:$0x1];
	s8 =	stileid.u32  }
0x3: {  	s2 =	srdreg.scid;
	s3 =	rddreg [dreg:$0x2]  }
0x4: {  	s4 =	simm.s32 $0x0;
	s14 =	simm.s32 $0x18A00;
	s16 =	simm.s32 $0xA000  }
0x5: {  	s17 =	simm.s32 $0x80;
	s18 =	simm.s32 $0xC000;
	s20 =	simm.s32 $0xE000  }
0x6: {  	s22 =	simm.s32 $0x10000;
	s23 =	simm.s32 $0x1;
	s28 =	simm.s32 $0x3  }
0x7: {  	s29 =	simm.s32 $0x7;
	s30 =	simm.s32 $0x4;
	s6 =	smul.u32 $0xA000, s8  }
0x8: {  	s31 =	simm.s32 $0x8;
	s19 =	simm.s32 $0x9F80;
	s7 =	smul.u32 $0xA00, s8  }
0x9: {  	s2 =	sand.u32 $0x1, s2;
	[smem:$0x7FF] =	sst s4;
	s8 =	smul.u32 $0x28000, s8  }
0xa: {  	s21 =	simm.s32 $0x0;
	s5 =	smul.u32 $0xA0000, s2;
	_ =	strace $0x8000004A  }
0xb: {  	s24 =	ssub.s32 $0x2, s2;
	p0 =	seq.s32 s2, $0x1;
	s13 =	sadd.s32 s7, s0  }
0xc: {  	s25 =	sshrl.u32 s24, $0x1;
	s8 =	sshrl.u32 s8, $0x2;
	s14 =	simm.s32 @!p0 $0xEA00  }
0xd: {  	s5 =	sadd.s32 s6, s5;
	s12 =	ssub.s32 s24, s25;
	s26 =	sadd.s32 s8, s3  }
0xe: {  	s6 =	sadd.s32 s6, s3;
	s24 =	simm.s32 $0x5;
	s25 =	simm.s32 $0x2  }
0xf: {  	s5 =	sshrl.u32 s5, $0x3;
	s7 =	sadd.s32 $0x2000, s26;
	s8 =	sadd.s32 $0x4000, s26  }
0x10: {  	s9 =	sadd.s32 $0x6000, s26;
	s10 =	sadd.s32 $0x8000, s26;
	s12 =	smax.u32 s12, $0x1  }
0x11: {  	s26 =	simm.s32 $0x6;
	s0 =	sadd.s32 s5, s0;
	s5 =	sadd.s32 $0x4A00, s13  }
0x12: {  	v0 =	vimm.f32 $0.0e+00;
	s13 =	sadd.s32 s14, s13;
	s14 =	simm.s32 $0x9;
	s11 =	sadd.s32 $0x22A00, s0  }
.LBB2_1:
0x13: {  	[tilespmem:s4], [sflag:$0x9] =	stream.linear.gather [hbm4b:s13+s4], $0x5000, $0x38;
	[tilespmem:$0x1C000] =	vst v63  }
0x14: {  	_ =	swait.ge [sflag:s14], $0x5000  }
0x15: {  	[sflag:s14] =	ssyncset.done $0x0  }
0x16: {  	s0 =	simm.s32 $0x5000;
	[sflag:s14] =	ssyncadd.s32 $0xFFFFB000  }
0x17: {  	[tilespmem:s0], [sflag:$0x9] =	stream.linear.gather [hbm4b:s5+s4], $0x5000, $0x38;
	[tilespmem:$0x1C000] =	vst v63  }
0x18: {  	_ =	swait.ge [sflag:s14], $0x5000  }
0x19: {  	[sflag:s14] =	ssyncset.done $0x0  }
0x1a: {  	s2 =	simm.s32 $0x100;
	s0 =	simm.s32 $0x0;
	[sflag:s14] =	ssyncadd.s32 $0xFFFFB000  }
.LBB2_2:
0x1b: {  	p0 =	sne.s32 s2, $0x7F00;
	[tilespmem:s0+$0xA030] =	vst v0;
	s15 =	smov.u32 s2;
	s2 =	sadd.s32 $0x100, s2  }
.Ltmp0:
0x1c: {  	[tilespmem:s0+$0xA020] =	vst v0;
	(pc) =	sbr.rel @p0 .LBB2_2-.Ltmp0, $3  }
0x1d: {  	[tilespmem:s0+$0xA000] =	vst v0  }
0x1e: {  	[tilespmem:s0+$0xA010] =	vst v0;
	_ =	sdelay $0x1  }
0x1f: {  	s0 =	sshra.s32 s15, $0x2  }
0x20: {  	[tilespmem:s0+$0xA030] =	vst v0  }
0x21: {  	[tilespmem:s0+$0xA020] =	vst v0  }
0x22: {  	[tilespmem:s0+$0xA000] =	vst v0  }
0x23: {  	[tilespmem:s0+$0xA010] =	vst v0  }
0x24: {  	[spmem:s6] =	stream.linear.scatter [tilespmem:s16], [sflag:$0x9], $0x2000, $0x38;
	[tilespmem:$0x1C000] =	vst v63  }
0x25: {  	_ =	swait.ge [sflag:s14], $0x2000  }
0x26: {  	[sflag:s14] =	ssyncset.done $0x0  }
0x27: {  	[sflag:s14] =	ssyncadd.s32 $0xFFFFE000  }
0x28: {  	[spmem:s7] =	stream.linear.scatter [tilespmem:s16], [sflag:$0x9], $0x2000, $0x38;
	[tilespmem:$0x1C000] =	vst v63  }
0x29: {  	_ =	swait.ge [sflag:s14], $0x2000  }
0x2a: {  	[sflag:s14] =	ssyncset.done $0x0  }
0x2b: {  	[sflag:s14] =	ssyncadd.s32 $0xFFFFE000  }
0x2c: {  	[spmem:s8] =	stream.linear.scatter [tilespmem:s16], [sflag:$0x9], $0x2000, $0x38;
	[tilespmem:$0x1C000] =	vst v63  }
0x2d: {  	_ =	swait.ge [sflag:s14], $0x2000  }
0x2e: {  	[sflag:s14] =	ssyncset.done $0x0  }
0x2f: {  	[sflag:s14] =	ssyncadd.s32 $0xFFFFE000  }
0x30: {  	[spmem:s9] =	stream.linear.scatter [tilespmem:s16], [sflag:$0x9], $0x2000, $0x38;
	[tilespmem:$0x1C000] =	vst v63  }
0x31: {  	_ =	swait.ge [sflag:s14], $0x2000  }
0x32: {  	[sflag:s14] =	ssyncset.done $0x0  }
0x33: {  	[sflag:s14] =	ssyncadd.s32 $0xFFFFE000  }
0x34: {  	[spmem:s10] =	stream.linear.scatter [tilespmem:s16], [sflag:$0x9], $0x2000, $0x38;
	[tilespmem:$0x1C000] =	vst v63  }
0x35: {  	_ =	swait.ge [sflag:s14], $0x2000  }
0x36: {  	[sflag:s14] =	ssyncset.done $0x0  }
0x37: {  	[sflag:s14] =	ssyncadd.s32 $0xFFFFE000  }
0x38: {  	s2 =	simm.s32 $0x0;
	[bflag:$0x0] =	sbarrier.arrive $0xFFFF  }
0x39: {  	[tilespmem:s16], [sflag:$0x1] =	stream.indirect.gather [hbm4b:s1+s17], $0x40, s2, s17, $0xb8;
	[tilespmem:$0x1C000] =	vst v63  }
0x3a: {  	_ = 	snop  }
0x3b: {  	[tilespmem:s18], [sflag:$0x2] =	stream.indirect.gather [hbm4b:s1+s17], $0x40, s17, s17, $0xb8;
	[tilespmem:$0x1C000] =	vst v63  }
0x3c: {  	s15 =	simm.s32 $0x100  }
0x3d: {  	[tilespmem:s20], [sflag:$0x3] =	stream.indirect.gather [hbm4b:s1+s17], $0x40, s15, s17, $0xb8;
	[tilespmem:$0x1C000] =	vst v63  }
0x3e: {  	s2 =	simm.s32 $0x180  }
0x3f: {  	[tilespmem:s22], [sflag:$0x4] =	stream.indirect.gather [hbm4b:s1+s17], $0x40, s2, s17, $0xb8;
	[tilespmem:$0x1C000] =	vst v63  }
0x40: {  	_ =	swait.ge [sflag:s23], $0x2000  }
0x41: {  	[sflag:s23] =	ssyncset.done $0x0  }
0x42: {  	s15 =	simm.s32 $0x5000;
	[sflag:s23] =	ssyncadd.s32 $0xFFFFE000  }
0x43: {  	[spmem:s3] =	stream.indirect.scatter.add.f32 [tilespmem:s16], [sflag:$0x5], $0x40, s15, s17, $0xb8;
	[tilespmem:$0x1C000] =	vst v63  }
0x44: {  	_ =	swait.ge [sflag:s24], $0x2000  }
0x45: {  	[sflag:s24] =	ssyncset.done $0x0  }
0x46: {  	s2 =	simm.s32 $0x200;
	[sflag:s24] =	ssyncadd.s32 $0xFFFFE000  }
0x47: {  	[tilespmem:s16], [sflag:$0x1] =	stream.indirect.gather [hbm4b:s1+s17], $0x40, s2, s17, $0xb8;
	[tilespmem:$0x1C000] =	vst v63  }
0x48: {  	_ =	swait.ge [sflag:s25], $0x2000  }
0x49: {  	[sflag:s25] =	ssyncset.done $0x0  }
0x4a: {  	s15 =	simm.s32 $0x5080;
	[sflag:s25] =	ssyncadd.s32 $0xFFFFE000  }
0x4b: {  	[spmem:s3] =	stream.indirect.scatter.add.f32 [tilespmem:s18], [sflag:$0x6], $0x40, s15, s17, $0xb8;
	[tilespmem:$0x1C000] =	vst v63  }
0x4c: {  	_ =	swait.ge [sflag:s26], $0x2000  }
0x4d: {  	[sflag:s26] =	ssyncset.done $0x0  }
0x4e: {  	s2 =	simm.s32 $0x280;
	[sflag:s26] =	ssyncadd.s32 $0xFFFFE000  }
0x4f: {  	[tilespmem:s18], [sflag:$0x2] =	stream.indirect.gather [hbm4b:s1+s17], $0x40, s2, s17, $0xb8;
	[tilespmem:$0x1C000] =	vst v63  }
0x50: {  	_ =	swait.ge [sflag:s28], $0x2000  }
0x51: {  	[sflag:s28] =	ssyncset.done $0x0  }
0x52: {  	s15 =	simm.s32 $0x5100;
	[sflag:s28] =	ssyncadd.s32 $0xFFFFE000  }
0x53: {  	[spmem:s3] =	stream.indirect.scatter.add.f32 [tilespmem:s20], [sflag:$0x7], $0x40, s15, s17, $0xb8;
	[tilespmem:$0x1C000] =	vst v63  }
0x54: {  	_ =	swait.ge [sflag:s29], $0x2000  }
0x55: {  	[sflag:s29] =	ssyncset.done $0x0  }
0x56: {  	s2 =	simm.s32 $0x300;
	[sflag:s29] =	ssyncadd.s32 $0xFFFFE000  }
0x57: {  	[tilespmem:s20], [sflag:$0x3] =	stream.indirect.gather [hbm4b:s1+s17], $0x40, s2, s17, $0xb8;
	[tilespmem:$0x1C000] =	vst v63  }
0x58: {  	_ =	swait.ge [sflag:s30], $0x2000  }
0x59: {  	[sflag:s30] =	ssyncset.done $0x0  }
0x5a: {  	s15 =	simm.s32 $0x5180;
	[sflag:s30] =	ssyncadd.s32 $0xFFFFE000  }
0x5b: {  	[spmem:s3] =	stream.indirect.scatter.add.f32 [tilespmem:s22], [sflag:$0x8], $0x40, s15, s17, $0xb8;
	[tilespmem:$0x1C000] =	vst v63  }
0x5c: {  	_ =	swait.ge [sflag:s31], $0x2000  }
0x5d: {  	[sflag:s31] =	ssyncset.done $0x0  }
0x5e: {  	s0 =	simm.s32 $0x380;
	s2 =	simm.s32 $0x800;
	[sflag:s31] =	ssyncadd.s32 $0xFFFFE000  }
.LBB2_4:
0x5f: {  	[tilespmem:s22], [sflag:$0x4] =	stream.indirect.gather [hbm4b:s1+s17], $0x40, s0, s17, $0xb8;
	[tilespmem:$0x1C000] =	vst v63  }
0x60: {  	s0 =	smov.u32 s2  }
0x61: {  	p0 =	sne.s32 s2, $0x13000;
	s2 =	sadd.s32 $0x800, s2;
	_ =	swait.ge [sflag:s23], $0x2000  }
0x62: {  	s0 =	sshra.s32 s0, $0x2;
	[sflag:s23] =	ssyncset.done $0x0  }
0x63: {  	s15 =	sadd.s32 $0x5000, s0;
	[sflag:s23] =	ssyncadd.s32 $0xFFFFE000  }
0x64: {  	[spmem:s3] =	stream.indirect.scatter.add.f32 [tilespmem:s16], [sflag:$0x5], $0x40, s15, s17, $0xb8;
	[tilespmem:$0x1C000] =	vst v63  }
0x65: {  	_ =	swait.ge [sflag:s24], $0x2000  }
0x66: {  	[sflag:s24] =	ssyncset.done $0x0  }
0x67: {  	s15 =	sadd.s32 $0x200, s0;
	[sflag:s24] =	ssyncadd.s32 $0xFFFFE000  }
0x68: {  	[tilespmem:s16], [sflag:$0x1] =	stream.indirect.gather [hbm4b:s1+s17], $0x40, s15, s17, $0xb8;
	[tilespmem:$0x1C000] =	vst v63  }
0x69: {  	_ =	swait.ge [sflag:s25], $0x2000  }
0x6a: {  	[sflag:s25] =	ssyncset.done $0x0  }
0x6b: {  	s15 =	sadd.s32 $0x5080, s0;
	[sflag:s25] =	ssyncadd.s32 $0xFFFFE000  }
0x6c: {  	[spmem:s3] =	stream.indirect.scatter.add.f32 [tilespmem:s18], [sflag:$0x6], $0x40, s15, s17, $0xb8;
	[tilespmem:$0x1C000] =	vst v63  }
0x6d: {  	_ =	swait.ge [sflag:s26], $0x2000  }
0x6e: {  	[sflag:s26] =	ssyncset.done $0x0  }
0x6f: {  	s15 =	sadd.s32 $0x280, s0;
	[sflag:s26] =	ssyncadd.s32 $0xFFFFE000  }
0x70: {  	[tilespmem:s18], [sflag:$0x2] =	stream.indirect.gather [hbm4b:s1+s17], $0x40, s15, s17, $0xb8;
	[tilespmem:$0x1C000] =	vst v63  }
0x71: {  	_ =	swait.ge [sflag:s28], $0x2000  }
0x72: {  	[sflag:s28] =	ssyncset.done $0x0  }
0x73: {  	s15 =	sadd.s32 $0x5100, s0;
	[sflag:s28] =	ssyncadd.s32 $0xFFFFE000  }
0x74: {  	[spmem:s3] =	stream.indirect.scatter.add.f32 [tilespmem:s20], [sflag:$0x7], $0x40, s15, s17, $0xb8;
	[tilespmem:$0x1C000] =	vst v63  }
0x75: {  	_ =	swait.ge [sflag:s29], $0x2000  }
0x76: {  	[sflag:s29] =	ssyncset.done $0x0  }
0x77: {  	s15 =	sadd.s32 $0x300, s0;
	[sflag:s29] =	ssyncadd.s32 $0xFFFFE000  }
0x78: {  	[tilespmem:s20], [sflag:$0x3] =	stream.indirect.gather [hbm4b:s1+s17], $0x40, s15, s17, $0xb8;
	[tilespmem:$0x1C000] =	vst v63  }
0x79: {  	_ =	swait.ge [sflag:s30], $0x2000  }
0x7a: {  	[sflag:s30] =	ssyncset.done $0x0  }
.Ltmp1:
0x7b: {  	s15 =	sadd.s32 $0x5180, s0;
	[sflag:s30] =	ssyncadd.s32 $0xFFFFE000;
	(pc) =	sbr.rel @p0 .LBB2_4-.Ltmp1, $4  }
0x7c: {  	[spmem:s3] =	stream.indirect.scatter.add.f32 [tilespmem:s22], [sflag:$0x8], $0x40, s15, s17, $0xb8;
	[tilespmem:$0x1C000] =	vst v63  }
0x7d: {  	_ =	swait.ge [sflag:s31], $0x2000  }
0x7e: {  	[sflag:s31] =	ssyncset.done $0x0  }
0x7f: {  	s0 =	sadd.s32 $0x380, s0;
	[sflag:s31] =	ssyncadd.s32 $0xFFFFE000  }
0x80: {  	[tilespmem:s22], [sflag:$0x4] =	stream.indirect.gather [hbm4b:s1+s17], $0x40, s0, s17, $0xb8;
	[tilespmem:$0x1C000] =	vst v63  }
0x81: {  	_ =	swait.ge [sflag:s23], $0x2000  }
0x82: {  	[sflag:s23] =	ssyncset.done $0x0  }
0x83: {  	s2 =	simm.s32 $0x9E00;
	[sflag:s23] =	ssyncadd.s32 $0xFFFFE000  }
0x84: {  	[spmem:s3] =	stream.indirect.scatter.add.f32 [tilespmem:s16], [sflag:$0x5], $0x40, s2, s17, $0xb8;
	[tilespmem:$0x1C000] =	vst v63  }
0x85: {  	_ =	swait.ge [sflag:s25], $0x2000  }
0x86: {  	[sflag:s25] =	ssyncset.done $0x0  }
0x87: {  	s15 =	simm.s32 $0x9E80;
	[sflag:s25] =	ssyncadd.s32 $0xFFFFE000  }
0x88: {  	[spmem:s3] =	stream.indirect.scatter.add.f32 [tilespmem:s18], [sflag:$0x6], $0x40, s15, s17, $0xb8;
	[tilespmem:$0x1C000] =	vst v63  }
0x89: {  	_ =	swait.ge [sflag:s28], $0x2000  }
0x8a: {  	[sflag:s28] =	ssyncset.done $0x0  }
0x8b: {  	s2 =	simm.s32 $0x9F00;
	[sflag:s28] =	ssyncadd.s32 $0xFFFFE000  }
0x8c: {  	[spmem:s3] =	stream.indirect.scatter.add.f32 [tilespmem:s20], [sflag:$0x7], $0x40, s2, s17, $0xb8;
	[tilespmem:$0x1C000] =	vst v63  }
0x8d: {  	_ =	swait.ge [sflag:s30], $0x2000  }
0x8e: {  	[sflag:s30] =	ssyncset.done $0x0  }
0x8f: {  	[sflag:s30] =	ssyncadd.s32 $0xFFFFE000  }
0x90: {  	[spmem:s3] =	stream.indirect.scatter.add.f32 [tilespmem:s22], [sflag:$0x8], $0x40, s19, s17, $0xb8;
	[tilespmem:$0x1C000] =	vst v63  }
0x91: {  	_ =	swait.ge [sflag:s24], $0x2000  }
0x92: {  	[sflag:s24] =	ssyncset.done $0x0  }
0x93: {  	[sflag:s24] =	ssyncadd.s32 $0xFFFFE000  }
0x94: {  	_ =	swait.ge [sflag:s26], $0x2000  }
0x95: {  	[sflag:s26] =	ssyncset.done $0x0  }
0x96: {  	[sflag:s26] =	ssyncadd.s32 $0xFFFFE000  }
0x97: {  	_ =	swait.ge [sflag:s29], $0x2000  }
0x98: {  	[sflag:s29] =	ssyncset.done $0x0  }
0x99: {  	[sflag:s29] =	ssyncadd.s32 $0xFFFFE000  }
0x9a: {  	s15 =	stileid.u32;
	_ =	swait.ge [sflag:s31], $0x2000  }
0x9b: {  	s21 =	sadd.s32 $0x1, s21;
	s0 =	sshll.u32 s15, $0x6;
	[sflag:s31] =	ssyncset.done $0x0  }
0x9c: {  	p0 =	sne.s32 s21, s12;
	s0 =	sor.u32 $0x1C09, s0;
	[sflag:s31] =	ssyncadd.s32 $0xFFFFE000  }
.Ltmp2:
0x9d: {  	s2 =	sshrl.u32 s6, $0x3;
	[bflag:$0x0] =	sbarrier.arrive $0xFFFF;
	(pc) =	sbr.rel @p0 .LBB2_1-.Ltmp2, $4  }
0x9e: {  	[hbm:s11], [sflag:s0] =	dma.local [spmem:s2], $0x1400  }
0x9f: {  	_ =	swait.ge [sflag:s14], $0x1400  }
0xa0: {  	[sflag:s14] =	ssyncset.done $0x0  }
0xa1: {  	[sflag:s14] =	ssyncadd.s32 $0xFFFFEC00  }
0xa2: {  	_ =	sfence.sel $0x180000  }
0xa3: {  	[bflag:$0x0] =	sbarrier.arrive $0xFFFF  }
0xa4: {  	_ =	strace $0x9000004A  }
0xa5: {  	s0 =	stileid.u32;
	[bflag:$0x2] =	sbarrier.arrive $0xFFFF  }
0xa6: {  	p0 =	sne.s32 s0, $0x0;
	s0 =	rddreg [dreg:$0x3]  }
0xa7: {  	s0 =	sadd.s32 @!p0 $0x100000, s0  }
0xa8: {  	[sflag:s0] =	ssyncadd.tile.s32 @!p0 $0x1;
	_ =	shalt  }
.Lfunc_end2:
_tile_overlayer_lowered:
.L_overlay_start_2:
0xa9: {  	(tag) =	ssettag $0x2  }
0xaa: {  	s0 =	rddreg [dreg:$0x0];
	s2 =	stileid.u32  }
0xab: {  	s1 =	rddreg [dreg:$0x1];
	p0 =	sne.s32 s2, $0x0  }
0xac: {  	s3 =	rddreg [dreg:$0x2];
	[bflag:$0x3] =	sbarrier.arrive $0xFFFF;
	s2 =	simm.s32 @!p0 $0x1C09  }
0xad: {  	[timem:s3], [sflag:s2] =	dma.local @!p0 [hbm:s0], s1  }
0xae: {  	s0 =	simm.s32 @!p0 $0x9  }
0xaf: {  	_ =	swait.ge @!p0 [sflag:s0], s1  }
0xb0: {  	s1 =	ssub.s32 @!p0 $0x0, s1;
	[sflag:s0] =	ssyncset.done @!p0 $0x0  }
0xb1: {  	[sflag:s0] =	ssyncadd.s32 @!p0 s1  }
0xb2: {  	[bflag:$0x3] =	sbarrier.arrive $0xFFFF  }
0xb3: {  	_ =	shalt  }

// kernel: kernel.7.cloned.1.call-start
scs
__scs_entry_jumppad:
0x0: {  	(pc) =	sbr.rel $0x88, $3  }
0x1: {  	(tag) =	ssettag $0x0;
	lr =	simm.s32 $0x1  }
0x2: {  	[smem:$0x3F96] =	sst lr;
	_ =	strace $0xD0000000  }
0x3: {  	_ = 	snop  }
0x4: {  	_ = 	snop  }
0x5: {  	_ = 	snop  }
0x6: {  	_ = 	snop  }
0x7: {  	_ = 	snop  }
__scs_overlays_trampoline_lowered:
0x8: {  	[smem:$0x3FA5] =	sst s0  }
0x9: {  	[smem:$0x3FA6] =	sst s1  }
0xa: {  	[smem:$0x3FA7] =	sst s2  }
0xb: {  	[smem:$0x3FA8] =	sst s3  }
0xc: {  	[smem:$0x3FA9] =	sst s4  }
0xd: {  	[smem:$0x3FAA] =	sst s5  }
0xe: {  	[smem:$0x3FAB] =	sst s6  }
0xf: {  	[smem:$0x3FAC] =	sst s7  }
0x10: {  	[smem:$0x3FAD] =	sst s8  }
0x11: {  	[smem:$0x3FAE] =	sst s9;
	s0 =	simm.s32 @!p0 $0x0  }
0x12: {  	s1 =	sld [smem:$0x3F94];
	s0 =	simm.s32 @p0 $0x1  }
0x13: {  	[smem:$0x3FAF] =	sst s0;
	s0 =	simm.s32 @!p1 $0x0  }
0x14: {  	s2 =	sld [smem:$0x3F93];
	s0 =	simm.s32 @p1 $0x1  }
0x15: {  	[smem:$0x3FB0] =	sst s0;
	s0 =	simm.s32 @!p2 $0x0  }
0x16: {  	s3 =	sld [smem:$0x3FDB];
	s0 =	simm.s32 @p2 $0x1  }
0x17: {  	s4 =	simm.s32 $0x1BF5;
	[smem:$0x3FB2] =	sst s0  }
0x18: {  	s0 =	sld [smem:$0x3F95];
	_ =	swait.ge [sflag:s4], $0x0  }
0x19: {  	s7 =	sld [smem:$0x3F96]  }
0x1a: {  	s8 =	sadd.s32 $0xFFFFE003, lr  }
0x1b: {  	s9 =	sadd.s32 $0xFFFFFEF7, lr;
	s5 =	simm.s32 $0xFFFFFFFF;
	p2 =	slt.u32 s8, $0xFFFFF086  }
0x1c: {  	p1 =	slt.u32 s9, $0xF7A;
	s5 =	simm.s32 @!p2 $0x0  }
0x1d: {  	s5 =	simm.s32 @p1 $0x1;
	p0 =	seq.s32 s7, s2  }
0x1e: {  	s7 =	smul.u32 @!p0 $0xF7A, s2;
	p2 =	seq.s32 @!p0 s5, $0x0  }
0x1f: {  	s9 =	smul.u32 $0xF7A, s1;
	s8 =	simm.s32 @!p0 $0x1BF5;
	p2 =	por !p2, p0  }
0x20: {  	[sflag:s8] =	ssyncset.s32 @!p0 $0xFFFFF086;
	s6 =	sadd.s32 @!p0 s3, s7;
	s7 =	simm.s32 @!p0 $0x108  }
0x21: {  	s3 =	sadd.s32 s3, s9;
	s6 =	sadd.s32 @!p0 $0x88, s6;
	s7 =	simm.s32 @p2 $0x1082  }
0x22: {  	[simem:s7], [sflag:s8] =	dma.local @!p0 [hbm:s6], $0xF7A  }
0x23: {  	s9 =	sor.u32 $0xD0000000, s2;
	s6 =	simm.s32 $0x108;
	_ =	swait.ge @!p0 [sflag:s8], $0x0  }
0x24: {  	s3 =	sadd.s32 $0x88, s3;
	s6 =	simm.s32 @!p1 $0x1082;
	[sflag:s4] =	ssyncset.s32 $0xFFFFF086  }
0x25: {  	[simem:s6], [sflag:s4] =	dma.local [hbm:s3], $0xF7A  }
0x26: {  	[smem:$0x3F96] =	sst s1;
	(tag) =	ssettag s2;
	_ =	strace s9  }
0x27: {  	s1 =	sld [smem:$0x3FA6]  }
0x28: {  	s2 =	sld [smem:$0x3FA7]  }
0x29: {  	s4 =	sld [smem:$0x3FA9]  }
0x2a: {  	p0 =	seq.s32 s5, $0x0;
	s5 =	sld [smem:$0x3FAA]  }
0x2b: {  	s6 =	sld [smem:$0x3FAB]  }
0x2c: {  	s7 =	sld [smem:$0x3FAC]  }
0x2d: {  	s3 =	simm.s32 $0x108;
	s8 =	sld [smem:$0x3FAD]  }
0x2e: {  	s3 =	simm.s32 @!p0 $0x1082;
	s9 =	sld [smem:$0x3FAE]  }
0x2f: {  	lr =	sadd.s32 s0, s3;
	s0 =	sld [smem:$0x3FA5]  }
0x30: {  	s3 =	sld [smem:$0x3FA8]  }
0x31: {  	[smem:$0x3FB1] =	sst s10  }
0x32: {  	s10 =	sld [smem:$0x3FAF];
	_ =	sdelay $0x3  }
0x33: {  	p0 =	seq.s32 s10, $0x1;
	s10 =	sld [smem:$0x3FB1];
	_ =	sdelay $0x3  }
0x34: {  	[smem:$0x3FB1] =	sst s10  }
0x35: {  	s10 =	sld [smem:$0x3FB0];
	_ =	sdelay $0x3  }
0x36: {  	p1 =	seq.s32 s10, $0x1;
	s10 =	sld [smem:$0x3FB1];
	_ =	sdelay $0x3  }
0x37: {  	[smem:$0x3FB1] =	sst s10  }
0x38: {  	s10 =	sld [smem:$0x3FB2]  }
0x39: {  	_ = 	snop;
	(pc) =	sbr.ind lr, $3  }
0x3a: {  	_ = 	snop  }
0x3b: {  	_ = 	snop  }
0x3c: {  	p2 =	seq.s32 s10, $0x1;
	s10 =	sld [smem:$0x3FB1]  }
0x3d: {  	_ =	shalt  }
0x3e: {  	_ =	shalt  }
0x3f: {  	_ =	shalt  }
0x40: {  	_ =	shalt  }
0x41: {  	_ =	shalt  }
0x42: {  	_ =	shalt  }
0x43: {  	_ =	shalt  }
0x44: {  	_ =	shalt  }
0x45: {  	_ =	shalt  }
0x46: {  	_ =	shalt  }
0x47: {  	_ =	shalt  }
0x48: {  	_ =	shalt  }
0x49: {  	_ =	shalt  }
0x4a: {  	_ =	shalt  }
0x4b: {  	_ =	shalt  }
0x4c: {  	_ =	shalt  }
0x4d: {  	_ =	shalt  }
0x4e: {  	_ =	shalt  }
0x4f: {  	_ =	shalt  }
0x50: {  	_ =	shalt  }
0x51: {  	_ =	shalt  }
0x52: {  	_ =	shalt  }
0x53: {  	_ =	shalt  }
0x54: {  	_ =	shalt  }
0x55: {  	_ =	shalt  }
0x56: {  	_ =	shalt  }
0x57: {  	_ =	shalt  }
0x58: {  	_ =	shalt  }
0x59: {  	_ =	shalt  }
0x5a: {  	_ =	shalt  }
0x5b: {  	_ =	shalt  }
0x5c: {  	_ =	shalt  }
0x5d: {  	_ =	shalt  }
0x5e: {  	_ =	shalt  }
0x5f: {  	_ =	shalt  }
0x60: {  	_ =	shalt  }
0x61: {  	_ =	shalt  }
0x62: {  	_ =	shalt  }
0x63: {  	_ =	shalt  }
0x64: {  	_ =	shalt  }
0x65: {  	_ =	shalt  }
0x66: {  	_ =	shalt  }
0x67: {  	_ =	shalt  }
0x68: {  	_ =	shalt  }
0x69: {  	_ =	shalt  }
0x6a: {  	_ =	shalt  }
0x6b: {  	_ =	shalt  }
0x6c: {  	_ =	shalt  }
0x6d: {  	_ =	shalt  }
0x6e: {  	_ =	shalt  }
0x6f: {  	_ =	shalt  }
0x70: {  	_ =	shalt  }
0x71: {  	_ =	shalt  }
0x72: {  	_ =	shalt  }
0x73: {  	_ =	shalt  }
0x74: {  	_ =	shalt  }
0x75: {  	_ =	shalt  }
0x76: {  	_ =	shalt  }
0x77: {  	_ =	shalt  }
0x78: {  	_ =	shalt  }
0x79: {  	_ =	shalt  }
0x7a: {  	_ =	shalt  }
0x7b: {  	_ =	shalt  }
0x7c: {  	_ =	shalt  }
0x7d: {  	_ =	shalt  }
0x7e: {  	_ =	shalt  }
0x7f: {  	_ =	shalt  }
0x80: {  	_ =	shalt  }
0x81: {  	_ =	shalt  }
0x82: {  	_ =	shalt  }
0x83: {  	_ =	shalt  }
0x84: {  	_ =	shalt  }
0x85: {  	_ =	shalt  }
0x86: {  	_ =	shalt  }
0x87: {  	_ =	shalt  }
.Lfunc_end0:
.L_simem_size_0:
called_computation_lowered:
.L_overlay_start_0:
0x88: {  	s2 =	sld [smem:$0x3FD9]  }
0x89: {  	s3 =	sld [smem:$0x3FFE];
	_ =	sdelay $0x1  }
0x8a: {  	s1 =	srdreg.scid  }
0x8b: {  	s0 =	sand.u32 $0x1, s1  }
0x8c: {  	s17 =	sshll.u32 s0, $0xA;
	s2 =	sadd.s32 s3, s2  }
0x8d: {  	s2 =	sadd.s32 s2, s17  }
0x8e: {  	[smem:$0x3FBD] =	sst s2  }
0x8f: {  	_ = 	snop  }
0x90: {  	s2 =	sld [smem:$0x3FD0];
	(tm) =	ssettm $0x1  }
0x91: {  	s18 =	sld [smem:$0x3FFB];
	_ =	sdelay $0x3  }
0x92: {  	_ =	strace s18  }
0x93: {  	s3 =	sld [smem:$0x3FFC];
	_ =	sdelay $0x3  }
0x94: {  	_ =	strace s3  }
0x95: {  	s3 =	sld [smem:$0x3FFD];
	_ =	sdelay $0x3  }
0x96: {  	_ =	strace s3  }
0x97: {  	_ =	strace $0x8FFFFFFF  }
0x98: {  	s19 =	sld [smem:$0x3FDB];
	_ =	sdelay $0x1  }
0x99: {  	s4 =	simm.s32 $_scs_section_size  }
0x9a: {  	s5 =	simm.s32 $_size__tile_overlayer_lowered;
	s6 =	simm.s32 $_tile_overlayer_lowered  }
0x9b: {  	s22 =	simm.s32 $0x1BFF;
	s21 =	sshll.u32 s6, $0x1;
	s3 =	sadd.s32 s4, s19  }
0x9c: {  	s7 =	simm.s32 $0x0;
	s20 =	sshll.u32 s5, $0x1;
	s5 =	sadd.s32 s21, s3  }
0x9d: {  	[timem:s7], [sflag:s22] =	dma.local [hbm:s5], s20  }
0x9e: {  	_ =	swait.ge [sflag:s22], s20  }
0x9f: {  	s4 =	ssub.s32 $0x0, s20;
	[sflag:s22] =	ssyncset.done $0x0  }
0xa0: {  	[sflag:s22] =	ssyncadd.s32 s4;
	_ =	sdelay $0x1  }
0xa1: {  	s23 =	simm.s32 $0x1B8B  }
0xa2: {  	_ =	swait.ge [sflag:s23], $0x1  }
0xa3: {  	[sflag:s23] =	ssyncset.done $0x0  }
0xa4: {  	s25 =	simm.s32 $0x1B8E;
	s24 =	sld [smem:$0x3FFE];
	[sflag:s23] =	ssyncadd.s32 $0xFFFFFFFF  }
0xa5: {  	s26 =	simm.s32 $execute0_lowered;
	[smem:$0x3FD2] =	sst s25  }
0xa6: {  	s5 =	sshll.u32 s26, $0x1;
	_ =	strace $0x80000046;
	[dreg:$0x1] =	wrdreg $0xFFFFFFFF  }
0xa7: {  	s28 =	simm.s32 $_size_execute0_lowered;
	s3 =	sadd.s32 s3, s5;
	[dreg:$0x0] =	wrdreg $0x0  }
0xa8: {  	s5 =	sshll.u32 s28, $0x1;
	[dreg:$0x2] =	wrdreg s3  }
0xa9: {  	[dreg:$0x3] =	wrdreg s5  }
0xaa: {  	[dreg:$0x4] =	wrdreg $0xC0  }
0xab: {  	_ =	task [dreg:s7], $0x5FFFF  }
0xac: {  	[dreg:$0x1] =	wrdreg $0xFFFFFFFF  }
0xad: {  	[dreg:$0x0] =	wrdreg $0x60  }
0xae: {  	[dreg:$0x2] =	wrdreg s2  }
0xaf: {  	[dreg:$0x3] =	wrdreg s24  }
0xb0: {  	[dreg:$0x4] =	wrdreg $0x130000  }
0xb1: {  	[dreg:$0x5] =	wrdreg $0x1D0000  }
0xb2: {  	[dreg:$0x6] =	wrdreg $0x9  }
0xb3: {  	_ =	task.clear_ibuf [dreg:s7], $0x7FFFF;
	_ =	strace $0x90000046  }
0xb4: {  	s29 =	simm.s32 $0x9;
	_ =	strace $0x80000048  }
0xb5: {  	_ =	swait.ge [sflag:s29], $0x1  }
0xb6: {  	[sflag:s29] =	ssyncadd.s32 $0xFFFFFFFF  }
0xb7: {  	_ =	strace $0x90000048  }
0xb8: {  	_ =	sfence  }
0xb9: {  	s30 =	sld [smem:$0x0];
	_ =	sdelay $0x2  }
0xba: {  	s31 =	sshll.u32 s1, $0xD;
	s1 =	sshrl.u32 s1, $0x2  }
0xbb: {  	s3 =	sand.u32 $0x4000, s31;
	s1 =	sadd.s32 s1, s30  }
0xbc: {  	s0 =	sor.u32 s3, s0;
	s1 =	sshll.u32 s1, $0x11  }
0xbd: {  	s0 =	sor.u32 s1, s0  }
0xbe: {  	s0 =	sadd.s32 $0x8F2B, s0  }
0xbf: {  	[sflag:s0] =	ssyncadd.remote.s32 $0x1  }
0xc0: {  	_ =	sfence.sel $0xFFFF  }
0xc1: {  	[dreg:$0x0] =	wrdreg $0xFFFFFFFF;
	(pc) =	sbr.abs _section_cstart, $3  }
0xc2: {  	[dreg:$0x1] =	wrdreg $0xFFFFFFFF  }
0xc3: {  	_ =	task.clear_ibuf [dreg:s7], $0x2FFFF;
	_ =	strace $0x9FFFFFFF  }
0xc4: {  	(tm) =	ssettm $0x7FFFFFFF  }
0xc5: {  	_ =	shalt  }
tec
execute0_lowered:
.L_overlay_start_1:
0x0: {  	(tag) =	ssettag $0x1  }
0x1: {  	s1 =	rddreg [dreg:$0x0]  }
0x2: {  	s0 =	rddreg [dreg:$0x1]  }
0x3: {  	s12 =	stileid.u32;
	s4 =	srdreg.scid  }
0x4: {  	s3 =	rddreg [dreg:$0x2];
	s2 =	smul.u32 $0xA00, s12  }
0x5: {  	s5 =	rddreg [dreg:$0x3];
	s6 =	smul.u32 $0xA000, s12  }
0x6: {  	s8 =	simm.s32 $0x0;
	s28 =	simm.s32 $0xC000;
	s9 =	smul.u32 $0x2800, s12  }
0x7: {  	s30 =	simm.s32 $0xE000;
	s4 =	sand.u32 $0x1, s4;
	s12 =	smul.u32 $0x280, s12  }
0x8: {  	s29 =	simm.s32 $0x6;
	s31 =	simm.s32 $0x3;
	s7 =	smul.u32 $0xA0000, s4  }
0x9: {  	s13 =	simm.s32 $0x0;
	[smem:$0x7FF] =	sst s8;
	s14 =	smul.u32 $0x28000, s4  }
0xa: {  	_ =	strace $0x80000047;
	s10 =	ssub.s32 $0x2, s4;
	p0 =	seq.s32 s4, $0x0  }
0xb: {  	s2 =	sadd.s32 s2, s0;
	s11 =	sshrl.u32 s10, $0x1;
	s16 =	sadd.s32 $0x80, s12  }
0xc: {  	s19 =	sadd.s32 $0x100, s12;
	s22 =	sadd.s32 $0x180, s12;
	s12 =	sadd.s32 $0x200, s12  }
0xd: {  	s7 =	sadd.s32 s6, s7;
	s8 =	sadd.s32 s9, s14;
	s10 =	ssub.s32 s10, s11  }
0xe: {  	s15 =	sadd.s32 $0x4A00, s2;
	s9 =	sadd.s32 s9, s5;
	s17 =	sshll.u32 s16, $0x6  }
0xf: {  	s18 =	sshll.u32 s16, $0x4;
	s20 =	sshll.u32 s19, $0x6;
	s11 =	sshll.u32 s19, $0x4  }
0x10: {  	s23 =	sshll.u32 s22, $0x6;
	s24 =	sshll.u32 s12, $0x6;
	s25 =	sshll.u32 s12, $0x4  }
0x11: {  	s12 =	simm.s32 $0x8;
	s7 =	sshrl.u32 s7, $0x3;
	s8 =	sshrl.u32 s8, $0x3  }
0x12: {  	[dreg:$0x5] =	wrdreg s15;
	s21 =	sadd.s32 s11, s5;
	s11 =	sadd.s32 s23, s3  }
0x13: {  	s7 =	sadd.s32 s7, s0;
	s0 =	sadd.s32 s8, s0;
	[dreg:$0x9] =	wrdreg s21  }
0x14: {  	s8 =	sadd.s32 s6, s3;
	s6 =	sadd.s32 s17, s3;
	[dreg:$0xa] =	wrdreg s11  }
0x15: {  	s23 =	simm.s32 $0x2;
	s11 =	simm.s32 $0xEA00;
	[dreg:$0x6] =	wrdreg s6  }
0x16: {  	s6 =	sadd.s32 s18, s5;
	s26 =	sadd.s32 $0x2CA00, s7;
	s11 =	simm.s32 @!p0 $0x18A00  }
0x17: {  	s0 =	sadd.s32 $0x22A00, s0;
	p0 =	sne.s32 s4, $0x0;
	[dreg:$0x7] =	wrdreg s6  }
0x18: {  	s7 =	simm.s32 $0x7;
	s6 =	sadd.s32 s20, s3;
	[dreg:$0xe] =	wrdreg s26  }
0x19: {  	[dreg:$0xf] =	wrdreg s0;
	s20 =	smax.u32 s10, $0x1;
	s21 =	sadd.s32 s11, s2  }
0x1a: {  	s26 =	simm.s32 $0x80;
	s2 =	simm.s32 $0x10000;
	s0 =	simm.s32 $0x1  }
.Ltmp0:
0x1b: {  	[dreg:$0x8] =	wrdreg s6;
	s6 =	sshll.u32 s22, $0x4;
	(pc) =	sbr.rel .LBB2_1-.Ltmp0, $4  }
0x1c: {  	s10 =	simm.s32 $0x4;
	s11 =	simm.s32 $0x5;
	s6 =	sadd.s32 s6, s5  }
0x1d: {  	s22 =	simm.s32 $0x9;
	[dreg:$0xb] =	wrdreg s6;
	s6 =	sadd.s32 s24, s3  }
0x1e: {  	s24 =	simm.s32 $0xA000;
	[dreg:$0xc] =	wrdreg s6;
	s6 =	sadd.s32 s25, s5  }
0x1f: {  	v0 =	vimm.f32 $0.0e+00;
	v1 =	vimm.f32 $1.000000000e+00;
	s25 =	simm.s32 $0x12800;
	[dreg:$0xd] =	wrdreg s6;
	s6 =	simm.s32 $0x12000  }
.LBB2_23:
0x20: {  	_ =	swait.ge [sflag:s11], $0x2000  }
0x21: {  	[sflag:s11] =	ssyncset.done $0x0  }
0x22: {  	[sflag:s11] =	ssyncadd.s32 $0xFFFFE000  }
0x23: {  	_ =	swait.ge [sflag:s29], $0x2000  }
0x24: {  	[sflag:s29] =	ssyncset.done $0x0  }
0x25: {  	[sflag:s29] =	ssyncadd.s32 $0xFFFFE000  }
0x26: {  	_ =	swait.ge [sflag:s29], $0x800  }
0x27: {  	[sflag:s29] =	ssyncset.done $0x0  }
0x28: {  	[sflag:s29] =	ssyncadd.s32 $0xFFFFF800  }
0x29: {  	_ =	swait.ge [sflag:s7], $0x2000  }
0x2a: {  	[sflag:s7] =	ssyncset.done $0x0  }
0x2b: {  	[sflag:s7] =	ssyncadd.s32 $0xFFFFE000  }
0x2c: {  	_ =	swait.ge [sflag:s12], $0x2000  }
0x2d: {  	[sflag:s12] =	ssyncset.done $0x0  }
0x2e: {  	[sflag:s12] =	ssyncadd.s32 $0xFFFFE000  }
0x2f: {  	_ =	swait.ge [sflag:s12], $0x800  }
0x30: {  	[sflag:s12] =	ssyncset.done $0x0  }
0x31: {  	[sflag:s12] =	ssyncadd.s32 $0xFFFFF800  }
.LBB2_24:
0x32: {  	s14 =	stileid.u32  }
0x33: {  	[bflag:$0x0] =	sbarrier.arrive $0xFFFF;
	s14 =	sshll.u32 s14, $0x6  }
0x34: {  	s15 =	sshrl.u32 s8, $0x3;
	s16 =	rddreg [dreg:$0xe];
	s14 =	sor.u32 $0x1C09, s14  }
0x35: {  	[hbm:s16], [sflag:s14] =	dma.local [spmem:s15], $0x1400  }
0x36: {  	s13 =	sadd.s32 $0x1, s13;
	_ =	swait.ge [sflag:s22], $0x1400  }
0x37: {  	s18 =	sshrl.u32 s9, $0x3;
	p1 =	sne.s32 s13, s20;
	[sflag:s22] =	ssyncset.done $0x0  }
.Ltmp1:
0x38: {  	s19 =	rddreg [dreg:$0xf];
	[sflag:s22] =	ssyncadd.s32 $0xFFFFEC00;
	(pc) =	sbr.rel @!p1 .LBB2_25-.Ltmp1, $4  }
0x39: {  	[hbm:s19], [sflag:s14] =	dma.local [spmem:s18], $0x500  }
0x3a: {  	_ =	swait.ge [sflag:s22], $0x500  }
0x3b: {  	[sflag:s22] =	ssyncset.done $0x0  }
0x3c: {  	[sflag:s22] =	ssyncadd.s32 $0xFFFFFB00  }
.LBB2_1:
0x3d: {  	s14 =	simm.s32 $0x0  }
0x3e: {  	[tilespmem:s14], [sflag:$0x9] =	stream.linear.gather [hbm4b:s21+s14], $0x5000, $0x38;
	[tilespmem:$0x1F800] =	vst v63  }
0x3f: {  	_ =	swait.ge [sflag:s22], $0x5000  }
0x40: {  	[sflag:s22] =	ssyncset.done $0x0  }
0x41: {  	s16 =	simm.s32 $0x5000;
	s15 =	rddreg [dreg:$0x5];
	[sflag:s22] =	ssyncadd.s32 $0xFFFFB000  }
0x42: {  	[tilespmem:s16], [sflag:$0x9] =	stream.linear.gather [hbm4b:s15+s14], $0x5000, $0x38;
	[tilespmem:$0x1F800] =	vst v63  }
0x43: {  	_ =	swait.ge [sflag:s22], $0x5000  }
0x44: {  	[sflag:s22] =	ssyncset.done $0x0  }
0x45: {  	s14 =	simm.s32 $0xA020;
	[sflag:s22] =	ssyncadd.s32 $0xFFFFB000  }
0x46: {  	[tilespmem:s14+$0xFFFFFFE0] =	vst v0  }
0x47: {  	[tilespmem:s14+$0x10] =	vst v0  }
0x48: {  	[tilespmem:s14+$0x0] =	vst v0  }
0x49: {  	s15 =	simm.s32 $0x40;
	s16 =	simm.s32 $0x0;
	[tilespmem:s14+$0xFFFFFFF0] =	vst v0  }
.LBB2_2:
0x4a: {  	p1 =	sne.s32 s15, $0x1FC0  }
0x4b: {  	[tilespmem:s16+$0x12800] =	vst v0;
	s14 =	sadd.s32 $0x40, s14;
	s17 =	smov.u32 s15;
	s15 =	sadd.s32 $0x40, s15  }
.Ltmp2:
0x4c: {  	[tilespmem:s16+$0x12000] =	vst v1;
	(pc) =	sbr.rel @p1 .LBB2_2-.Ltmp2, $4  }
0x4d: {  	[tilespmem:s14+$0xFFFFFFE0] =	vst v0  }
0x4e: {  	[tilespmem:s14+$0x10] =	vst v0  }
0x4f: {  	[tilespmem:s14+$0x0] =	vst v0  }
0x50: {  	s16 =	sshra.s32 s17, $0x2;
	[tilespmem:s14+$0xFFFFFFF0] =	vst v0  }
0x51: {  	[tilespmem:s16+$0x12800] =	vst v0  }
0x52: {  	[tilespmem:s16+$0x12000] =	vst v1  }
0x53: {  	[spmem:s8] =	stream.linear.scatter [tilespmem:s24], [sflag:$0x9], $0x2000, $0x38;
	[tilespmem:$0x1F800] =	vst v63  }
0x54: {  	_ =	swait.ge [sflag:s22], $0x2000  }
0x55: {  	[sflag:s22] =	ssyncset.done $0x0  }
0x56: {  	[sflag:s22] =	ssyncadd.s32 $0xFFFFE000  }
0x57: {  	[spmem:s9] =	stream.linear.scatter [tilespmem:s25], [sflag:$0x9], $0x800, $0x38;
	[tilespmem:$0x1F800] =	vst v63  }
0x58: {  	_ =	swait.ge [sflag:s22], $0x800  }
0x59: {  	[sflag:s22] =	ssyncset.done $0x0  }
0x5a: {  	s14 =	rddreg [dreg:$0x6];
	[sflag:s22] =	ssyncadd.s32 $0xFFFFF800  }
0x5b: {  	[spmem:s14] =	stream.linear.scatter [tilespmem:s24], [sflag:$0x9], $0x2000, $0x38;
	[tilespmem:$0x1F800] =	vst v63  }
0x5c: {  	_ =	swait.ge [sflag:s22], $0x2000  }
0x5d: {  	[sflag:s22] =	ssyncset.done $0x0  }
0x5e: {  	s17 =	rddreg [dreg:$0x7];
	[sflag:s22] =	ssyncadd.s32 $0xFFFFE000  }
0x5f: {  	[spmem:s17] =	stream.linear.scatter [tilespmem:s25], [sflag:$0x9], $0x800, $0x38;
	[tilespmem:$0x1F800] =	vst v63  }
0x60: {  	_ =	swait.ge [sflag:s22], $0x800  }
0x61: {  	[sflag:s22] =	ssyncset.done $0x0  }
0x62: {  	s18 =	rddreg [dreg:$0x8];
	[sflag:s22] =	ssyncadd.s32 $0xFFFFF800  }
0x63: {  	[spmem:s18] =	stream.linear.scatter [tilespmem:s24], [sflag:$0x9], $0x2000, $0x38;
	[tilespmem:$0x1F800] =	vst v63  }
0x64: {  	_ =	swait.ge [sflag:s22], $0x2000  }
0x65: {  	[sflag:s22] =	ssyncset.done $0x0  }
0x66: {  	s19 =	rddreg [dreg:$0x9];
	[sflag:s22] =	ssyncadd.s32 $0xFFFFE000  }
0x67: {  	[spmem:s19] =	stream.linear.scatter [tilespmem:s25], [sflag:$0x9], $0x800, $0x38;
	[tilespmem:$0x1F800] =	vst v63  }
0x68: {  	_ =	swait.ge [sflag:s22], $0x800  }
0x69: {  	[sflag:s22] =	ssyncset.done $0x0  }
0x6a: {  	s15 =	rddreg [dreg:$0xa];
	[sflag:s22] =	ssyncadd.s32 $0xFFFFF800  }
0x6b: {  	[spmem:s15] =	stream.linear.scatter [tilespmem:s24], [sflag:$0x9], $0x2000, $0x38;
	[tilespmem:$0x1F800] =	vst v63  }
0x6c: {  	_ =	swait.ge [sflag:s22], $0x2000  }
0x6d: {  	[sflag:s22] =	ssyncset.done $0x0  }
0x6e: {  	s16 =	rddreg [dreg:$0xb];
	[sflag:s22] =	ssyncadd.s32 $0xFFFFE000  }
0x6f: {  	[spmem:s16] =	stream.linear.scatter [tilespmem:s25], [sflag:$0x9], $0x800, $0x38;
	[tilespmem:$0x1F800] =	vst v63  }
0x70: {  	_ =	swait.ge [sflag:s22], $0x800  }
0x71: {  	[sflag:s22] =	ssyncset.done $0x0  }
0x72: {  	s17 =	rddreg [dreg:$0xc];
	[sflag:s22] =	ssyncadd.s32 $0xFFFFF800  }
0x73: {  	[spmem:s17] =	stream.linear.scatter [tilespmem:s24], [sflag:$0x9], $0x2000, $0x38;
	[tilespmem:$0x1F800] =	vst v63  }
0x74: {  	_ =	swait.ge [sflag:s22], $0x2000  }
0x75: {  	[sflag:s22] =	ssyncset.done $0x0  }
0x76: {  	s18 =	rddreg [dreg:$0xd];
	[sflag:s22] =	ssyncadd.s32 $0xFFFFE000  }
0x77: {  	[spmem:s18] =	stream.linear.scatter [tilespmem:s25], [sflag:$0x9], $0x800, $0x38;
	[tilespmem:$0x1F800] =	vst v63  }
0x78: {  	_ =	swait.ge [sflag:s22], $0x800  }
0x79: {  	[sflag:s22] =	ssyncset.done $0x0  }
0x7a: {  	[sflag:s22] =	ssyncadd.s32 $0xFFFFF800  }
0x7b: {  	s14 =	simm.s32 $0x0;
	[bflag:$0x0] =	sbarrier.arrive $0xFFFF  }
0x7c: {  	[tilespmem:s24], [sflag:$0x1] =	stream.indirect.gather [hbm4b:s1+s26], $0x40, s14, s26, $0xb8;
	[tilespmem:$0x1F800] =	vst v63  }
0x7d: {  	_ = 	snop  }
0x7e: {  	[tilespmem:s28], [sflag:$0x2] =	stream.indirect.gather [hbm4b:s1+s26], $0x40, s26, s26, $0xb8;
	[tilespmem:$0x1F800] =	vst v63  }
.Ltmp3:
0x7f: {  	_ = 	snop;
	(pc) =	sbr.rel .LBB2_4-.Ltmp3, $4  }
0x80: {  	s15 =	simm.s32 $0x100  }
0x81: {  	[tilespmem:s30], [sflag:$0x3] =	stream.indirect.gather [hbm4b:s1+s26], $0x40, s15, s26, $0xb8;
	[tilespmem:$0x1F800] =	vst v63  }
0x82: {  	s19 =	simm.s32 $0x180;
	s15 =	simm.s32 $0x27  }
0x83: {  	[tilespmem:s2], [sflag:$0x4] =	stream.indirect.gather [hbm4b:s1+s26], $0x40, s19, s26, $0xb8;
	[tilespmem:$0x1F800] =	vst v63  }
.LBB2_21:
0x84: {  	s16 =	sadd.s32 $0x380, s16;
	s14 =	sadd.s32 $0x800, s14;
	s15 =	sadd.s32 $0xFFFFFFFF, s15  }
0x85: {  	[tilespmem:s2], [sflag:$0x4] =	stream.indirect.gather [hbm4b:s1+s26], $0x40, s16, s26, $0xb8;
	[tilespmem:$0x1F800] =	vst v63  }
.LBB2_4:
0x86: {  	_ =	swait.ge [sflag:s0], $0x2000  }
0x87: {  	s16 =	sshra.s32 s14, $0x2;
	[sflag:s0] =	ssyncset.done $0x0  }
0x88: {  	s17 =	sadd.s32 $0x5000, s16;
	[sflag:s0] =	ssyncadd.s32 $0xFFFFE000  }
0x89: {  	[spmem:s3] =	stream.indirect.scatter.add.f32 [tilespmem:s24], [sflag:$0x5], $0x40, s17, s26, $0xb8;
	[tilespmem:$0x1F800] =	vst v63  }
0x8a: {  	s18 =	simm.s32 @!p0 $0x80;
	s19 =	simm.s32 @!p0 $0x12000;
	p1 =	seq.s32 s15, $0x0  }
0x8b: {  	[spmem:s5] =	stream.indirect.scatter.add.f32 @!p0 [tilespmem:s19], [sflag:$0x5], $0x10, s17, s18, $0xb8;
	[tilespmem:$0x1F800] =	vst v63  }
0x8c: {  	s17 =	simm.s32 @!p1 $0x5  }
0x8d: {  	p2 =	sne.s32 @!p1 s4, $0x0;
	_ =	swait.ge @!p1 [sflag:s17], $0x2000  }
0x8e: {  	p2 =	por p2, p1;
	[sflag:s17] =	ssyncset.done @!p1 $0x0  }
0x8f: {  	[sflag:s17] =	ssyncadd.s32 @!p1 $0xFFFFE000;
	s17 =	simm.s32 @!p2 $0x5  }
0x90: {  	_ =	swait.ge @!p2 [sflag:s17], $0x800  }
0x91: {  	[sflag:s17] =	ssyncset.done @!p2 $0x0  }
0x92: {  	[sflag:s17] =	ssyncadd.s32 @!p2 $0xFFFFF800;
	s17 =	sshra.s32 @!p1 s14, $0x2  }
0x93: {  	s18 =	simm.s32 @!p1 $0x80;
	s19 =	simm.s32 @!p1 $0xA000;
	s17 =	sadd.s32 @!p1 $0x200, s17  }
0x94: {  	[tilespmem:s19], [sflag:$0x1] =	stream.indirect.gather @!p1 [hbm4b:s1+s18], $0x40, s17, s18, $0xb8;
	[tilespmem:$0x1F800] =	vst v63  }
.Ltmp4:
0x95: {  	_ = 	snop;
	(pc) =	sbr.rel @p0 .LBB2_7-.Ltmp4, $4  }
0x96: {  	_ =	swait.ge [sflag:s23], $0x2000  }
0x97: {  	[sflag:s23] =	ssyncset.done $0x0  }
0x98: {  	s17 =	sadd.s32 $0x5080, s16;
	[sflag:s23] =	ssyncadd.s32 $0xFFFFE000  }
0x99: {  	[spmem:s3] =	stream.indirect.scatter.add.f32 [tilespmem:s28], [sflag:$0x6], $0x40, s17, s26, $0xb8;
	[tilespmem:$0x1F800] =	vst v63  }
.Ltmp5:
0x9a: {  	(pc) =	sbr.rel @p1 .LBB2_10-.Ltmp5, $1  }
0x9b: {  	_ =	sdelay $0x3  }
.Ltmp6:
0x9c: {  	(pc) =	sbr.rel .LBB2_9-.Ltmp6, $4  }
0x9d: {  	_ = 	snop  }
0x9e: {  	_ =	swait.ge [sflag:s29], $0x2000  }
0x9f: {  	[sflag:s29] =	ssyncset.done $0x0  }
0xa0: {  	[sflag:s29] =	ssyncadd.s32 $0xFFFFE000  }
.LBB2_7:
.Ltmp7:
0xa1: {  	(pc) =	sbr.rel @p1 .LBB2_10-.Ltmp7, $2  }
0xa2: {  	_ =	sdelay $0x2  }
0xa3: {  	[spmem:s5] =	stream.indirect.scatter.add.f32 [tilespmem:s6], [sflag:$0x6], $0x10, s17, s26, $0xb8;
	[tilespmem:$0x1F800] =	vst v63  }
0xa4: {  	_ =	swait.ge [sflag:s29], $0x2000  }
0xa5: {  	[sflag:s29] =	ssyncset.done $0x0  }
0xa6: {  	[sflag:s29] =	ssyncadd.s32 $0xFFFFE000  }
0xa7: {  	_ =	swait.ge [sflag:s29], $0x800  }
0xa8: {  	[sflag:s29] =	ssyncset.done $0x0  }
0xa9: {  	[sflag:s29] =	ssyncadd.s32 $0xFFFFF800  }
.LBB2_9:
0xaa: {  	s17 =	sadd.s32 $0x280, s16  }
0xab: {  	[tilespmem:s28], [sflag:$0x2] =	stream.indirect.gather [hbm4b:s1+s26], $0x40, s17, s26, $0xb8;
	[tilespmem:$0x1F800] =	vst v63  }
.LBB2_10:
.Ltmp8:
0xac: {  	(pc) =	sbr.rel @p0 .LBB2_13-.Ltmp8, $4  }
0xad: {  	_ =	swait.ge [sflag:s31], $0x2000  }
0xae: {  	[sflag:s31] =	ssyncset.done $0x0  }
0xaf: {  	s17 =	sadd.s32 $0x5100, s16;
	[sflag:s31] =	ssyncadd.s32 $0xFFFFE000  }
0xb0: {  	[spmem:s3] =	stream.indirect.scatter.add.f32 [tilespmem:s30], [sflag:$0x7], $0x40, s17, s26, $0xb8;
	[tilespmem:$0x1F800] =	vst v63  }
.Ltmp9:
0xb1: {  	(pc) =	sbr.rel @p1 .LBB2_16-.Ltmp9, $2  }
0xb2: {  	_ =	sdelay $0x2  }
0xb3: {  	[spmem:s5] =	stream.indirect.scatter.add.f32 [tilespmem:s6], [sflag:$0x7], $0x10, s17, s26, $0xb8;
	[tilespmem:$0x1F800] =	vst v63  }
0xb4: {  	_ =	swait.ge [sflag:s7], $0x2000  }
.Ltmp10:
0xb5: {  	[sflag:s7] =	ssyncset.done $0x0;
	(pc) =	sbr.rel .LBB2_15-.Ltmp10, $4  }
0xb6: {  	[sflag:s7] =	ssyncadd.s32 $0xFFFFE000  }
0xb7: {  	_ =	swait.ge [sflag:s7], $0x800  }
0xb8: {  	[sflag:s7] =	ssyncset.done $0x0  }
0xb9: {  	[sflag:s7] =	ssyncadd.s32 $0xFFFFF800  }
.LBB2_13:
.Ltmp11:
0xba: {  	(pc) =	sbr.rel @p1 .LBB2_16-.Ltmp11, $1  }
0xbb: {  	_ =	sdelay $0x3  }
0xbc: {  	_ =	swait.ge [sflag:s7], $0x2000  }
0xbd: {  	[sflag:s7] =	ssyncset.done $0x0  }
0xbe: {  	[sflag:s7] =	ssyncadd.s32 $0xFFFFE000  }
.LBB2_15:
0xbf: {  	s17 =	sadd.s32 $0x300, s16  }
0xc0: {  	[tilespmem:s30], [sflag:$0x3] =	stream.indirect.gather [hbm4b:s1+s26], $0x40, s17, s26, $0xb8;
	[tilespmem:$0x1F800] =	vst v63  }
.LBB2_16:
.Ltmp12:
0xc1: {  	(pc) =	sbr.rel @p0 .LBB2_19-.Ltmp12, $4  }
0xc2: {  	_ =	swait.ge [sflag:s10], $0x2000  }
0xc3: {  	[sflag:s10] =	ssyncset.done $0x0  }
0xc4: {  	s17 =	sadd.s32 $0x5180, s16;
	[sflag:s10] =	ssyncadd.s32 $0xFFFFE000  }
0xc5: {  	[spmem:s3] =	stream.indirect.scatter.add.f32 [tilespmem:s2], [sflag:$0x8], $0x40, s17, s26, $0xb8;
	[tilespmem:$0x1F800] =	vst v63  }
.Ltmp13:
0xc6: {  	(pc) =	sbr.rel @p1 .LBB2_22-.Ltmp13, $1  }
0xc7: {  	_ =	sdelay $0x3  }
.Ltmp14:
0xc8: {  	(pc) =	sbr.rel .LBB2_21-.Ltmp14, $4  }
0xc9: {  	_ = 	snop  }
0xca: {  	_ =	swait.ge [sflag:s12], $0x2000  }
0xcb: {  	[sflag:s12] =	ssyncset.done $0x0  }
0xcc: {  	[sflag:s12] =	ssyncadd.s32 $0xFFFFE000  }
.LBB2_19:
.Ltmp15:
0xcd: {  	(pc) =	sbr.rel @p1 .LBB2_23-.Ltmp15, $2  }
0xce: {  	_ =	sdelay $0x2  }
0xcf: {  	[spmem:s5] =	stream.indirect.scatter.add.f32 [tilespmem:s6], [sflag:$0x8], $0x10, s17, s26, $0xb8;
	[tilespmem:$0x1F800] =	vst v63  }
0xd0: {  	_ =	swait.ge [sflag:s12], $0x2000  }
.Ltmp16:
0xd1: {  	[sflag:s12] =	ssyncset.done $0x0;
	(pc) =	sbr.rel .LBB2_21-.Ltmp16, $4  }
0xd2: {  	[sflag:s12] =	ssyncadd.s32 $0xFFFFE000  }
0xd3: {  	_ =	swait.ge [sflag:s12], $0x800  }
0xd4: {  	[sflag:s12] =	ssyncset.done $0x0  }
0xd5: {  	[sflag:s12] =	ssyncadd.s32 $0xFFFFF800  }
.LBB2_22:
0xd6: {  	_ =	swait.ge [sflag:s11], $0x2000  }
0xd7: {  	[sflag:s11] =	ssyncset.done $0x0  }
0xd8: {  	[sflag:s11] =	ssyncadd.s32 $0xFFFFE000  }
0xd9: {  	_ =	swait.ge [sflag:s11], $0x800  }
0xda: {  	[sflag:s11] =	ssyncset.done $0x0  }
0xdb: {  	[sflag:s11] =	ssyncadd.s32 $0xFFFFF800  }
0xdc: {  	_ =	swait.ge [sflag:s29], $0x2000  }
0xdd: {  	[sflag:s29] =	ssyncset.done $0x0  }
0xde: {  	[sflag:s29] =	ssyncadd.s32 $0xFFFFE000  }
0xdf: {  	_ =	swait.ge [sflag:s7], $0x2000  }
0xe0: {  	[sflag:s7] =	ssyncset.done $0x0  }
0xe1: {  	[sflag:s7] =	ssyncadd.s32 $0xFFFFE000  }
0xe2: {  	_ =	swait.ge [sflag:s7], $0x800  }
.Ltmp17:
0xe3: {  	[sflag:s7] =	ssyncset.done $0x0;
	(pc) =	sbr.rel .LBB2_24-.Ltmp17, $4  }
0xe4: {  	[sflag:s7] =	ssyncadd.s32 $0xFFFFF800  }
0xe5: {  	_ =	swait.ge [sflag:s12], $0x2000  }
0xe6: {  	[sflag:s12] =	ssyncset.done $0x0  }
0xe7: {  	[sflag:s12] =	ssyncadd.s32 $0xFFFFE000  }
.LBB2_25:
0xe8: {  	_ =	sfence.sel $0x180000  }
0xe9: {  	[bflag:$0x0] =	sbarrier.arrive $0xFFFF  }
0xea: {  	_ =	strace $0x90000047  }
0xeb: {  	s0 =	stileid.u32;
	[bflag:$0x2] =	sbarrier.arrive $0xFFFF  }
0xec: {  	p0 =	sne.s32 s0, $0x0;
	s0 =	rddreg [dreg:$0x4]  }
0xed: {  	s0 =	sadd.s32 @!p0 $0x100000, s0  }
0xee: {  	[sflag:s0] =	ssyncadd.tile.s32 @!p0 $0x1;
	_ =	shalt  }
.Lfunc_end2:
_tile_overlayer_lowered:
.L_overlay_start_2:
0xef: {  	(tag) =	ssettag $0x2  }
0xf0: {  	s0 =	rddreg [dreg:$0x0];
	s2 =	stileid.u32  }
0xf1: {  	s1 =	rddreg [dreg:$0x1];
	p0 =	sne.s32 s2, $0x0  }
0xf2: {  	s3 =	rddreg [dreg:$0x2];
	[bflag:$0x3] =	sbarrier.arrive $0xFFFF;
	s2 =	simm.s32 @!p0 $0x1C09  }
0xf3: {  	[timem:s3], [sflag:s2] =	dma.local @!p0 [hbm:s0], s1  }
0xf4: {  	s0 =	simm.s32 @!p0 $0x9  }
0xf5: {  	_ =	swait.ge @!p0 [sflag:s0], s1  }
0xf6: {  	s1 =	ssub.s32 @!p0 $0x0, s1;
	[sflag:s0] =	ssyncset.done @!p0 $0x0  }
0xf7: {  	[sflag:s0] =	ssyncadd.s32 @!p0 s1  }
0xf8: {  	[bflag:$0x3] =	sbarrier.arrive $0xFFFF  }
0xf9: {  	_ =	shalt  }

</sc_bundles>
